<compile_context>
chip_gen: v7x
topology: tpu7x:2x2x1
jax: 0.10.2.dev20260603
libtpu: 0.0.44.dev20260713+nightly
codegen_flags: <defaults>
</compile_context>

<pallas_src>
import functools

import numpy as np
import jax
import jax.numpy as jnp
from jax import lax
from jax.experimental import pallas as pl
from jax.experimental.pallas import tpu as pltpu
from jax.experimental.pallas import tpu_sc as plsc

MAX_T = 1024
EMB_D = 256
NUM_FREQS = 10
OUT_D = EMB_D + 2 * NUM_FREQS
PAD_D = 280


def _table_body(emb_ref, out_ref):
    emb = emb_ref[:]
    t = lax.broadcasted_iota(jnp.int32, (MAX_T, NUM_FREQS), 0).astype(jnp.float32)
    j = lax.broadcasted_iota(jnp.int32, (MAX_T, NUM_FREQS), 1).astype(jnp.float32)
    raw = t * jnp.exp2(j) * np.float32(np.pi / MAX_T)
    pad = jnp.zeros((MAX_T, PAD_D - OUT_D), jnp.float32)
    out_ref[:] = jnp.concatenate([emb, jnp.sin(raw), jnp.cos(raw), pad], axis=1)


def _build_table(embed_table):
    return pl.pallas_call(
        _table_body,
        out_shape=jax.ShapeDtypeStruct((MAX_T, PAD_D), jnp.float32),
    )(embed_table)


def _sc_gather(idx, table):
    n = idx.shape[0]
    info = plsc.get_sparse_core_info()
    nc, ns, nl = info.num_cores, info.num_subcores, info.num_lanes
    nw = nc * ns
    b_per_w = n // nw
    chunk = 64
    n_chunks = b_per_w // chunk
    n_vec = OUT_D // nl
    mesh = plsc.VectorSubcoreMesh(core_axis_name="c", subcore_axis_name="s")

    frames = 16
    rows_pc = chunk // frames
    row_d = frames * OUT_D

    @functools.partial(
        pl.kernel,
        out_type=jax.ShapeDtypeStruct((n // frames, row_d), jnp.float32),
        mesh=mesh,
        scratch_types=[
            pltpu.VMEM((b_per_w,), jnp.int32),
            pltpu.VMEM((2, chunk, PAD_D), jnp.float32),
            pltpu.VMEM((2, rows_pc, row_d), jnp.float32),
            pltpu.VMEM_SHARED((MAX_T, PAD_D), jnp.float32),
            pltpu.SemaphoreType.DMA,
            pltpu.SemaphoreType.DMA,
            pltpu.SemaphoreType.DMA,
            pltpu.SemaphoreType.DMA,
        ],
        compiler_params=pltpu.CompilerParams(use_tc_tiling_on_sc=False),
    )
    def gather_kernel(
        idx_hbm, table_hbm, out_hbm, idx_v, rows_v, flat_v, shared_v, g0, g1, w0, w1
    ):
        gsem = (g0, g1)
        wsem = (w0, w1)
        sid = lax.axis_index("s")
        wid = sid * nc + lax.axis_index("c")
        base = wid * b_per_w

        @pl.when(sid == 0)
        def _():
            pltpu.sync_copy(table_hbm, shared_v)

        plsc.subcore_barrier()
        pltpu.sync_copy(idx_hbm.at[pl.ds(base, b_per_w)], idx_v)

        def start_gather(k, b):
            pltpu.async_copy(
                shared_v.at[idx_v.at[pl.ds(k * chunk, chunk)]],
                rows_v.at[b],
                gsem[b],
            )

        def wait_gather(b):
            pltpu.make_async_copy(
                table_hbm.at[pl.ds(0, chunk)], rows_v.at[b], gsem[b]
            ).wait()

        def start_write(k, b):
            pltpu.async_copy(
                flat_v.at[b],
                out_hbm.at[pl.ds((base + k * chunk) // frames, rows_pc)],
                wsem[b],
            )

        def wait_write(b):
            pltpu.make_async_copy(
                flat_v.at[b], out_hbm.at[pl.ds(0, rows_pc)], wsem[b]
            ).wait()

        start_gather(0, 0)

        def outer(i, carry):
            k0 = i * 2
            for b in range(2):
                k = k0 + b

                @pl.when(k + 1 < n_chunks)
                def _():
                    start_gather(k + 1, 1 - b)

                wait_gather(b)

                @pl.when(k >= 2)
                def _():
                    wait_write(b)

                @plsc.parallel_loop(0, chunk, unroll=4)
                def row_body(r):
                    q = r // frames
                    dst = (r % frames) * OUT_D
                    for v in range(n_vec):
                        flat_v[b, q, pl.ds(dst + v * nl, nl)] = rows_v[
                            b, r, pl.ds(v * nl, nl)
                        ]
                    flat_v[b, q, pl.ds(dst + OUT_D - nl, nl)] = rows_v[
                        b, r, pl.ds(OUT_D - nl, nl)
                    ]
                start_write(k, b)
            return carry

        lax.fori_loop(0, n_chunks // 2, outer, 0)
        wait_write(0)
        wait_write(1)

    return gather_kernel(idx, table)


def kernel(delta_t, embed_table):
    idx = delta_t.reshape(-1).astype(jnp.int32)
    fused = _build_table(embed_table)
    return _sc_gather(idx, fused)

# --- scband reference (transcript-rebuilt; emitter-appended) ---
"""Pipeline reference for scband-temporal-difference-encoder-71107478553146 (READ-ONLY COPY).

The authoritative reference and input builder live on the scoring server;
editing this copy changes nothing except your own understanding.
"""

import jax, jax.numpy as jnp
import numpy as np

MAX_NUM_FRAMES = 1024
NUM_FRAMES_PER_VIDEO = 16
BATCH = 16384
D = 256

def _fourier_coefs(max_num_frames, skip_small_t_freqs=0):
    time_resolution = 2 ** np.ceil(np.log2(max_num_frames))
    num_fourier_feats = int(np.ceil(np.log2(time_resolution)))
    powers = (2.0 ** np.arange(num_fourier_feats)).astype(np.float32)
    powers = powers[:len(powers) - skip_small_t_freqs] if skip_small_t_freqs > 0 else powers
    coefs = powers[None, :] * np.pi / time_resolution
    return jnp.asarray(coefs, dtype=jnp.float32)  # [1, num_feats]

def setup_inputs(seed: int = 0) -> dict:
    key = jax.random.key(seed)
    k1, k2 = jax.random.split(key)
    delta_t = jax.random.randint(k1, (BATCH, NUM_FRAMES_PER_VIDEO), 0, MAX_NUM_FRAMES, dtype=jnp.int64 if jax.config.jax_enable_x64 else jnp.int32)
    embed_table = jax.random.normal(k2, (MAX_NUM_FRAMES, D), dtype=jnp.float32)
    return {"delta_t": delta_t, "embed_table": embed_table}

def reference(delta_t, embed_table):
    batch_size = delta_t.shape[0]
    t_diffs = delta_t.reshape(-1)  # [B*F]
    # const embedding lookup: round(float) -> long -> gather
    idx = jnp.round(t_diffs.astype(jnp.float32)).astype(jnp.int32)
    const_embs = jnp.take(embed_table, idx, axis=0)  # [B*F, 256]
    # fixed fourier time encoding
    coefs = _fourier_coefs(MAX_NUM_FRAMES)  # [1, 10]
    t = t_diffs.astype(jnp.float32)
    fourier_raw = coefs * t[:, None]  # [B*F, 10]
    fourier_embs = jnp.concatenate([jnp.sin(fourier_raw), jnp.cos(fourier_raw)], axis=1)  # [B*F, 20]
    out = jnp.concatenate([const_embs, fourier_embs], axis=1)  # [B*F, 276]
    out = out.reshape(batch_size, -1)  # [B, F*276]
    return out

if __name__ == "__main__":
    import jax
    _d = setup_inputs()
    print(jax.jit(kernel)(*tuple(_d.values())))

</pallas_src>

<mosaic_0001>
#map = affine_map<(d0, d1) -> (0)>
#map1 = affine_map<(d0, d1) -> (0, 0)>
module attributes {stable_mosaic.version = 14 : i64} {
  func.func @gather_kernel(%arg0: i32, %arg1: i32, %arg2: memref<262144xi32, #tpu.memory_space<hbm>>, %arg3: memref<1024x280xf32, #tpu.memory_space<hbm>>, %arg4: memref<16384x4416xf32, #tpu.memory_space<hbm>>, %arg5: memref<8192xi32, #tpu.memory_space<vmem>>, %arg6: memref<2x64x280xf32, #tpu.memory_space<vmem>>, %arg7: memref<2x4x4416xf32, #tpu.memory_space<vmem>>, %arg8: memref<1024x280xf32, #tpu.memory_space<vmem_shared>>, %arg9: memref<!tpu.dma_semaphore, #tpu.memory_space<semaphore_mem>>, %arg10: memref<!tpu.dma_semaphore, #tpu.memory_space<semaphore_mem>>, %arg11: memref<!tpu.dma_semaphore, #tpu.memory_space<semaphore_mem>>, %arg12: memref<!tpu.dma_semaphore, #tpu.memory_space<semaphore_mem>>) attributes {dimension_semantics = [#tpu.dimension_semantics<core_parallel>, #tpu.dimension_semantics<subcore_parallel>], iteration_bounds = array<i64: 2, 16>, scalar_prefetch = 0 : i64, scratch_operands = 8 : i64, tpu.core_type = #tpu.core_type<sc_vector_subcore>, window_params = [{transform_indices = #map}, {transform_indices = #map1}, {transform_indices = #map1}]} {
    %mul3A = arith.constant 2 : i32
    %mul3A_0 = arith.muli %arg1, %mul3A : i32
    %add3A = arith.addi %mul3A_0, %arg0 : i32
    %mul3A_1 = arith.constant 8192 : i32
    %mul3A_2 = arith.muli %add3A, %mul3A_1 : i32
    %eq3A = arith.constant 0 : i32
    %eq3A_3 = arith.cmpi eq, %arg1, %eq3A : i32
    %convert_element_type3A = arith.extui %eq3A_3 : i1 to i32
    %cond3A = arith.constant 0 : i32
    %cond3A_4 = arith.cmpi ne, %convert_element_type3A, %cond3A : i32
    scf.if %cond3A_4 {
      "tpu.region"() ({
        %run_scoped3A = tpu.sem_alloc : memref<!tpu.dma_semaphore, #tpu.memory_space<semaphore_mem>>
        tpu.enqueue_dma source(%arg3 : memref<1024x280xf32, #tpu.memory_space<hbm>>) target(%arg8 : memref<1024x280xf32, #tpu.memory_space<vmem_shared>>) target_semaphore(%run_scoped3A : memref<!tpu.dma_semaphore, #tpu.memory_space<semaphore_mem>>)
        tpu.wait_dma2 semaphore(%run_scoped3A : memref<!tpu.dma_semaphore, #tpu.memory_space<semaphore_mem>>) src(%arg3 : memref<1024x280xf32, #tpu.memory_space<hbm>>) dst(%arg8 : memref<1024x280xf32, #tpu.memory_space<vmem_shared>>)
        tpu.yield
      }) : () -> ()
    } else {
    }
    %barrier3A = arith.constant 0 : index
    tpu.barrier barrier_id(%barrier3A)
    "tpu.region"() ({
      %run_scoped3A = tpu.sem_alloc : memref<!tpu.dma_semaphore, #tpu.memory_space<semaphore_mem>>
      %dma_start3A_48 = tpu.memref_slice %arg2[%mul3A_2] : memref<262144xi32, #tpu.memory_space<hbm>> -> memref<8192xi32, #tpu.memory_space<hbm>>
      %dma_start3A_49 = tpu.memref_slice %arg2[%mul3A_2] : memref<262144xi32, #tpu.memory_space<hbm>> -> memref<8192xi32, #tpu.memory_space<hbm>>
      tpu.enqueue_dma source(%dma_start3A_49 : memref<8192xi32, #tpu.memory_space<hbm>>) target(%arg5 : memref<8192xi32, #tpu.memory_space<vmem>>) target_semaphore(%run_scoped3A : memref<!tpu.dma_semaphore, #tpu.memory_space<semaphore_mem>>)
      %dma_wait3A_50 = tpu.memref_slice %arg2[%mul3A_2] : memref<262144xi32, #tpu.memory_space<hbm>> -> memref<8192xi32, #tpu.memory_space<hbm>>
      %dma_wait3A_51 = tpu.memref_slice %arg2[%mul3A_2] : memref<262144xi32, #tpu.memory_space<hbm>> -> memref<8192xi32, #tpu.memory_space<hbm>>
      tpu.wait_dma2 semaphore(%run_scoped3A : memref<!tpu.dma_semaphore, #tpu.memory_space<semaphore_mem>>) src(%dma_wait3A_51 : memref<8192xi32, #tpu.memory_space<hbm>>) dst(%arg5 : memref<8192xi32, #tpu.memory_space<vmem>>)
      tpu.yield
    }) : () -> ()
    %dma_start3A = arith.constant 0 : i32
    %dma_start3A_5 = arith.constant 0 : i32
    %dma_start3A_6 = arith.constant 0 : i32
    %dma_start3A_7 = tpu.memref_slice %arg6[%dma_start3A, %dma_start3A_5, %dma_start3A_6] : memref<2x64x280xf32, #tpu.memory_space<vmem>> -> memref<1x64x280xf32, #tpu.memory_space<vmem>>
    %dma_start3A_8 = tpu.memref_squeeze %dma_start3A_7 : memref<1x64x280xf32, #tpu.memory_space<vmem>> -> memref<64x280xf32, #tpu.memory_space<vmem>>
    %dma_start3A_9 = arith.constant 0 : i32
    %dma_start3A_10 = tpu.memref_slice %arg5[%dma_start3A_9] : memref<8192xi32, #tpu.memory_space<vmem>> -> memref<64xi32, #tpu.memory_space<vmem>>
    %dma_start3A_11 = arith.constant 0 : i32
    %dma_start3A_12 = arith.constant 0 : i32
    %dma_start3A_13 = tpu.memref_slice %arg8[%dma_start3A_11, %dma_start3A_12] : memref<1024x280xf32, #tpu.memory_space<vmem_shared>> -> memref<1024x280xf32, #tpu.memory_space<vmem_shared>>
    tpu.enqueue_indirect_dma source(%dma_start3A_13 : memref<1024x280xf32, #tpu.memory_space<vmem_shared>>) target(%dma_start3A_8 : memref<64x280xf32, #tpu.memory_space<vmem>>) offsets(%dma_start3A_10 : memref<64xi32, #tpu.memory_space<vmem>>) semaphore(%arg9 : memref<!tpu.dma_semaphore, #tpu.memory_space<semaphore_mem>>)
    %scan3A = arith.constant 0 : i32
    %scan3A_14 = arith.constant 0 : i32
    %scan3A_15 = arith.constant 64 : i32
    %scan3A_16 = arith.addi %scan3A_14, %scan3A_15 : i32
    %scan3A_17 = arith.constant 1 : i32
    scf.for %scan3A_48 = %scan3A_14 to %scan3A_16 step %scan3A_17  : i32 {
      %mul3A_49 = arith.constant 2 : i32
      %mul3A_50 = arith.muli %scan3A_48, %mul3A_49 : i32
      %add3A_51 = arith.constant 0 : i32
      %add3A_52 = arith.addi %mul3A_50, %add3A_51 : i32
      %add3A_53 = arith.constant 1 : i32
      %add3A_54 = arith.addi %add3A_52, %add3A_53 : i32
      %lt3A = arith.constant 128 : i32
      %lt3A_55 = arith.cmpi slt, %add3A_54, %lt3A : i32
      %convert_element_type3A_56 = arith.extui %lt3A_55 : i1 to i32
      %cond3A_57 = arith.constant 0 : i32
      %cond3A_58 = arith.cmpi ne, %convert_element_type3A_56, %cond3A_57 : i32
      scf.if %cond3A_58 {
        %add3A_184 = arith.constant 1 : i32
        %add3A_185 = arith.addi %add3A_52, %add3A_184 : i32
        %mul3A_186 = arith.constant 64 : i32
        %mul3A_187 = arith.muli %add3A_185, %mul3A_186 : i32
        %dma_start3A_188 = arith.constant 1 : i32
        %dma_start3A_189 = arith.constant 0 : i32
        %dma_start3A_190 = arith.constant 0 : i32
        %dma_start3A_191 = tpu.memref_slice %arg6[%dma_start3A_188, %dma_start3A_189, %dma_start3A_190] : memref<2x64x280xf32, #tpu.memory_space<vmem>> -> memref<1x64x280xf32, #tpu.memory_space<vmem>>
        %dma_start3A_192 = tpu.memref_squeeze %dma_start3A_191 : memref<1x64x280xf32, #tpu.memory_space<vmem>> -> memref<64x280xf32, #tpu.memory_space<vmem>>
        %dma_start3A_193 = tpu.memref_slice %arg5[%mul3A_187] : memref<8192xi32, #tpu.memory_space<vmem>> -> memref<64xi32, #tpu.memory_space<vmem>>
        %dma_start3A_194 = arith.constant 0 : i32
        %dma_start3A_195 = arith.constant 0 : i32
        %dma_start3A_196 = tpu.memref_slice %arg8[%dma_start3A_194, %dma_start3A_195] : memref<1024x280xf32, #tpu.memory_space<vmem_shared>> -> memref<1024x280xf32, #tpu.memory_space<vmem_shared>>
        tpu.enqueue_indirect_dma source(%dma_start3A_196 : memref<1024x280xf32, #tpu.memory_space<vmem_shared>>) target(%dma_start3A_192 : memref<64x280xf32, #tpu.memory_space<vmem>>) offsets(%dma_start3A_193 : memref<64xi32, #tpu.memory_space<vmem>>) semaphore(%arg10 : memref<!tpu.dma_semaphore, #tpu.memory_space<semaphore_mem>>)
      } else {
      }
      %dma_wait3A_59 = arith.constant 0 : i32
      %dma_wait3A_60 = arith.constant 0 : i32
      %dma_wait3A_61 = arith.constant 0 : i32
      %dma_wait3A_62 = tpu.memref_slice %arg6[%dma_wait3A_59, %dma_wait3A_60, %dma_wait3A_61] : memref<2x64x280xf32, #tpu.memory_space<vmem>> -> memref<1x64x280xf32, #tpu.memory_space<vmem>>
      %dma_wait3A_63 = tpu.memref_squeeze %dma_wait3A_62 : memref<1x64x280xf32, #tpu.memory_space<vmem>> -> memref<64x280xf32, #tpu.memory_space<vmem>>
      %dma_wait3A_64 = arith.constant 0 : i32
      %dma_wait3A_65 = arith.constant 0 : i32
      %dma_wait3A_66 = tpu.memref_slice %arg3[%dma_wait3A_64, %dma_wait3A_65] : memref<1024x280xf32, #tpu.memory_space<hbm>> -> memref<64x280xf32, #tpu.memory_space<hbm>>
      %dma_wait3A_67 = arith.constant 0 : i32
      %dma_wait3A_68 = arith.constant 0 : i32
      %dma_wait3A_69 = tpu.memref_slice %arg6[%dma_wait3A_59, %dma_wait3A_67, %dma_wait3A_68] : memref<2x64x280xf32, #tpu.memory_space<vmem>> -> memref<1x64x280xf32, #tpu.memory_space<vmem>>
      %dma_wait3A_70 = tpu.memref_squeeze %dma_wait3A_69 : memref<1x64x280xf32, #tpu.memory_space<vmem>> -> memref<64x280xf32, #tpu.memory_space<vmem>>
      %dma_wait3A_71 = arith.constant 0 : i32
      %dma_wait3A_72 = arith.constant 0 : i32
      %dma_wait3A_73 = tpu.memref_slice %arg3[%dma_wait3A_71, %dma_wait3A_72] : memref<1024x280xf32, #tpu.memory_space<hbm>> -> memref<64x280xf32, #tpu.memory_space<hbm>>
      tpu.wait_dma2 semaphore(%arg9 : memref<!tpu.dma_semaphore, #tpu.memory_space<semaphore_mem>>) src(%dma_wait3A_73 : memref<64x280xf32, #tpu.memory_space<hbm>>) dst(%dma_wait3A_70 : memref<64x280xf32, #tpu.memory_space<vmem>>)
      %ge3A = arith.constant 2 : i32
      %ge3A_74 = arith.cmpi sge, %add3A_52, %ge3A : i32
      %convert_element_type3A_75 = arith.extui %ge3A_74 : i1 to i32
      %cond3A_76 = arith.constant 0 : i32
      %cond3A_77 = arith.cmpi ne, %convert_element_type3A_75, %cond3A_76 : i32
      scf.if %cond3A_77 {
        %dma_wait3A_184 = arith.constant 0 : i32
        %dma_wait3A_185 = arith.constant 0 : i32
        %dma_wait3A_186 = arith.constant 0 : i32
        %dma_wait3A_187 = tpu.memref_slice %arg7[%dma_wait3A_184, %dma_wait3A_185, %dma_wait3A_186] : memref<2x4x4416xf32, #tpu.memory_space<vmem>> -> memref<1x4x4416xf32, #tpu.memory_space<vmem>>
        %dma_wait3A_188 = tpu.memref_squeeze %dma_wait3A_187 : memref<1x4x4416xf32, #tpu.memory_space<vmem>> -> memref<4x4416xf32, #tpu.memory_space<vmem>>
        %dma_wait3A_189 = arith.constant 0 : i32
        %dma_wait3A_190 = arith.constant 0 : i32
        %dma_wait3A_191 = tpu.memref_slice %arg4[%dma_wait3A_189, %dma_wait3A_190] : memref<16384x4416xf32, #tpu.memory_space<hbm>> -> memref<4x4416xf32, #tpu.memory_space<hbm>>
        %dma_wait3A_192 = arith.constant 0 : i32
        %dma_wait3A_193 = arith.constant 0 : i32
        %dma_wait3A_194 = tpu.memref_slice %arg4[%dma_wait3A_192, %dma_wait3A_193] : memref<16384x4416xf32, #tpu.memory_space<hbm>> -> memref<4x4416xf32, #tpu.memory_space<hbm>>
        %dma_wait3A_195 = arith.constant 0 : i32
        %dma_wait3A_196 = arith.constant 0 : i32
        %dma_wait3A_197 = tpu.memref_slice %arg7[%dma_wait3A_184, %dma_wait3A_195, %dma_wait3A_196] : memref<2x4x4416xf32, #tpu.memory_space<vmem>> -> memref<1x4x4416xf32, #tpu.memory_space<vmem>>
        %dma_wait3A_198 = tpu.memref_squeeze %dma_wait3A_197 : memref<1x4x4416xf32, #tpu.memory_space<vmem>> -> memref<4x4416xf32, #tpu.memory_space<vmem>>
        tpu.wait_dma2 semaphore(%arg11 : memref<!tpu.dma_semaphore, #tpu.memory_space<semaphore_mem>>) src(%dma_wait3A_198 : memref<4x4416xf32, #tpu.memory_space<vmem>>) dst(%dma_wait3A_194 : memref<4x4416xf32, #tpu.memory_space<hbm>>)
      } else {
      }
      %parallel_loop3A = arith.constant 0 : i32
      %parallel_loop3A_78 = arith.constant 64 : i32
      %parallel_loop3A_79 = arith.constant 1 : i32
      scf.for %parallel_loop3A_184 = %parallel_loop3A to %parallel_loop3A_78 step %parallel_loop3A_79  : i32 {
        %parallel_loop3A_185 = arith.constant 16 : i32
        %parallel_loop3A_186 = arith.divsi %parallel_loop3A_184, %parallel_loop3A_185 : i32
        %parallel_loop3A_187 = arith.constant 0 : i32
        %parallel_loop3A_188 = arith.cmpi sgt, %parallel_loop3A_184, %parallel_loop3A_187 : i32
        %parallel_loop3A_189 = arith.extui %parallel_loop3A_188 : i1 to i32
        %parallel_loop3A_190 = arith.constant 0 : i32
        %parallel_loop3A_191 = arith.cmpi slt, %parallel_loop3A_184, %parallel_loop3A_190 : i32
        %parallel_loop3A_192 = arith.extui %parallel_loop3A_191 : i1 to i32
        %parallel_loop3A_193 = arith.subi %parallel_loop3A_189, %parallel_loop3A_192 : i32
        %parallel_loop3A_194 = arith.constant 0 : i32
        %parallel_loop3A_195 = arith.cmpi sgt, %parallel_loop3A_185, %parallel_loop3A_194 : i32
        %parallel_loop3A_196 = arith.extui %parallel_loop3A_195 : i1 to i32
        %parallel_loop3A_197 = arith.constant 0 : i32
        %parallel_loop3A_198 = arith.cmpi slt, %parallel_loop3A_185, %parallel_loop3A_197 : i32
        %parallel_loop3A_199 = arith.extui %parallel_loop3A_198 : i1 to i32
        %parallel_loop3A_200 = arith.subi %parallel_loop3A_196, %parallel_loop3A_199 : i32
        %parallel_loop3A_201 = arith.cmpi ne, %parallel_loop3A_193, %parallel_loop3A_200 : i32
        %parallel_loop3A_202 = arith.remsi %parallel_loop3A_184, %parallel_loop3A_185 : i32
        %parallel_loop3A_203 = arith.constant 0 : i32
        %parallel_loop3A_204 = arith.cmpi ne, %parallel_loop3A_202, %parallel_loop3A_203 : i32
        %parallel_loop3A_205 = arith.andi %parallel_loop3A_201, %parallel_loop3A_204 : i1
        %parallel_loop3A_206 = arith.constant 1 : i32
        %parallel_loop3A_207 = arith.subi %parallel_loop3A_186, %parallel_loop3A_206 : i32
        %parallel_loop3A_208 = arith.select %parallel_loop3A_205, %parallel_loop3A_207, %parallel_loop3A_186 : i32
        %parallel_loop3A_209 = arith.constant 16 : i32
        %parallel_loop3A_210 = arith.constant 0 : i32
        %parallel_loop3A_211 = arith.cmpi eq, %parallel_loop3A_209, %parallel_loop3A_210 : i32
        %parallel_loop3A_212 = arith.constant 1 : i32
        %parallel_loop3A_213 = arith.select %parallel_loop3A_211, %parallel_loop3A_212, %parallel_loop3A_209 : i32
        %parallel_loop3A_214 = arith.remsi %parallel_loop3A_184, %parallel_loop3A_213 : i32
        %parallel_loop3A_215 = arith.constant 0 : i32
        %parallel_loop3A_216 = arith.cmpi ne, %parallel_loop3A_214, %parallel_loop3A_215 : i32
        %parallel_loop3A_217 = arith.constant 0 : i32
        %parallel_loop3A_218 = arith.cmpi slt, %parallel_loop3A_214, %parallel_loop3A_217 : i32
        %parallel_loop3A_219 = arith.constant 0 : i32
        %parallel_loop3A_220 = arith.cmpi slt, %parallel_loop3A_213, %parallel_loop3A_219 : i32
        %parallel_loop3A_221 = arith.xori %parallel_loop3A_218, %parallel_loop3A_220 : i1
        %parallel_loop3A_222 = arith.andi %parallel_loop3A_221, %parallel_loop3A_216 : i1
        %parallel_loop3A_223 = arith.addi %parallel_loop3A_214, %parallel_loop3A_213 : i32
        %parallel_loop3A_224 = arith.select %parallel_loop3A_222, %parallel_loop3A_223, %parallel_loop3A_214 : i32
        %parallel_loop3A_225 = arith.constant 276 : i32
        %parallel_loop3A_226 = arith.muli %parallel_loop3A_224, %parallel_loop3A_225 : i32
        %parallel_loop3A_227 = arith.constant 0 : i32
        %parallel_loop3A_228 = arith.index_cast %parallel_loop3A_227 : i32 to index
        %parallel_loop3A_229 = arith.index_cast %parallel_loop3A_184 : i32 to index
        %parallel_loop3A_230 = arith.constant 0 : index
        %parallel_loop3A_231 = tpu.vector_load %arg6[%parallel_loop3A_228, %parallel_loop3A_229, %parallel_loop3A_230] {strides = array<i32>} : memref<2x64x280xf32, #tpu.memory_space<vmem>>, vector<1x1x16xf32>,
        %parallel_loop3A_232 = vector.shape_cast %parallel_loop3A_231 : vector<1x1x16xf32> to vector<16xf32>
        %parallel_loop3A_233 = arith.constant 0 : i32
        %parallel_loop3A_234 = arith.addi %parallel_loop3A_226, %parallel_loop3A_233 : i32
        %parallel_loop3A_235 = arith.constant 0 : i32
        %parallel_loop3A_236 = arith.index_cast %parallel_loop3A_235 : i32 to index
        %parallel_loop3A_237 = arith.index_cast %parallel_loop3A_208 : i32 to index
        %parallel_loop3A_238 = arith.index_cast %parallel_loop3A_234 : i32 to index
        %parallel_loop3A_239 = tpu.vector_load %arg7[%parallel_loop3A_236, %parallel_loop3A_237, %parallel_loop3A_238] {strides = array<i32>} : memref<2x4x4416xf32, #tpu.memory_space<vmem>>, vector<1x1x16xf32>,
        %parallel_loop3A_240 = vector.shape_cast %parallel_loop3A_239 : vector<1x1x16xf32> to vector<16xf32>
        %parallel_loop3A_241 = vector.shape_cast %parallel_loop3A_232 : vector<16xf32> to vector<1x1x16xf32>
        tpu.vector_store %arg7[%parallel_loop3A_236, %parallel_loop3A_237, %parallel_loop3A_238], %parallel_loop3A_241 {strides = array<i32>} : memref<2x4x4416xf32, #tpu.memory_space<vmem>>, vector<1x1x16xf32>,
        %parallel_loop3A_242 = arith.constant 0 : i32
        %parallel_loop3A_243 = arith.index_cast %parallel_loop3A_242 : i32 to index
        %parallel_loop3A_244 = arith.index_cast %parallel_loop3A_184 : i32 to index
        %parallel_loop3A_245 = arith.constant 16 : index
        %parallel_loop3A_246 = tpu.vector_load %arg6[%parallel_loop3A_243, %parallel_loop3A_244, %parallel_loop3A_245] {strides = array<i32>} : memref<2x64x280xf32, #tpu.memory_space<vmem>>, vector<1x1x16xf32>,
        %parallel_loop3A_247 = vector.shape_cast %parallel_loop3A_246 : vector<1x1x16xf32> to vector<16xf32>
        %parallel_loop3A_248 = arith.constant 16 : i32
        %parallel_loop3A_249 = arith.addi %parallel_loop3A_226, %parallel_loop3A_248 : i32
        %parallel_loop3A_250 = arith.constant 0 : i32
        %parallel_loop3A_251 = arith.index_cast %parallel_loop3A_250 : i32 to index
        %parallel_loop3A_252 = arith.index_cast %parallel_loop3A_208 : i32 to index
        %parallel_loop3A_253 = arith.index_cast %parallel_loop3A_249 : i32 to index
        %parallel_loop3A_254 = tpu.vector_load %arg7[%parallel_loop3A_251, %parallel_loop3A_252, %parallel_loop3A_253] {strides = array<i32>} : memref<2x4x4416xf32, #tpu.memory_space<vmem>>, vector<1x1x16xf32>,
        %parallel_loop3A_255 = vector.shape_cast %parallel_loop3A_254 : vector<1x1x16xf32> to vector<16xf32>
        %parallel_loop3A_256 = vector.shape_cast %parallel_loop3A_247 : vector<16xf32> to vector<1x1x16xf32>
        tpu.vector_store %arg7[%parallel_loop3A_251, %parallel_loop3A_252, %parallel_loop3A_253], %parallel_loop3A_256 {strides = array<i32>} : memref<2x4x4416xf32, #tpu.memory_space<vmem>>, vector<1x1x16xf32>,
        %parallel_loop3A_257 = arith.constant 0 : i32
        %parallel_loop3A_258 = arith.index_cast %parallel_loop3A_257 : i32 to index
        %parallel_loop3A_259 = arith.index_cast %parallel_loop3A_184 : i32 to index
        %parallel_loop3A_260 = arith.constant 32 : index
        %parallel_loop3A_261 = tpu.vector_load %arg6[%parallel_loop3A_258, %parallel_loop3A_259, %parallel_loop3A_260] {strides = array<i32>} : memref<2x64x280xf32, #tpu.memory_space<vmem>>, vector<1x1x16xf32>,
        %parallel_loop3A_262 = vector.shape_cast %parallel_loop3A_261 : vector<1x1x16xf32> to vector<16xf32>
        %parallel_loop3A_263 = arith.constant 32 : i32
        %parallel_loop3A_264 = arith.addi %parallel_loop3A_226, %parallel_loop3A_263 : i32
        %parallel_loop3A_265 = arith.constant 0 : i32
        %parallel_loop3A_266 = arith.index_cast %parallel_loop3A_265 : i32 to index
        %parallel_loop3A_267 = arith.index_cast %parallel_loop3A_208 : i32 to index
        %parallel_loop3A_268 = arith.index_cast %parallel_loop3A_264 : i32 to index
        %parallel_loop3A_269 = tpu.vector_load %arg7[%parallel_loop3A_266, %parallel_loop3A_267, %parallel_loop3A_268] {strides = array<i32>} : memref<2x4x4416xf32, #tpu.memory_space<vmem>>, vector<1x1x16xf32>,
        %parallel_loop3A_270 = vector.shape_cast %parallel_loop3A_269 : vector<1x1x16xf32> to vector<16xf32>
        %parallel_loop3A_271 = vector.shape_cast %parallel_loop3A_262 : vector<16xf32> to vector<1x1x16xf32>
        tpu.vector_store %arg7[%parallel_loop3A_266, %parallel_loop3A_267, %parallel_loop3A_268], %parallel_loop3A_271 {strides = array<i32>} : memref<2x4x4416xf32, #tpu.memory_space<vmem>>, vector<1x1x16xf32>,
        %parallel_loop3A_272 = arith.constant 0 : i32
        %parallel_loop3A_273 = arith.index_cast %parallel_loop3A_272 : i32 to index
        %parallel_loop3A_274 = arith.index_cast %parallel_loop3A_184 : i32 to index
        %parallel_loop3A_275 = arith.constant 48 : index
        %parallel_loop3A_276 = tpu.vector_load %arg6[%parallel_loop3A_273, %parallel_loop3A_274, %parallel_loop3A_275] {strides = array<i32>} : memref<2x64x280xf32, #tpu.memory_space<vmem>>, vector<1x1x16xf32>,
        %parallel_loop3A_277 = vector.shape_cast %parallel_loop3A_276 : vector<1x1x16xf32> to vector<16xf32>
        %parallel_loop3A_278 = arith.constant 48 : i32
        %parallel_loop3A_279 = arith.addi %parallel_loop3A_226, %parallel_loop3A_278 : i32
        %parallel_loop3A_280 = arith.constant 0 : i32
        %parallel_loop3A_281 = arith.index_cast %parallel_loop3A_280 : i32 to index
        %parallel_loop3A_282 = arith.index_cast %parallel_loop3A_208 : i32 to index
        %parallel_loop3A_283 = arith.index_cast %parallel_loop3A_279 : i32 to index
        %parallel_loop3A_284 = tpu.vector_load %arg7[%parallel_loop3A_281, %parallel_loop3A_282, %parallel_loop3A_283] {strides = array<i32>} : memref<2x4x4416xf32, #tpu.memory_space<vmem>>, vector<1x1x16xf32>,
        %parallel_loop3A_285 = vector.shape_cast %parallel_loop3A_284 : vector<1x1x16xf32> to vector<16xf32>
        %parallel_loop3A_286 = vector.shape_cast %parallel_loop3A_277 : vector<16xf32> to vector<1x1x16xf32>
        tpu.vector_store %arg7[%parallel_loop3A_281, %parallel_loop3A_282, %parallel_loop3A_283], %parallel_loop3A_286 {strides = array<i32>} : memref<2x4x4416xf32, #tpu.memory_space<vmem>>, vector<1x1x16xf32>,
        %parallel_loop3A_287 = arith.constant 0 : i32
        %parallel_loop3A_288 = arith.index_cast %parallel_loop3A_287 : i32 to index
        %parallel_loop3A_289 = arith.index_cast %parallel_loop3A_184 : i32 to index
        %parallel_loop3A_290 = arith.constant 64 : index
        %parallel_loop3A_291 = tpu.vector_load %arg6[%parallel_loop3A_288, %parallel_loop3A_289, %parallel_loop3A_290] {strides = array<i32>} : memref<2x64x280xf32, #tpu.memory_space<vmem>>, vector<1x1x16xf32>,
        %parallel_loop3A_292 = vector.shape_cast %parallel_loop3A_291 : vector<1x1x16xf32> to vector<16xf32>
        %parallel_loop3A_293 = arith.constant 64 : i32
        %parallel_loop3A_294 = arith.addi %parallel_loop3A_226, %parallel_loop3A_293 : i32
        %parallel_loop3A_295 = arith.constant 0 : i32
        %parallel_loop3A_296 = arith.index_cast %parallel_loop3A_295 : i32 to index
        %parallel_loop3A_297 = arith.index_cast %parallel_loop3A_208 : i32 to index
        %parallel_loop3A_298 = arith.index_cast %parallel_loop3A_294 : i32 to index
        %parallel_loop3A_299 = tpu.vector_load %arg7[%parallel_loop3A_296, %parallel_loop3A_297, %parallel_loop3A_298] {strides = array<i32>} : memref<2x4x4416xf32, #tpu.memory_space<vmem>>, vector<1x1x16xf32>,
        %parallel_loop3A_300 = vector.shape_cast %parallel_loop3A_299 : vector<1x1x16xf32> to vector<16xf32>
        %parallel_loop3A_301 = vector.shape_cast %parallel_loop3A_292 : vector<16xf32> to vector<1x1x16xf32>
        tpu.vector_store %arg7[%parallel_loop3A_296, %parallel_loop3A_297, %parallel_loop3A_298], %parallel_loop3A_301 {strides = array<i32>} : memref<2x4x4416xf32, #tpu.memory_space<vmem>>, vector<1x1x16xf32>,
        %parallel_loop3A_302 = arith.constant 0 : i32
        %parallel_loop3A_303 = arith.index_cast %parallel_loop3A_302 : i32 to index
        %parallel_loop3A_304 = arith.index_cast %parallel_loop3A_184 : i32 to index
        %parallel_loop3A_305 = arith.constant 80 : index
        %parallel_loop3A_306 = tpu.vector_load %arg6[%parallel_loop3A_303, %parallel_loop3A_304, %parallel_loop3A_305] {strides = array<i32>} : memref<2x64x280xf32, #tpu.memory_space<vmem>>, vector<1x1x16xf32>,
        %parallel_loop3A_307 = vector.shape_cast %parallel_loop3A_306 : vector<1x1x16xf32> to vector<16xf32>
        %parallel_loop3A_308 = arith.constant 80 : i32
        %parallel_loop3A_309 = arith.addi %parallel_loop3A_226, %parallel_loop3A_308 : i32
        %parallel_loop3A_310 = arith.constant 0 : i32
        %parallel_loop3A_311 = arith.index_cast %parallel_loop3A_310 : i32 to index
        %parallel_loop3A_312 = arith.index_cast %parallel_loop3A_208 : i32 to index
        %parallel_loop3A_313 = arith.index_cast %parallel_loop3A_309 : i32 to index
        %parallel_loop3A_314 = tpu.vector_load %arg7[%parallel_loop3A_311, %parallel_loop3A_312, %parallel_loop3A_313] {strides = array<i32>} : memref<2x4x4416xf32, #tpu.memory_space<vmem>>, vector<1x1x16xf32>,
        %parallel_loop3A_315 = vector.shape_cast %parallel_loop3A_314 : vector<1x1x16xf32> to vector<16xf32>
        %parallel_loop3A_316 = vector.shape_cast %parallel_loop3A_307 : vector<16xf32> to vector<1x1x16xf32>
        tpu.vector_store %arg7[%parallel_loop3A_311, %parallel_loop3A_312, %parallel_loop3A_313], %parallel_loop3A_316 {strides = array<i32>} : memref<2x4x4416xf32, #tpu.memory_space<vmem>>, vector<1x1x16xf32>,
        %parallel_loop3A_317 = arith.constant 0 : i32
        %parallel_loop3A_318 = arith.index_cast %parallel_loop3A_317 : i32 to index
        %parallel_loop3A_319 = arith.index_cast %parallel_loop3A_184 : i32 to index
        %parallel_loop3A_320 = arith.constant 96 : index
        %parallel_loop3A_321 = tpu.vector_load %arg6[%parallel_loop3A_318, %parallel_loop3A_319, %parallel_loop3A_320] {strides = array<i32>} : memref<2x64x280xf32, #tpu.memory_space<vmem>>, vector<1x1x16xf32>,
        %parallel_loop3A_322 = vector.shape_cast %parallel_loop3A_321 : vector<1x1x16xf32> to vector<16xf32>
        %parallel_loop3A_323 = arith.constant 96 : i32
        %parallel_loop3A_324 = arith.addi %parallel_loop3A_226, %parallel_loop3A_323 : i32
        %parallel_loop3A_325 = arith.constant 0 : i32
        %parallel_loop3A_326 = arith.index_cast %parallel_loop3A_325 : i32 to index
        %parallel_loop3A_327 = arith.index_cast %parallel_loop3A_208 : i32 to index
        %parallel_loop3A_328 = arith.index_cast %parallel_loop3A_324 : i32 to index
        %parallel_loop3A_329 = tpu.vector_load %arg7[%parallel_loop3A_326, %parallel_loop3A_327, %parallel_loop3A_328] {strides = array<i32>} : memref<2x4x4416xf32, #tpu.memory_space<vmem>>, vector<1x1x16xf32>,
        %parallel_loop3A_330 = vector.shape_cast %parallel_loop3A_329 : vector<1x1x16xf32> to vector<16xf32>
        %parallel_loop3A_331 = vector.shape_cast %parallel_loop3A_322 : vector<16xf32> to vector<1x1x16xf32>
        tpu.vector_store %arg7[%parallel_loop3A_326, %parallel_loop3A_327, %parallel_loop3A_328], %parallel_loop3A_331 {strides = array<i32>} : memref<2x4x4416xf32, #tpu.memory_space<vmem>>, vector<1x1x16xf32>,
        %parallel_loop3A_332 = arith.constant 0 : i32
        %parallel_loop3A_333 = arith.index_cast %parallel_loop3A_332 : i32 to index
        %parallel_loop3A_334 = arith.index_cast %parallel_loop3A_184 : i32 to index
        %parallel_loop3A_335 = arith.constant 112 : index
        %parallel_loop3A_336 = tpu.vector_load %arg6[%parallel_loop3A_333, %parallel_loop3A_334, %parallel_loop3A_335] {strides = array<i32>} : memref<2x64x280xf32, #tpu.memory_space<vmem>>, vector<1x1x16xf32>,
        %parallel_loop3A_337 = vector.shape_cast %parallel_loop3A_336 : vector<1x1x16xf32> to vector<16xf32>
        %parallel_loop3A_338 = arith.constant 112 : i32
        %parallel_loop3A_339 = arith.addi %parallel_loop3A_226, %parallel_loop3A_338 : i32
        %parallel_loop3A_340 = arith.constant 0 : i32
        %parallel_loop3A_341 = arith.index_cast %parallel_loop3A_340 : i32 to index
        %parallel_loop3A_342 = arith.index_cast %parallel_loop3A_208 : i32 to index
        %parallel_loop3A_343 = arith.index_cast %parallel_loop3A_339 : i32 to index
        %parallel_loop3A_344 = tpu.vector_load %arg7[%parallel_loop3A_341, %parallel_loop3A_342, %parallel_loop3A_343] {strides = array<i32>} : memref<2x4x4416xf32, #tpu.memory_space<vmem>>, vector<1x1x16xf32>,
        %parallel_loop3A_345 = vector.shape_cast %parallel_loop3A_344 : vector<1x1x16xf32> to vector<16xf32>
        %parallel_loop3A_346 = vector.shape_cast %parallel_loop3A_337 : vector<16xf32> to vector<1x1x16xf32>
        tpu.vector_store %arg7[%parallel_loop3A_341, %parallel_loop3A_342, %parallel_loop3A_343], %parallel_loop3A_346 {strides = array<i32>} : memref<2x4x4416xf32, #tpu.memory_space<vmem>>, vector<1x1x16xf32>,
        %parallel_loop3A_347 = arith.constant 0 : i32
        %parallel_loop3A_348 = arith.index_cast %parallel_loop3A_347 : i32 to index
        %parallel_loop3A_349 = arith.index_cast %parallel_loop3A_184 : i32 to index
        %parallel_loop3A_350 = arith.constant 128 : index
        %parallel_loop3A_351 = tpu.vector_load %arg6[%parallel_loop3A_348, %parallel_loop3A_349, %parallel_loop3A_350] {strides = array<i32>} : memref<2x64x280xf32, #tpu.memory_space<vmem>>, vector<1x1x16xf32>,
        %parallel_loop3A_352 = vector.shape_cast %parallel_loop3A_351 : vector<1x1x16xf32> to vector<16xf32>
        %parallel_loop3A_353 = arith.constant 128 : i32
        %parallel_loop3A_354 = arith.addi %parallel_loop3A_226, %parallel_loop3A_353 : i32
        %parallel_loop3A_355 = arith.constant 0 : i32
        %parallel_loop3A_356 = arith.index_cast %parallel_loop3A_355 : i32 to index
        %parallel_loop3A_357 = arith.index_cast %parallel_loop3A_208 : i32 to index
        %parallel_loop3A_358 = arith.index_cast %parallel_loop3A_354 : i32 to index
        %parallel_loop3A_359 = tpu.vector_load %arg7[%parallel_loop3A_356, %parallel_loop3A_357, %parallel_loop3A_358] {strides = array<i32>} : memref<2x4x4416xf32, #tpu.memory_space<vmem>>, vector<1x1x16xf32>,
        %parallel_loop3A_360 = vector.shape_cast %parallel_loop3A_359 : vector<1x1x16xf32> to vector<16xf32>
        %parallel_loop3A_361 = vector.shape_cast %parallel_loop3A_352 : vector<16xf32> to vector<1x1x16xf32>
        tpu.vector_store %arg7[%parallel_loop3A_356, %parallel_loop3A_357, %parallel_loop3A_358], %parallel_loop3A_361 {strides = array<i32>} : memref<2x4x4416xf32, #tpu.memory_space<vmem>>, vector<1x1x16xf32>,
        %parallel_loop3A_362 = arith.constant 0 : i32
        %parallel_loop3A_363 = arith.index_cast %parallel_loop3A_362 : i32 to index
        %parallel_loop3A_364 = arith.index_cast %parallel_loop3A_184 : i32 to index
        %parallel_loop3A_365 = arith.constant 144 : index
        %parallel_loop3A_366 = tpu.vector_load %arg6[%parallel_loop3A_363, %parallel_loop3A_364, %parallel_loop3A_365] {strides = array<i32>} : memref<2x64x280xf32, #tpu.memory_space<vmem>>, vector<1x1x16xf32>,
        %parallel_loop3A_367 = vector.shape_cast %parallel_loop3A_366 : vector<1x1x16xf32> to vector<16xf32>
        %parallel_loop3A_368 = arith.constant 144 : i32
        %parallel_loop3A_369 = arith.addi %parallel_loop3A_226, %parallel_loop3A_368 : i32
        %parallel_loop3A_370 = arith.constant 0 : i32
        %parallel_loop3A_371 = arith.index_cast %parallel_loop3A_370 : i32 to index
        %parallel_loop3A_372 = arith.index_cast %parallel_loop3A_208 : i32 to index
        %parallel_loop3A_373 = arith.index_cast %parallel_loop3A_369 : i32 to index
        %parallel_loop3A_374 = tpu.vector_load %arg7[%parallel_loop3A_371, %parallel_loop3A_372, %parallel_loop3A_373] {strides = array<i32>} : memref<2x4x4416xf32, #tpu.memory_space<vmem>>, vector<1x1x16xf32>,
        %parallel_loop3A_375 = vector.shape_cast %parallel_loop3A_374 : vector<1x1x16xf32> to vector<16xf32>
        %parallel_loop3A_376 = vector.shape_cast %parallel_loop3A_367 : vector<16xf32> to vector<1x1x16xf32>
        tpu.vector_store %arg7[%parallel_loop3A_371, %parallel_loop3A_372, %parallel_loop3A_373], %parallel_loop3A_376 {strides = array<i32>} : memref<2x4x4416xf32, #tpu.memory_space<vmem>>, vector<1x1x16xf32>,
        %parallel_loop3A_377 = arith.constant 0 : i32
        %parallel_loop3A_378 = arith.index_cast %parallel_loop3A_377 : i32 to index
        %parallel_loop3A_379 = arith.index_cast %parallel_loop3A_184 : i32 to index
        %parallel_loop3A_380 = arith.constant 160 : index
        %parallel_loop3A_381 = tpu.vector_load %arg6[%parallel_loop3A_378, %parallel_loop3A_379, %parallel_loop3A_380] {strides = array<i32>} : memref<2x64x280xf32, #tpu.memory_space<vmem>>, vector<1x1x16xf32>,
        %parallel_loop3A_382 = vector.shape_cast %parallel_loop3A_381 : vector<1x1x16xf32> to vector<16xf32>
        %parallel_loop3A_383 = arith.constant 160 : i32
        %parallel_loop3A_384 = arith.addi %parallel_loop3A_226, %parallel_loop3A_383 : i32
        %parallel_loop3A_385 = arith.constant 0 : i32
        %parallel_loop3A_386 = arith.index_cast %parallel_loop3A_385 : i32 to index
        %parallel_loop3A_387 = arith.index_cast %parallel_loop3A_208 : i32 to index
        %parallel_loop3A_388 = arith.index_cast %parallel_loop3A_384 : i32 to index
        %parallel_loop3A_389 = tpu.vector_load %arg7[%parallel_loop3A_386, %parallel_loop3A_387, %parallel_loop3A_388] {strides = array<i32>} : memref<2x4x4416xf32, #tpu.memory_space<vmem>>, vector<1x1x16xf32>,
        %parallel_loop3A_390 = vector.shape_cast %parallel_loop3A_389 : vector<1x1x16xf32> to vector<16xf32>
        %parallel_loop3A_391 = vector.shape_cast %parallel_loop3A_382 : vector<16xf32> to vector<1x1x16xf32>
        tpu.vector_store %arg7[%parallel_loop3A_386, %parallel_loop3A_387, %parallel_loop3A_388], %parallel_loop3A_391 {strides = array<i32>} : memref<2x4x4416xf32, #tpu.memory_space<vmem>>, vector<1x1x16xf32>,
        %parallel_loop3A_392 = arith.constant 0 : i32
        %parallel_loop3A_393 = arith.index_cast %parallel_loop3A_392 : i32 to index
        %parallel_loop3A_394 = arith.index_cast %parallel_loop3A_184 : i32 to index
        %parallel_loop3A_395 = arith.constant 176 : index
        %parallel_loop3A_396 = tpu.vector_load %arg6[%parallel_loop3A_393, %parallel_loop3A_394, %parallel_loop3A_395] {strides = array<i32>} : memref<2x64x280xf32, #tpu.memory_space<vmem>>, vector<1x1x16xf32>,
        %parallel_loop3A_397 = vector.shape_cast %parallel_loop3A_396 : vector<1x1x16xf32> to vector<16xf32>
        %parallel_loop3A_398 = arith.constant 176 : i32
        %parallel_loop3A_399 = arith.addi %parallel_loop3A_226, %parallel_loop3A_398 : i32
        %parallel_loop3A_400 = arith.constant 0 : i32
        %parallel_loop3A_401 = arith.index_cast %parallel_loop3A_400 : i32 to index
        %parallel_loop3A_402 = arith.index_cast %parallel_loop3A_208 : i32 to index
        %parallel_loop3A_403 = arith.index_cast %parallel_loop3A_399 : i32 to index
        %parallel_loop3A_404 = tpu.vector_load %arg7[%parallel_loop3A_401, %parallel_loop3A_402, %parallel_loop3A_403] {strides = array<i32>} : memref<2x4x4416xf32, #tpu.memory_space<vmem>>, vector<1x1x16xf32>,
        %parallel_loop3A_405 = vector.shape_cast %parallel_loop3A_404 : vector<1x1x16xf32> to vector<16xf32>
        %parallel_loop3A_406 = vector.shape_cast %parallel_loop3A_397 : vector<16xf32> to vector<1x1x16xf32>
        tpu.vector_store %arg7[%parallel_loop3A_401, %parallel_loop3A_402, %parallel_loop3A_403], %parallel_loop3A_406 {strides = array<i32>} : memref<2x4x4416xf32, #tpu.memory_space<vmem>>, vector<1x1x16xf32>,
        %parallel_loop3A_407 = arith.constant 0 : i32
        %parallel_loop3A_408 = arith.index_cast %parallel_loop3A_407 : i32 to index
        %parallel_loop3A_409 = arith.index_cast %parallel_loop3A_184 : i32 to index
        %parallel_loop3A_410 = arith.constant 192 : index
        %parallel_loop3A_411 = tpu.vector_load %arg6[%parallel_loop3A_408, %parallel_loop3A_409, %parallel_loop3A_410] {strides = array<i32>} : memref<2x64x280xf32, #tpu.memory_space<vmem>>, vector<1x1x16xf32>,
        %parallel_loop3A_412 = vector.shape_cast %parallel_loop3A_411 : vector<1x1x16xf32> to vector<16xf32>
        %parallel_loop3A_413 = arith.constant 192 : i32
        %parallel_loop3A_414 = arith.addi %parallel_loop3A_226, %parallel_loop3A_413 : i32
        %parallel_loop3A_415 = arith.constant 0 : i32
        %parallel_loop3A_416 = arith.index_cast %parallel_loop3A_415 : i32 to index
        %parallel_loop3A_417 = arith.index_cast %parallel_loop3A_208 : i32 to index
        %parallel_loop3A_418 = arith.index_cast %parallel_loop3A_414 : i32 to index
        %parallel_loop3A_419 = tpu.vector_load %arg7[%parallel_loop3A_416, %parallel_loop3A_417, %parallel_loop3A_418] {strides = array<i32>} : memref<2x4x4416xf32, #tpu.memory_space<vmem>>, vector<1x1x16xf32>,
        %parallel_loop3A_420 = vector.shape_cast %parallel_loop3A_419 : vector<1x1x16xf32> to vector<16xf32>
        %parallel_loop3A_421 = vector.shape_cast %parallel_loop3A_412 : vector<16xf32> to vector<1x1x16xf32>
        tpu.vector_store %arg7[%parallel_loop3A_416, %parallel_loop3A_417, %parallel_loop3A_418], %parallel_loop3A_421 {strides = array<i32>} : memref<2x4x4416xf32, #tpu.memory_space<vmem>>, vector<1x1x16xf32>,
        %parallel_loop3A_422 = arith.constant 0 : i32
        %parallel_loop3A_423 = arith.index_cast %parallel_loop3A_422 : i32 to index
        %parallel_loop3A_424 = arith.index_cast %parallel_loop3A_184 : i32 to index
        %parallel_loop3A_425 = arith.constant 208 : index
        %parallel_loop3A_426 = tpu.vector_load %arg6[%parallel_loop3A_423, %parallel_loop3A_424, %parallel_loop3A_425] {strides = array<i32>} : memref<2x64x280xf32, #tpu.memory_space<vmem>>, vector<1x1x16xf32>,
        %parallel_loop3A_427 = vector.shape_cast %parallel_loop3A_426 : vector<1x1x16xf32> to vector<16xf32>
        %parallel_loop3A_428 = arith.constant 208 : i32
        %parallel_loop3A_429 = arith.addi %parallel_loop3A_226, %parallel_loop3A_428 : i32
        %parallel_loop3A_430 = arith.constant 0 : i32
        %parallel_loop3A_431 = arith.index_cast %parallel_loop3A_430 : i32 to index
        %parallel_loop3A_432 = arith.index_cast %parallel_loop3A_208 : i32 to index
        %parallel_loop3A_433 = arith.index_cast %parallel_loop3A_429 : i32 to index
        %parallel_loop3A_434 = tpu.vector_load %arg7[%parallel_loop3A_431, %parallel_loop3A_432, %parallel_loop3A_433] {strides = array<i32>} : memref<2x4x4416xf32, #tpu.memory_space<vmem>>, vector<1x1x16xf32>,
        %parallel_loop3A_435 = vector.shape_cast %parallel_loop3A_434 : vector<1x1x16xf32> to vector<16xf32>
        %parallel_loop3A_436 = vector.shape_cast %parallel_loop3A_427 : vector<16xf32> to vector<1x1x16xf32>
        tpu.vector_store %arg7[%parallel_loop3A_431, %parallel_loop3A_432, %parallel_loop3A_433], %parallel_loop3A_436 {strides = array<i32>} : memref<2x4x4416xf32, #tpu.memory_space<vmem>>, vector<1x1x16xf32>,
        %parallel_loop3A_437 = arith.constant 0 : i32
        %parallel_loop3A_438 = arith.index_cast %parallel_loop3A_437 : i32 to index
        %parallel_loop3A_439 = arith.index_cast %parallel_loop3A_184 : i32 to index
        %parallel_loop3A_440 = arith.constant 224 : index
        %parallel_loop3A_441 = tpu.vector_load %arg6[%parallel_loop3A_438, %parallel_loop3A_439, %parallel_loop3A_440] {strides = array<i32>} : memref<2x64x280xf32, #tpu.memory_space<vmem>>, vector<1x1x16xf32>,
        %parallel_loop3A_442 = vector.shape_cast %parallel_loop3A_441 : vector<1x1x16xf32> to vector<16xf32>
        %parallel_loop3A_443 = arith.constant 224 : i32
        %parallel_loop3A_444 = arith.addi %parallel_loop3A_226, %parallel_loop3A_443 : i32
        %parallel_loop3A_445 = arith.constant 0 : i32
        %parallel_loop3A_446 = arith.index_cast %parallel_loop3A_445 : i32 to index
        %parallel_loop3A_447 = arith.index_cast %parallel_loop3A_208 : i32 to index
        %parallel_loop3A_448 = arith.index_cast %parallel_loop3A_444 : i32 to index
        %parallel_loop3A_449 = tpu.vector_load %arg7[%parallel_loop3A_446, %parallel_loop3A_447, %parallel_loop3A_448] {strides = array<i32>} : memref<2x4x4416xf32, #tpu.memory_space<vmem>>, vector<1x1x16xf32>,
        %parallel_loop3A_450 = vector.shape_cast %parallel_loop3A_449 : vector<1x1x16xf32> to vector<16xf32>
        %parallel_loop3A_451 = vector.shape_cast %parallel_loop3A_442 : vector<16xf32> to vector<1x1x16xf32>
        tpu.vector_store %arg7[%parallel_loop3A_446, %parallel_loop3A_447, %parallel_loop3A_448], %parallel_loop3A_451 {strides = array<i32>} : memref<2x4x4416xf32, #tpu.memory_space<vmem>>, vector<1x1x16xf32>,
        %parallel_loop3A_452 = arith.constant 0 : i32
        %parallel_loop3A_453 = arith.index_cast %parallel_loop3A_452 : i32 to index
        %parallel_loop3A_454 = arith.index_cast %parallel_loop3A_184 : i32 to index
        %parallel_loop3A_455 = arith.constant 240 : index
        %parallel_loop3A_456 = tpu.vector_load %arg6[%parallel_loop3A_453, %parallel_loop3A_454, %parallel_loop3A_455] {strides = array<i32>} : memref<2x64x280xf32, #tpu.memory_space<vmem>>, vector<1x1x16xf32>,
        %parallel_loop3A_457 = vector.shape_cast %parallel_loop3A_456 : vector<1x1x16xf32> to vector<16xf32>
        %parallel_loop3A_458 = arith.constant 240 : i32
        %parallel_loop3A_459 = arith.addi %parallel_loop3A_226, %parallel_loop3A_458 : i32
        %parallel_loop3A_460 = arith.constant 0 : i32
        %parallel_loop3A_461 = arith.index_cast %parallel_loop3A_460 : i32 to index
        %parallel_loop3A_462 = arith.index_cast %parallel_loop3A_208 : i32 to index
        %parallel_loop3A_463 = arith.index_cast %parallel_loop3A_459 : i32 to index
        %parallel_loop3A_464 = tpu.vector_load %arg7[%parallel_loop3A_461, %parallel_loop3A_462, %parallel_loop3A_463] {strides = array<i32>} : memref<2x4x4416xf32, #tpu.memory_space<vmem>>, vector<1x1x16xf32>,
        %parallel_loop3A_465 = vector.shape_cast %parallel_loop3A_464 : vector<1x1x16xf32> to vector<16xf32>
        %parallel_loop3A_466 = vector.shape_cast %parallel_loop3A_457 : vector<16xf32> to vector<1x1x16xf32>
        tpu.vector_store %arg7[%parallel_loop3A_461, %parallel_loop3A_462, %parallel_loop3A_463], %parallel_loop3A_466 {strides = array<i32>} : memref<2x4x4416xf32, #tpu.memory_space<vmem>>, vector<1x1x16xf32>,
        %parallel_loop3A_467 = arith.constant 0 : i32
        %parallel_loop3A_468 = arith.index_cast %parallel_loop3A_467 : i32 to index
        %parallel_loop3A_469 = arith.index_cast %parallel_loop3A_184 : i32 to index
        %parallel_loop3A_470 = arith.constant 256 : index
        %parallel_loop3A_471 = tpu.vector_load %arg6[%parallel_loop3A_468, %parallel_loop3A_469, %parallel_loop3A_470] {strides = array<i32>} : memref<2x64x280xf32, #tpu.memory_space<vmem>>, vector<1x1x16xf32>,
        %parallel_loop3A_472 = vector.shape_cast %parallel_loop3A_471 : vector<1x1x16xf32> to vector<16xf32>
        %parallel_loop3A_473 = arith.constant 256 : i32
        %parallel_loop3A_474 = arith.addi %parallel_loop3A_226, %parallel_loop3A_473 : i32
        %parallel_loop3A_475 = arith.constant 0 : i32
        %parallel_loop3A_476 = arith.index_cast %parallel_loop3A_475 : i32 to index
        %parallel_loop3A_477 = arith.index_cast %parallel_loop3A_208 : i32 to index
        %parallel_loop3A_478 = arith.index_cast %parallel_loop3A_474 : i32 to index
        %parallel_loop3A_479 = tpu.vector_load %arg7[%parallel_loop3A_476, %parallel_loop3A_477, %parallel_loop3A_478] {strides = array<i32>} : memref<2x4x4416xf32, #tpu.memory_space<vmem>>, vector<1x1x16xf32>,
        %parallel_loop3A_480 = vector.shape_cast %parallel_loop3A_479 : vector<1x1x16xf32> to vector<16xf32>
        %parallel_loop3A_481 = vector.shape_cast %parallel_loop3A_472 : vector<16xf32> to vector<1x1x16xf32>
        tpu.vector_store %arg7[%parallel_loop3A_476, %parallel_loop3A_477, %parallel_loop3A_478], %parallel_loop3A_481 {strides = array<i32>} : memref<2x4x4416xf32, #tpu.memory_space<vmem>>, vector<1x1x16xf32>,
        %parallel_loop3A_482 = arith.constant 0 : i32
        %parallel_loop3A_483 = arith.index_cast %parallel_loop3A_482 : i32 to index
        %parallel_loop3A_484 = arith.index_cast %parallel_loop3A_184 : i32 to index
        %parallel_loop3A_485 = arith.constant 260 : index
        %parallel_loop3A_486 = tpu.vector_load %arg6[%parallel_loop3A_483, %parallel_loop3A_484, %parallel_loop3A_485] {strides = array<i32>} : memref<2x64x280xf32, #tpu.memory_space<vmem>>, vector<1x1x16xf32>,
        %parallel_loop3A_487 = vector.shape_cast %parallel_loop3A_486 : vector<1x1x16xf32> to vector<16xf32>
        %parallel_loop3A_488 = arith.constant 276 : i32
        %parallel_loop3A_489 = arith.addi %parallel_loop3A_226, %parallel_loop3A_488 : i32
        %parallel_loop3A_490 = arith.constant 16 : i32
        %parallel_loop3A_491 = arith.subi %parallel_loop3A_489, %parallel_loop3A_490 : i32
        %parallel_loop3A_492 = arith.constant 0 : i32
        %parallel_loop3A_493 = arith.index_cast %parallel_loop3A_492 : i32 to index
        %parallel_loop3A_494 = arith.index_cast %parallel_loop3A_208 : i32 to index
        %parallel_loop3A_495 = arith.index_cast %parallel_loop3A_491 : i32 to index
        %parallel_loop3A_496 = tpu.vector_load %arg7[%parallel_loop3A_493, %parallel_loop3A_494, %parallel_loop3A_495] {strides = array<i32>} : memref<2x4x4416xf32, #tpu.memory_space<vmem>>, vector<1x1x16xf32>,
        %parallel_loop3A_497 = vector.shape_cast %parallel_loop3A_496 : vector<1x1x16xf32> to vector<16xf32>
        %parallel_loop3A_498 = vector.shape_cast %parallel_loop3A_487 : vector<16xf32> to vector<1x1x16xf32>
        tpu.vector_store %arg7[%parallel_loop3A_493, %parallel_loop3A_494, %parallel_loop3A_495], %parallel_loop3A_498 {strides = array<i32>} : memref<2x4x4416xf32, #tpu.memory_space<vmem>>, vector<1x1x16xf32>,
      } {sc.loop_unroll_factor = 4 : i64, sc.parallel_access}
      %mul3A_80 = arith.constant 64 : i32
      %mul3A_81 = arith.muli %add3A_52, %mul3A_80 : i32
      %add3A_82 = arith.addi %mul3A_2, %mul3A_81 : i32
      %jit3A = arith.constant 16 : i32
      %div3A = arith.divsi %add3A_82, %jit3A : i32
      %sign3A = arith.constant 0 : i32
      %sign3A_83 = arith.cmpi sgt, %add3A_82, %sign3A : i32
      %sign3A_84 = arith.extui %sign3A_83 : i1 to i32
      %sign3A_85 = arith.constant 0 : i32
      %sign3A_86 = arith.cmpi slt, %add3A_82, %sign3A_85 : i32
      %sign3A_87 = arith.extui %sign3A_86 : i1 to i32
      %sign3A_88 = arith.subi %sign3A_84, %sign3A_87 : i32
      %sign3A_89 = arith.constant 0 : i32
      %sign3A_90 = arith.cmpi sgt, %jit3A, %sign3A_89 : i32
      %sign3A_91 = arith.extui %sign3A_90 : i1 to i32
      %sign3A_92 = arith.constant 0 : i32
      %sign3A_93 = arith.cmpi slt, %jit3A, %sign3A_92 : i32
      %sign3A_94 = arith.extui %sign3A_93 : i1 to i32
      %sign3A_95 = arith.subi %sign3A_91, %sign3A_94 : i32
      %ne3A = arith.cmpi ne, %sign3A_88, %sign3A_95 : i32
      %rem3A = arith.remsi %add3A_82, %jit3A : i32
      %ne3A_96 = arith.constant 0 : i32
      %ne3A_97 = arith.cmpi ne, %rem3A, %ne3A_96 : i32
      %and3A = arith.andi %ne3A, %ne3A_97 : i1
      %sub3A = arith.constant 1 : i32
      %sub3A_98 = arith.subi %div3A, %sub3A : i32
      %select_n3A = arith.select %and3A, %sub3A_98, %div3A : i32
      %dma_start3A_99 = arith.constant 0 : i32
      %dma_start3A_100 = arith.constant 0 : i32
      %dma_start3A_101 = arith.constant 0 : i32
      %dma_start3A_102 = tpu.memref_slice %arg7[%dma_start3A_99, %dma_start3A_100, %dma_start3A_101] : memref<2x4x4416xf32, #tpu.memory_space<vmem>> -> memref<1x4x4416xf32, #tpu.memory_space<vmem>>
      %dma_start3A_103 = tpu.memref_squeeze %dma_start3A_102 : memref<1x4x4416xf32, #tpu.memory_space<vmem>> -> memref<4x4416xf32, #tpu.memory_space<vmem>>
      %dma_start3A_104 = arith.constant 0 : i32
      %dma_start3A_105 = tpu.memref_slice %arg4[%select_n3A, %dma_start3A_104] : memref<16384x4416xf32, #tpu.memory_space<hbm>> -> memref<4x4416xf32, #tpu.memory_space<hbm>>
      %dma_start3A_106 = arith.constant 0 : i32
      %dma_start3A_107 = tpu.memref_slice %arg4[%select_n3A, %dma_start3A_106] : memref<16384x4416xf32, #tpu.memory_space<hbm>> -> memref<4x4416xf32, #tpu.memory_space<hbm>>
      %dma_start3A_108 = arith.constant 0 : i32
      %dma_start3A_109 = arith.constant 0 : i32
      %dma_start3A_110 = tpu.memref_slice %arg7[%dma_start3A_99, %dma_start3A_108, %dma_start3A_109] : memref<2x4x4416xf32, #tpu.memory_space<vmem>> -> memref<1x4x4416xf32, #tpu.memory_space<vmem>>
      %dma_start3A_111 = tpu.memref_squeeze %dma_start3A_110 : memref<1x4x4416xf32, #tpu.memory_space<vmem>> -> memref<4x4416xf32, #tpu.memory_space<vmem>>
      tpu.enqueue_dma source(%dma_start3A_111 : memref<4x4416xf32, #tpu.memory_space<vmem>>) target(%dma_start3A_107 : memref<4x4416xf32, #tpu.memory_space<hbm>>) target_semaphore(%arg11 : memref<!tpu.dma_semaphore, #tpu.memory_space<semaphore_mem>>)
      %add3A_112 = arith.constant 1 : i32
      %add3A_113 = arith.addi %mul3A_50, %add3A_112 : i32
      %add3A_114 = arith.constant 1 : i32
      %add3A_115 = arith.addi %add3A_113, %add3A_114 : i32
      %lt3A_116 = arith.constant 128 : i32
      %lt3A_117 = arith.cmpi slt, %add3A_115, %lt3A_116 : i32
      %convert_element_type3A_118 = arith.extui %lt3A_117 : i1 to i32
      %cond3A_119 = arith.constant 0 : i32
      %cond3A_120 = arith.cmpi ne, %convert_element_type3A_118, %cond3A_119 : i32
      scf.if %cond3A_120 {
        %add3A_184 = arith.constant 1 : i32
        %add3A_185 = arith.addi %add3A_113, %add3A_184 : i32
        %mul3A_186 = arith.constant 64 : i32
        %mul3A_187 = arith.muli %add3A_185, %mul3A_186 : i32
        %dma_start3A_188 = arith.constant 0 : i32
        %dma_start3A_189 = arith.constant 0 : i32
        %dma_start3A_190 = arith.constant 0 : i32
        %dma_start3A_191 = tpu.memref_slice %arg6[%dma_start3A_188, %dma_start3A_189, %dma_start3A_190] : memref<2x64x280xf32, #tpu.memory_space<vmem>> -> memref<1x64x280xf32, #tpu.memory_space<vmem>>
        %dma_start3A_192 = tpu.memref_squeeze %dma_start3A_191 : memref<1x64x280xf32, #tpu.memory_space<vmem>> -> memref<64x280xf32, #tpu.memory_space<vmem>>
        %dma_start3A_193 = tpu.memref_slice %arg5[%mul3A_187] : memref<8192xi32, #tpu.memory_space<vmem>> -> memref<64xi32, #tpu.memory_space<vmem>>
        %dma_start3A_194 = arith.constant 0 : i32
        %dma_start3A_195 = arith.constant 0 : i32
        %dma_start3A_196 = tpu.memref_slice %arg8[%dma_start3A_194, %dma_start3A_195] : memref<1024x280xf32, #tpu.memory_space<vmem_shared>> -> memref<1024x280xf32, #tpu.memory_space<vmem_shared>>
        tpu.enqueue_indirect_dma source(%dma_start3A_196 : memref<1024x280xf32, #tpu.memory_space<vmem_shared>>) target(%dma_start3A_192 : memref<64x280xf32, #tpu.memory_space<vmem>>) offsets(%dma_start3A_193 : memref<64xi32, #tpu.memory_space<vmem>>) semaphore(%arg9 : memref<!tpu.dma_semaphore, #tpu.memory_space<semaphore_mem>>)
      } else {
      }
      %dma_wait3A_121 = arith.constant 1 : i32
      %dma_wait3A_122 = arith.constant 0 : i32
      %dma_wait3A_123 = arith.constant 0 : i32
      %dma_wait3A_124 = tpu.memref_slice %arg6[%dma_wait3A_121, %dma_wait3A_122, %dma_wait3A_123] : memref<2x64x280xf32, #tpu.memory_space<vmem>> -> memref<1x64x280xf32, #tpu.memory_space<vmem>>
      %dma_wait3A_125 = tpu.memref_squeeze %dma_wait3A_124 : memref<1x64x280xf32, #tpu.memory_space<vmem>> -> memref<64x280xf32, #tpu.memory_space<vmem>>
      %dma_wait3A_126 = arith.constant 0 : i32
      %dma_wait3A_127 = arith.constant 0 : i32
      %dma_wait3A_128 = tpu.memref_slice %arg3[%dma_wait3A_126, %dma_wait3A_127] : memref<1024x280xf32, #tpu.memory_space<hbm>> -> memref<64x280xf32, #tpu.memory_space<hbm>>
      %dma_wait3A_129 = arith.constant 0 : i32
      %dma_wait3A_130 = arith.constant 0 : i32
      %dma_wait3A_131 = tpu.memref_slice %arg6[%dma_wait3A_121, %dma_wait3A_129, %dma_wait3A_130] : memref<2x64x280xf32, #tpu.memory_space<vmem>> -> memref<1x64x280xf32, #tpu.memory_space<vmem>>
      %dma_wait3A_132 = tpu.memref_squeeze %dma_wait3A_131 : memref<1x64x280xf32, #tpu.memory_space<vmem>> -> memref<64x280xf32, #tpu.memory_space<vmem>>
      %dma_wait3A_133 = arith.constant 0 : i32
      %dma_wait3A_134 = arith.constant 0 : i32
      %dma_wait3A_135 = tpu.memref_slice %arg3[%dma_wait3A_133, %dma_wait3A_134] : memref<1024x280xf32, #tpu.memory_space<hbm>> -> memref<64x280xf32, #tpu.memory_space<hbm>>
      tpu.wait_dma2 semaphore(%arg10 : memref<!tpu.dma_semaphore, #tpu.memory_space<semaphore_mem>>) src(%dma_wait3A_135 : memref<64x280xf32, #tpu.memory_space<hbm>>) dst(%dma_wait3A_132 : memref<64x280xf32, #tpu.memory_space<vmem>>)
      %ge3A_136 = arith.constant 2 : i32
      %ge3A_137 = arith.cmpi sge, %add3A_113, %ge3A_136 : i32
      %convert_element_type3A_138 = arith.extui %ge3A_137 : i1 to i32
      %cond3A_139 = arith.constant 0 : i32
      %cond3A_140 = arith.cmpi ne, %convert_element_type3A_138, %cond3A_139 : i32
      scf.if %cond3A_140 {
        %dma_wait3A_184 = arith.constant 1 : i32
        %dma_wait3A_185 = arith.constant 0 : i32
        %dma_wait3A_186 = arith.constant 0 : i32
        %dma_wait3A_187 = tpu.memref_slice %arg7[%dma_wait3A_184, %dma_wait3A_185, %dma_wait3A_186] : memref<2x4x4416xf32, #tpu.memory_space<vmem>> -> memref<1x4x4416xf32, #tpu.memory_space<vmem>>
        %dma_wait3A_188 = tpu.memref_squeeze %dma_wait3A_187 : memref<1x4x4416xf32, #tpu.memory_space<vmem>> -> memref<4x4416xf32, #tpu.memory_space<vmem>>
        %dma_wait3A_189 = arith.constant 0 : i32
        %dma_wait3A_190 = arith.constant 0 : i32
        %dma_wait3A_191 = tpu.memref_slice %arg4[%dma_wait3A_189, %dma_wait3A_190] : memref<16384x4416xf32, #tpu.memory_space<hbm>> -> memref<4x4416xf32, #tpu.memory_space<hbm>>
        %dma_wait3A_192 = arith.constant 0 : i32
        %dma_wait3A_193 = arith.constant 0 : i32
        %dma_wait3A_194 = tpu.memref_slice %arg4[%dma_wait3A_192, %dma_wait3A_193] : memref<16384x4416xf32, #tpu.memory_space<hbm>> -> memref<4x4416xf32, #tpu.memory_space<hbm>>
        %dma_wait3A_195 = arith.constant 0 : i32
        %dma_wait3A_196 = arith.constant 0 : i32
        %dma_wait3A_197 = tpu.memref_slice %arg7[%dma_wait3A_184, %dma_wait3A_195, %dma_wait3A_196] : memref<2x4x4416xf32, #tpu.memory_space<vmem>> -> memref<1x4x4416xf32, #tpu.memory_space<vmem>>
        %dma_wait3A_198 = tpu.memref_squeeze %dma_wait3A_197 : memref<1x4x4416xf32, #tpu.memory_space<vmem>> -> memref<4x4416xf32, #tpu.memory_space<vmem>>
        tpu.wait_dma2 semaphore(%arg12 : memref<!tpu.dma_semaphore, #tpu.memory_space<semaphore_mem>>) src(%dma_wait3A_198 : memref<4x4416xf32, #tpu.memory_space<vmem>>) dst(%dma_wait3A_194 : memref<4x4416xf32, #tpu.memory_space<hbm>>)
      } else {
      }
      %parallel_loop3A_141 = arith.constant 0 : i32
      %parallel_loop3A_142 = arith.constant 64 : i32
      %parallel_loop3A_143 = arith.constant 1 : i32
      scf.for %parallel_loop3A_184 = %parallel_loop3A_141 to %parallel_loop3A_142 step %parallel_loop3A_143  : i32 {
        %parallel_loop3A_185 = arith.constant 16 : i32
        %parallel_loop3A_186 = arith.divsi %parallel_loop3A_184, %parallel_loop3A_185 : i32
        %parallel_loop3A_187 = arith.constant 0 : i32
        %parallel_loop3A_188 = arith.cmpi sgt, %parallel_loop3A_184, %parallel_loop3A_187 : i32
        %parallel_loop3A_189 = arith.extui %parallel_loop3A_188 : i1 to i32
        %parallel_loop3A_190 = arith.constant 0 : i32
        %parallel_loop3A_191 = arith.cmpi slt, %parallel_loop3A_184, %parallel_loop3A_190 : i32
        %parallel_loop3A_192 = arith.extui %parallel_loop3A_191 : i1 to i32
        %parallel_loop3A_193 = arith.subi %parallel_loop3A_189, %parallel_loop3A_192 : i32
        %parallel_loop3A_194 = arith.constant 0 : i32
        %parallel_loop3A_195 = arith.cmpi sgt, %parallel_loop3A_185, %parallel_loop3A_194 : i32
        %parallel_loop3A_196 = arith.extui %parallel_loop3A_195 : i1 to i32
        %parallel_loop3A_197 = arith.constant 0 : i32
        %parallel_loop3A_198 = arith.cmpi slt, %parallel_loop3A_185, %parallel_loop3A_197 : i32
        %parallel_loop3A_199 = arith.extui %parallel_loop3A_198 : i1 to i32
        %parallel_loop3A_200 = arith.subi %parallel_loop3A_196, %parallel_loop3A_199 : i32
        %parallel_loop3A_201 = arith.cmpi ne, %parallel_loop3A_193, %parallel_loop3A_200 : i32
        %parallel_loop3A_202 = arith.remsi %parallel_loop3A_184, %parallel_loop3A_185 : i32
        %parallel_loop3A_203 = arith.constant 0 : i32
        %parallel_loop3A_204 = arith.cmpi ne, %parallel_loop3A_202, %parallel_loop3A_203 : i32
        %parallel_loop3A_205 = arith.andi %parallel_loop3A_201, %parallel_loop3A_204 : i1
        %parallel_loop3A_206 = arith.constant 1 : i32
        %parallel_loop3A_207 = arith.subi %parallel_loop3A_186, %parallel_loop3A_206 : i32
        %parallel_loop3A_208 = arith.select %parallel_loop3A_205, %parallel_loop3A_207, %parallel_loop3A_186 : i32
        %parallel_loop3A_209 = arith.constant 16 : i32
        %parallel_loop3A_210 = arith.constant 0 : i32
        %parallel_loop3A_211 = arith.cmpi eq, %parallel_loop3A_209, %parallel_loop3A_210 : i32
        %parallel_loop3A_212 = arith.constant 1 : i32
        %parallel_loop3A_213 = arith.select %parallel_loop3A_211, %parallel_loop3A_212, %parallel_loop3A_209 : i32
        %parallel_loop3A_214 = arith.remsi %parallel_loop3A_184, %parallel_loop3A_213 : i32
        %parallel_loop3A_215 = arith.constant 0 : i32
        %parallel_loop3A_216 = arith.cmpi ne, %parallel_loop3A_214, %parallel_loop3A_215 : i32
        %parallel_loop3A_217 = arith.constant 0 : i32
        %parallel_loop3A_218 = arith.cmpi slt, %parallel_loop3A_214, %parallel_loop3A_217 : i32
        %parallel_loop3A_219 = arith.constant 0 : i32
        %parallel_loop3A_220 = arith.cmpi slt, %parallel_loop3A_213, %parallel_loop3A_219 : i32
        %parallel_loop3A_221 = arith.xori %parallel_loop3A_218, %parallel_loop3A_220 : i1
        %parallel_loop3A_222 = arith.andi %parallel_loop3A_221, %parallel_loop3A_216 : i1
        %parallel_loop3A_223 = arith.addi %parallel_loop3A_214, %parallel_loop3A_213 : i32
        %parallel_loop3A_224 = arith.select %parallel_loop3A_222, %parallel_loop3A_223, %parallel_loop3A_214 : i32
        %parallel_loop3A_225 = arith.constant 276 : i32
        %parallel_loop3A_226 = arith.muli %parallel_loop3A_224, %parallel_loop3A_225 : i32
        %parallel_loop3A_227 = arith.constant 1 : i32
        %parallel_loop3A_228 = arith.index_cast %parallel_loop3A_227 : i32 to index
        %parallel_loop3A_229 = arith.index_cast %parallel_loop3A_184 : i32 to index
        %parallel_loop3A_230 = arith.constant 0 : index
        %parallel_loop3A_231 = tpu.vector_load %arg6[%parallel_loop3A_228, %parallel_loop3A_229, %parallel_loop3A_230] {strides = array<i32>} : memref<2x64x280xf32, #tpu.memory_space<vmem>>, vector<1x1x16xf32>,
        %parallel_loop3A_232 = vector.shape_cast %parallel_loop3A_231 : vector<1x1x16xf32> to vector<16xf32>
        %parallel_loop3A_233 = arith.constant 0 : i32
        %parallel_loop3A_234 = arith.addi %parallel_loop3A_226, %parallel_loop3A_233 : i32
        %parallel_loop3A_235 = arith.constant 1 : i32
        %parallel_loop3A_236 = arith.index_cast %parallel_loop3A_235 : i32 to index
        %parallel_loop3A_237 = arith.index_cast %parallel_loop3A_208 : i32 to index
        %parallel_loop3A_238 = arith.index_cast %parallel_loop3A_234 : i32 to index
        %parallel_loop3A_239 = tpu.vector_load %arg7[%parallel_loop3A_236, %parallel_loop3A_237, %parallel_loop3A_238] {strides = array<i32>} : memref<2x4x4416xf32, #tpu.memory_space<vmem>>, vector<1x1x16xf32>,
        %parallel_loop3A_240 = vector.shape_cast %parallel_loop3A_239 : vector<1x1x16xf32> to vector<16xf32>
        %parallel_loop3A_241 = vector.shape_cast %parallel_loop3A_232 : vector<16xf32> to vector<1x1x16xf32>
        tpu.vector_store %arg7[%parallel_loop3A_236, %parallel_loop3A_237, %parallel_loop3A_238], %parallel_loop3A_241 {strides = array<i32>} : memref<2x4x4416xf32, #tpu.memory_space<vmem>>, vector<1x1x16xf32>,
        %parallel_loop3A_242 = arith.constant 1 : i32
        %parallel_loop3A_243 = arith.index_cast %parallel_loop3A_242 : i32 to index
        %parallel_loop3A_244 = arith.index_cast %parallel_loop3A_184 : i32 to index
        %parallel_loop3A_245 = arith.constant 16 : index
        %parallel_loop3A_246 = tpu.vector_load %arg6[%parallel_loop3A_243, %parallel_loop3A_244, %parallel_loop3A_245] {strides = array<i32>} : memref<2x64x280xf32, #tpu.memory_space<vmem>>, vector<1x1x16xf32>,
        %parallel_loop3A_247 = vector.shape_cast %parallel_loop3A_246 : vector<1x1x16xf32> to vector<16xf32>
        %parallel_loop3A_248 = arith.constant 16 : i32
        %parallel_loop3A_249 = arith.addi %parallel_loop3A_226, %parallel_loop3A_248 : i32
        %parallel_loop3A_250 = arith.constant 1 : i32
        %parallel_loop3A_251 = arith.index_cast %parallel_loop3A_250 : i32 to index
        %parallel_loop3A_252 = arith.index_cast %parallel_loop3A_208 : i32 to index
        %parallel_loop3A_253 = arith.index_cast %parallel_loop3A_249 : i32 to index
        %parallel_loop3A_254 = tpu.vector_load %arg7[%parallel_loop3A_251, %parallel_loop3A_252, %parallel_loop3A_253] {strides = array<i32>} : memref<2x4x4416xf32, #tpu.memory_space<vmem>>, vector<1x1x16xf32>,
        %parallel_loop3A_255 = vector.shape_cast %parallel_loop3A_254 : vector<1x1x16xf32> to vector<16xf32>
        %parallel_loop3A_256 = vector.shape_cast %parallel_loop3A_247 : vector<16xf32> to vector<1x1x16xf32>
        tpu.vector_store %arg7[%parallel_loop3A_251, %parallel_loop3A_252, %parallel_loop3A_253], %parallel_loop3A_256 {strides = array<i32>} : memref<2x4x4416xf32, #tpu.memory_space<vmem>>, vector<1x1x16xf32>,
        %parallel_loop3A_257 = arith.constant 1 : i32
        %parallel_loop3A_258 = arith.index_cast %parallel_loop3A_257 : i32 to index
        %parallel_loop3A_259 = arith.index_cast %parallel_loop3A_184 : i32 to index
        %parallel_loop3A_260 = arith.constant 32 : index
        %parallel_loop3A_261 = tpu.vector_load %arg6[%parallel_loop3A_258, %parallel_loop3A_259, %parallel_loop3A_260] {strides = array<i32>} : memref<2x64x280xf32, #tpu.memory_space<vmem>>, vector<1x1x16xf32>,
        %parallel_loop3A_262 = vector.shape_cast %parallel_loop3A_261 : vector<1x1x16xf32> to vector<16xf32>
        %parallel_loop3A_263 = arith.constant 32 : i32
        %parallel_loop3A_264 = arith.addi %parallel_loop3A_226, %parallel_loop3A_263 : i32
        %parallel_loop3A_265 = arith.constant 1 : i32
        %parallel_loop3A_266 = arith.index_cast %parallel_loop3A_265 : i32 to index
        %parallel_loop3A_267 = arith.index_cast %parallel_loop3A_208 : i32 to index
        %parallel_loop3A_268 = arith.index_cast %parallel_loop3A_264 : i32 to index
        %parallel_loop3A_269 = tpu.vector_load %arg7[%parallel_loop3A_266, %parallel_loop3A_267, %parallel_loop3A_268] {strides = array<i32>} : memref<2x4x4416xf32, #tpu.memory_space<vmem>>, vector<1x1x16xf32>,
        %parallel_loop3A_270 = vector.shape_cast %parallel_loop3A_269 : vector<1x1x16xf32> to vector<16xf32>
        %parallel_loop3A_271 = vector.shape_cast %parallel_loop3A_262 : vector<16xf32> to vector<1x1x16xf32>
        tpu.vector_store %arg7[%parallel_loop3A_266, %parallel_loop3A_267, %parallel_loop3A_268], %parallel_loop3A_271 {strides = array<i32>} : memref<2x4x4416xf32, #tpu.memory_space<vmem>>, vector<1x1x16xf32>,
        %parallel_loop3A_272 = arith.constant 1 : i32
        %parallel_loop3A_273 = arith.index_cast %parallel_loop3A_272 : i32 to index
        %parallel_loop3A_274 = arith.index_cast %parallel_loop3A_184 : i32 to index
        %parallel_loop3A_275 = arith.constant 48 : index
        %parallel_loop3A_276 = tpu.vector_load %arg6[%parallel_loop3A_273, %parallel_loop3A_274, %parallel_loop3A_275] {strides = array<i32>} : memref<2x64x280xf32, #tpu.memory_space<vmem>>, vector<1x1x16xf32>,
        %parallel_loop3A_277 = vector.shape_cast %parallel_loop3A_276 : vector<1x1x16xf32> to vector<16xf32>
        %parallel_loop3A_278 = arith.constant 48 : i32
        %parallel_loop3A_279 = arith.addi %parallel_loop3A_226, %parallel_loop3A_278 : i32
        %parallel_loop3A_280 = arith.constant 1 : i32
        %parallel_loop3A_281 = arith.index_cast %parallel_loop3A_280 : i32 to index
        %parallel_loop3A_282 = arith.index_cast %parallel_loop3A_208 : i32 to index
        %parallel_loop3A_283 = arith.index_cast %parallel_loop3A_279 : i32 to index
        %parallel_loop3A_284 = tpu.vector_load %arg7[%parallel_loop3A_281, %parallel_loop3A_282, %parallel_loop3A_283] {strides = array<i32>} : memref<2x4x4416xf32, #tpu.memory_space<vmem>>, vector<1x1x16xf32>,
        %parallel_loop3A_285 = vector.shape_cast %parallel_loop3A_284 : vector<1x1x16xf32> to vector<16xf32>
        %parallel_loop3A_286 = vector.shape_cast %parallel_loop3A_277 : vector<16xf32> to vector<1x1x16xf32>
        tpu.vector_store %arg7[%parallel_loop3A_281, %parallel_loop3A_282, %parallel_loop3A_283], %parallel_loop3A_286 {strides = array<i32>} : memref<2x4x4416xf32, #tpu.memory_space<vmem>>, vector<1x1x16xf32>,
        %parallel_loop3A_287 = arith.constant 1 : i32
        %parallel_loop3A_288 = arith.index_cast %parallel_loop3A_287 : i32 to index
        %parallel_loop3A_289 = arith.index_cast %parallel_loop3A_184 : i32 to index
        %parallel_loop3A_290 = arith.constant 64 : index
        %parallel_loop3A_291 = tpu.vector_load %arg6[%parallel_loop3A_288, %parallel_loop3A_289, %parallel_loop3A_290] {strides = array<i32>} : memref<2x64x280xf32, #tpu.memory_space<vmem>>, vector<1x1x16xf32>,
        %parallel_loop3A_292 = vector.shape_cast %parallel_loop3A_291 : vector<1x1x16xf32> to vector<16xf32>
        %parallel_loop3A_293 = arith.constant 64 : i32
        %parallel_loop3A_294 = arith.addi %parallel_loop3A_226, %parallel_loop3A_293 : i32
        %parallel_loop3A_295 = arith.constant 1 : i32
        %parallel_loop3A_296 = arith.index_cast %parallel_loop3A_295 : i32 to index
        %parallel_loop3A_297 = arith.index_cast %parallel_loop3A_208 : i32 to index
        %parallel_loop3A_298 = arith.index_cast %parallel_loop3A_294 : i32 to index
        %parallel_loop3A_299 = tpu.vector_load %arg7[%parallel_loop3A_296, %parallel_loop3A_297, %parallel_loop3A_298] {strides = array<i32>} : memref<2x4x4416xf32, #tpu.memory_space<vmem>>, vector<1x1x16xf32>,
        %parallel_loop3A_300 = vector.shape_cast %parallel_loop3A_299 : vector<1x1x16xf32> to vector<16xf32>
        %parallel_loop3A_301 = vector.shape_cast %parallel_loop3A_292 : vector<16xf32> to vector<1x1x16xf32>
        tpu.vector_store %arg7[%parallel_loop3A_296, %parallel_loop3A_297, %parallel_loop3A_298], %parallel_loop3A_301 {strides = array<i32>} : memref<2x4x4416xf32, #tpu.memory_space<vmem>>, vector<1x1x16xf32>,
        %parallel_loop3A_302 = arith.constant 1 : i32
        %parallel_loop3A_303 = arith.index_cast %parallel_loop3A_302 : i32 to index
        %parallel_loop3A_304 = arith.index_cast %parallel_loop3A_184 : i32 to index
        %parallel_loop3A_305 = arith.constant 80 : index
        %parallel_loop3A_306 = tpu.vector_load %arg6[%parallel_loop3A_303, %parallel_loop3A_304, %parallel_loop3A_305] {strides = array<i32>} : memref<2x64x280xf32, #tpu.memory_space<vmem>>, vector<1x1x16xf32>,
        %parallel_loop3A_307 = vector.shape_cast %parallel_loop3A_306 : vector<1x1x16xf32> to vector<16xf32>
        %parallel_loop3A_308 = arith.constant 80 : i32
        %parallel_loop3A_309 = arith.addi %parallel_loop3A_226, %parallel_loop3A_308 : i32
        %parallel_loop3A_310 = arith.constant 1 : i32
        %parallel_loop3A_311 = arith.index_cast %parallel_loop3A_310 : i32 to index
        %parallel_loop3A_312 = arith.index_cast %parallel_loop3A_208 : i32 to index
        %parallel_loop3A_313 = arith.index_cast %parallel_loop3A_309 : i32 to index
        %parallel_loop3A_314 = tpu.vector_load %arg7[%parallel_loop3A_311, %parallel_loop3A_312, %parallel_loop3A_313] {strides = array<i32>} : memref<2x4x4416xf32, #tpu.memory_space<vmem>>, vector<1x1x16xf32>,
        %parallel_loop3A_315 = vector.shape_cast %parallel_loop3A_314 : vector<1x1x16xf32> to vector<16xf32>
        %parallel_loop3A_316 = vector.shape_cast %parallel_loop3A_307 : vector<16xf32> to vector<1x1x16xf32>
        tpu.vector_store %arg7[%parallel_loop3A_311, %parallel_loop3A_312, %parallel_loop3A_313], %parallel_loop3A_316 {strides = array<i32>} : memref<2x4x4416xf32, #tpu.memory_space<vmem>>, vector<1x1x16xf32>,
        %parallel_loop3A_317 = arith.constant 1 : i32
        %parallel_loop3A_318 = arith.index_cast %parallel_loop3A_317 : i32 to index
        %parallel_loop3A_319 = arith.index_cast %parallel_loop3A_184 : i32 to index
        %parallel_loop3A_320 = arith.constant 96 : index
        %parallel_loop3A_321 = tpu.vector_load %arg6[%parallel_loop3A_318, %parallel_loop3A_319, %parallel_loop3A_320] {strides = array<i32>} : memref<2x64x280xf32, #tpu.memory_space<vmem>>, vector<1x1x16xf32>,
        %parallel_loop3A_322 = vector.shape_cast %parallel_loop3A_321 : vector<1x1x16xf32> to vector<16xf32>
        %parallel_loop3A_323 = arith.constant 96 : i32
        %parallel_loop3A_324 = arith.addi %parallel_loop3A_226, %parallel_loop3A_323 : i32
        %parallel_loop3A_325 = arith.constant 1 : i32
        %parallel_loop3A_326 = arith.index_cast %parallel_loop3A_325 : i32 to index
        %parallel_loop3A_327 = arith.index_cast %parallel_loop3A_208 : i32 to index
        %parallel_loop3A_328 = arith.index_cast %parallel_loop3A_324 : i32 to index
        %parallel_loop3A_329 = tpu.vector_load %arg7[%parallel_loop3A_326, %parallel_loop3A_327, %parallel_loop3A_328] {strides = array<i32>} : memref<2x4x4416xf32, #tpu.memory_space<vmem>>, vector<1x1x16xf32>,
        %parallel_loop3A_330 = vector.shape_cast %parallel_loop3A_329 : vector<1x1x16xf32> to vector<16xf32>
        %parallel_loop3A_331 = vector.shape_cast %parallel_loop3A_322 : vector<16xf32> to vector<1x1x16xf32>
        tpu.vector_store %arg7[%parallel_loop3A_326, %parallel_loop3A_327, %parallel_loop3A_328], %parallel_loop3A_331 {strides = array<i32>} : memref<2x4x4416xf32, #tpu.memory_space<vmem>>, vector<1x1x16xf32>,
        %parallel_loop3A_332 = arith.constant 1 : i32
        %parallel_loop3A_333 = arith.index_cast %parallel_loop3A_332 : i32 to index
        %parallel_loop3A_334 = arith.index_cast %parallel_loop3A_184 : i32 to index
        %parallel_loop3A_335 = arith.constant 112 : index
        %parallel_loop3A_336 = tpu.vector_load %arg6[%parallel_loop3A_333, %parallel_loop3A_334, %parallel_loop3A_335] {strides = array<i32>} : memref<2x64x280xf32, #tpu.memory_space<vmem>>, vector<1x1x16xf32>,
        %parallel_loop3A_337 = vector.shape_cast %parallel_loop3A_336 : vector<1x1x16xf32> to vector<16xf32>
        %parallel_loop3A_338 = arith.constant 112 : i32
        %parallel_loop3A_339 = arith.addi %parallel_loop3A_226, %parallel_loop3A_338 : i32
        %parallel_loop3A_340 = arith.constant 1 : i32
        %parallel_loop3A_341 = arith.index_cast %parallel_loop3A_340 : i32 to index
        %parallel_loop3A_342 = arith.index_cast %parallel_loop3A_208 : i32 to index
        %parallel_loop3A_343 = arith.index_cast %parallel_loop3A_339 : i32 to index
        %parallel_loop3A_344 = tpu.vector_load %arg7[%parallel_loop3A_341, %parallel_loop3A_342, %parallel_loop3A_343] {strides = array<i32>} : memref<2x4x4416xf32, #tpu.memory_space<vmem>>, vector<1x1x16xf32>,
        %parallel_loop3A_345 = vector.shape_cast %parallel_loop3A_344 : vector<1x1x16xf32> to vector<16xf32>
        %parallel_loop3A_346 = vector.shape_cast %parallel_loop3A_337 : vector<16xf32> to vector<1x1x16xf32>
        tpu.vector_store %arg7[%parallel_loop3A_341, %parallel_loop3A_342, %parallel_loop3A_343], %parallel_loop3A_346 {strides = array<i32>} : memref<2x4x4416xf32, #tpu.memory_space<vmem>>, vector<1x1x16xf32>,
        %parallel_loop3A_347 = arith.constant 1 : i32
        %parallel_loop3A_348 = arith.index_cast %parallel_loop3A_347 : i32 to index
        %parallel_loop3A_349 = arith.index_cast %parallel_loop3A_184 : i32 to index
        %parallel_loop3A_350 = arith.constant 128 : index
        %parallel_loop3A_351 = tpu.vector_load %arg6[%parallel_loop3A_348, %parallel_loop3A_349, %parallel_loop3A_350] {strides = array<i32>} : memref<2x64x280xf32, #tpu.memory_space<vmem>>, vector<1x1x16xf32>,
        %parallel_loop3A_352 = vector.shape_cast %parallel_loop3A_351 : vector<1x1x16xf32> to vector<16xf32>
        %parallel_loop3A_353 = arith.constant 128 : i32
        %parallel_loop3A_354 = arith.addi %parallel_loop3A_226, %parallel_loop3A_353 : i32
        %parallel_loop3A_355 = arith.constant 1 : i32
        %parallel_loop3A_356 = arith.index_cast %parallel_loop3A_355 : i32 to index
        %parallel_loop3A_357 = arith.index_cast %parallel_loop3A_208 : i32 to index
        %parallel_loop3A_358 = arith.index_cast %parallel_loop3A_354 : i32 to index
        %parallel_loop3A_359 = tpu.vector_load %arg7[%parallel_loop3A_356, %parallel_loop3A_357, %parallel_loop3A_358] {strides = array<i32>} : memref<2x4x4416xf32, #tpu.memory_space<vmem>>, vector<1x1x16xf32>,
        %parallel_loop3A_360 = vector.shape_cast %parallel_loop3A_359 : vector<1x1x16xf32> to vector<16xf32>
        %parallel_loop3A_361 = vector.shape_cast %parallel_loop3A_352 : vector<16xf32> to vector<1x1x16xf32>
        tpu.vector_store %arg7[%parallel_loop3A_356, %parallel_loop3A_357, %parallel_loop3A_358], %parallel_loop3A_361 {strides = array<i32>} : memref<2x4x4416xf32, #tpu.memory_space<vmem>>, vector<1x1x16xf32>,
        %parallel_loop3A_362 = arith.constant 1 : i32
        %parallel_loop3A_363 = arith.index_cast %parallel_loop3A_362 : i32 to index
        %parallel_loop3A_364 = arith.index_cast %parallel_loop3A_184 : i32 to index
        %parallel_loop3A_365 = arith.constant 144 : index
        %parallel_loop3A_366 = tpu.vector_load %arg6[%parallel_loop3A_363, %parallel_loop3A_364, %parallel_loop3A_365] {strides = array<i32>} : memref<2x64x280xf32, #tpu.memory_space<vmem>>, vector<1x1x16xf32>,
        %parallel_loop3A_367 = vector.shape_cast %parallel_loop3A_366 : vector<1x1x16xf32> to vector<16xf32>
        %parallel_loop3A_368 = arith.constant 144 : i32
        %parallel_loop3A_369 = arith.addi %parallel_loop3A_226, %parallel_loop3A_368 : i32
        %parallel_loop3A_370 = arith.constant 1 : i32
        %parallel_loop3A_371 = arith.index_cast %parallel_loop3A_370 : i32 to index
        %parallel_loop3A_372 = arith.index_cast %parallel_loop3A_208 : i32 to index
        %parallel_loop3A_373 = arith.index_cast %parallel_loop3A_369 : i32 to index
        %parallel_loop3A_374 = tpu.vector_load %arg7[%parallel_loop3A_371, %parallel_loop3A_372, %parallel_loop3A_373] {strides = array<i32>} : memref<2x4x4416xf32, #tpu.memory_space<vmem>>, vector<1x1x16xf32>,
        %parallel_loop3A_375 = vector.shape_cast %parallel_loop3A_374 : vector<1x1x16xf32> to vector<16xf32>
        %parallel_loop3A_376 = vector.shape_cast %parallel_loop3A_367 : vector<16xf32> to vector<1x1x16xf32>
        tpu.vector_store %arg7[%parallel_loop3A_371, %parallel_loop3A_372, %parallel_loop3A_373], %parallel_loop3A_376 {strides = array<i32>} : memref<2x4x4416xf32, #tpu.memory_space<vmem>>, vector<1x1x16xf32>,
        %parallel_loop3A_377 = arith.constant 1 : i32
        %parallel_loop3A_378 = arith.index_cast %parallel_loop3A_377 : i32 to index
        %parallel_loop3A_379 = arith.index_cast %parallel_loop3A_184 : i32 to index
        %parallel_loop3A_380 = arith.constant 160 : index
        %parallel_loop3A_381 = tpu.vector_load %arg6[%parallel_loop3A_378, %parallel_loop3A_379, %parallel_loop3A_380] {strides = array<i32>} : memref<2x64x280xf32, #tpu.memory_space<vmem>>, vector<1x1x16xf32>,
        %parallel_loop3A_382 = vector.shape_cast %parallel_loop3A_381 : vector<1x1x16xf32> to vector<16xf32>
        %parallel_loop3A_383 = arith.constant 160 : i32
        %parallel_loop3A_384 = arith.addi %parallel_loop3A_226, %parallel_loop3A_383 : i32
        %parallel_loop3A_385 = arith.constant 1 : i32
        %parallel_loop3A_386 = arith.index_cast %parallel_loop3A_385 : i32 to index
        %parallel_loop3A_387 = arith.index_cast %parallel_loop3A_208 : i32 to index
        %parallel_loop3A_388 = arith.index_cast %parallel_loop3A_384 : i32 to index
        %parallel_loop3A_389 = tpu.vector_load %arg7[%parallel_loop3A_386, %parallel_loop3A_387, %parallel_loop3A_388] {strides = array<i32>} : memref<2x4x4416xf32, #tpu.memory_space<vmem>>, vector<1x1x16xf32>,
        %parallel_loop3A_390 = vector.shape_cast %parallel_loop3A_389 : vector<1x1x16xf32> to vector<16xf32>
        %parallel_loop3A_391 = vector.shape_cast %parallel_loop3A_382 : vector<16xf32> to vector<1x1x16xf32>
        tpu.vector_store %arg7[%parallel_loop3A_386, %parallel_loop3A_387, %parallel_loop3A_388], %parallel_loop3A_391 {strides = array<i32>} : memref<2x4x4416xf32, #tpu.memory_space<vmem>>, vector<1x1x16xf32>,
        %parallel_loop3A_392 = arith.constant 1 : i32
        %parallel_loop3A_393 = arith.index_cast %parallel_loop3A_392 : i32 to index
        %parallel_loop3A_394 = arith.index_cast %parallel_loop3A_184 : i32 to index
        %parallel_loop3A_395 = arith.constant 176 : index
        %parallel_loop3A_396 = tpu.vector_load %arg6[%parallel_loop3A_393, %parallel_loop3A_394, %parallel_loop3A_395] {strides = array<i32>} : memref<2x64x280xf32, #tpu.memory_space<vmem>>, vector<1x1x16xf32>,
        %parallel_loop3A_397 = vector.shape_cast %parallel_loop3A_396 : vector<1x1x16xf32> to vector<16xf32>
        %parallel_loop3A_398 = arith.constant 176 : i32
        %parallel_loop3A_399 = arith.addi %parallel_loop3A_226, %parallel_loop3A_398 : i32
        %parallel_loop3A_400 = arith.constant 1 : i32
        %parallel_loop3A_401 = arith.index_cast %parallel_loop3A_400 : i32 to index
        %parallel_loop3A_402 = arith.index_cast %parallel_loop3A_208 : i32 to index
        %parallel_loop3A_403 = arith.index_cast %parallel_loop3A_399 : i32 to index
        %parallel_loop3A_404 = tpu.vector_load %arg7[%parallel_loop3A_401, %parallel_loop3A_402, %parallel_loop3A_403] {strides = array<i32>} : memref<2x4x4416xf32, #tpu.memory_space<vmem>>, vector<1x1x16xf32>,
        %parallel_loop3A_405 = vector.shape_cast %parallel_loop3A_404 : vector<1x1x16xf32> to vector<16xf32>
        %parallel_loop3A_406 = vector.shape_cast %parallel_loop3A_397 : vector<16xf32> to vector<1x1x16xf32>
        tpu.vector_store %arg7[%parallel_loop3A_401, %parallel_loop3A_402, %parallel_loop3A_403], %parallel_loop3A_406 {strides = array<i32>} : memref<2x4x4416xf32, #tpu.memory_space<vmem>>, vector<1x1x16xf32>,
        %parallel_loop3A_407 = arith.constant 1 : i32
        %parallel_loop3A_408 = arith.index_cast %parallel_loop3A_407 : i32 to index
        %parallel_loop3A_409 = arith.index_cast %parallel_loop3A_184 : i32 to index
        %parallel_loop3A_410 = arith.constant 192 : index
        %parallel_loop3A_411 = tpu.vector_load %arg6[%parallel_loop3A_408, %parallel_loop3A_409, %parallel_loop3A_410] {strides = array<i32>} : memref<2x64x280xf32, #tpu.memory_space<vmem>>, vector<1x1x16xf32>,
        %parallel_loop3A_412 = vector.shape_cast %parallel_loop3A_411 : vector<1x1x16xf32> to vector<16xf32>
        %parallel_loop3A_413 = arith.constant 192 : i32
        %parallel_loop3A_414 = arith.addi %parallel_loop3A_226, %parallel_loop3A_413 : i32
        %parallel_loop3A_415 = arith.constant 1 : i32
        %parallel_loop3A_416 = arith.index_cast %parallel_loop3A_415 : i32 to index
        %parallel_loop3A_417 = arith.index_cast %parallel_loop3A_208 : i32 to index
        %parallel_loop3A_418 = arith.index_cast %parallel_loop3A_414 : i32 to index
        %parallel_loop3A_419 = tpu.vector_load %arg7[%parallel_loop3A_416, %parallel_loop3A_417, %parallel_loop3A_418] {strides = array<i32>} : memref<2x4x4416xf32, #tpu.memory_space<vmem>>, vector<1x1x16xf32>,
        %parallel_loop3A_420 = vector.shape_cast %parallel_loop3A_419 : vector<1x1x16xf32> to vector<16xf32>
        %parallel_loop3A_421 = vector.shape_cast %parallel_loop3A_412 : vector<16xf32> to vector<1x1x16xf32>
        tpu.vector_store %arg7[%parallel_loop3A_416, %parallel_loop3A_417, %parallel_loop3A_418], %parallel_loop3A_421 {strides = array<i32>} : memref<2x4x4416xf32, #tpu.memory_space<vmem>>, vector<1x1x16xf32>,
        %parallel_loop3A_422 = arith.constant 1 : i32
        %parallel_loop3A_423 = arith.index_cast %parallel_loop3A_422 : i32 to index
        %parallel_loop3A_424 = arith.index_cast %parallel_loop3A_184 : i32 to index
        %parallel_loop3A_425 = arith.constant 208 : index
        %parallel_loop3A_426 = tpu.vector_load %arg6[%parallel_loop3A_423, %parallel_loop3A_424, %parallel_loop3A_425] {strides = array<i32>} : memref<2x64x280xf32, #tpu.memory_space<vmem>>, vector<1x1x16xf32>,
        %parallel_loop3A_427 = vector.shape_cast %parallel_loop3A_426 : vector<1x1x16xf32> to vector<16xf32>
        %parallel_loop3A_428 = arith.constant 208 : i32
        %parallel_loop3A_429 = arith.addi %parallel_loop3A_226, %parallel_loop3A_428 : i32
        %parallel_loop3A_430 = arith.constant 1 : i32
        %parallel_loop3A_431 = arith.index_cast %parallel_loop3A_430 : i32 to index
        %parallel_loop3A_432 = arith.index_cast %parallel_loop3A_208 : i32 to index
        %parallel_loop3A_433 = arith.index_cast %parallel_loop3A_429 : i32 to index
        %parallel_loop3A_434 = tpu.vector_load %arg7[%parallel_loop3A_431, %parallel_loop3A_432, %parallel_loop3A_433] {strides = array<i32>} : memref<2x4x4416xf32, #tpu.memory_space<vmem>>, vector<1x1x16xf32>,
        %parallel_loop3A_435 = vector.shape_cast %parallel_loop3A_434 : vector<1x1x16xf32> to vector<16xf32>
        %parallel_loop3A_436 = vector.shape_cast %parallel_loop3A_427 : vector<16xf32> to vector<1x1x16xf32>
        tpu.vector_store %arg7[%parallel_loop3A_431, %parallel_loop3A_432, %parallel_loop3A_433], %parallel_loop3A_436 {strides = array<i32>} : memref<2x4x4416xf32, #tpu.memory_space<vmem>>, vector<1x1x16xf32>,
        %parallel_loop3A_437 = arith.constant 1 : i32
        %parallel_loop3A_438 = arith.index_cast %parallel_loop3A_437 : i32 to index
        %parallel_loop3A_439 = arith.index_cast %parallel_loop3A_184 : i32 to index
        %parallel_loop3A_440 = arith.constant 224 : index
        %parallel_loop3A_441 = tpu.vector_load %arg6[%parallel_loop3A_438, %parallel_loop3A_439, %parallel_loop3A_440] {strides = array<i32>} : memref<2x64x280xf32, #tpu.memory_space<vmem>>, vector<1x1x16xf32>,
        %parallel_loop3A_442 = vector.shape_cast %parallel_loop3A_441 : vector<1x1x16xf32> to vector<16xf32>
        %parallel_loop3A_443 = arith.constant 224 : i32
        %parallel_loop3A_444 = arith.addi %parallel_loop3A_226, %parallel_loop3A_443 : i32
        %parallel_loop3A_445 = arith.constant 1 : i32
        %parallel_loop3A_446 = arith.index_cast %parallel_loop3A_445 : i32 to index
        %parallel_loop3A_447 = arith.index_cast %parallel_loop3A_208 : i32 to index
        %parallel_loop3A_448 = arith.index_cast %parallel_loop3A_444 : i32 to index
        %parallel_loop3A_449 = tpu.vector_load %arg7[%parallel_loop3A_446, %parallel_loop3A_447, %parallel_loop3A_448] {strides = array<i32>} : memref<2x4x4416xf32, #tpu.memory_space<vmem>>, vector<1x1x16xf32>,
        %parallel_loop3A_450 = vector.shape_cast %parallel_loop3A_449 : vector<1x1x16xf32> to vector<16xf32>
        %parallel_loop3A_451 = vector.shape_cast %parallel_loop3A_442 : vector<16xf32> to vector<1x1x16xf32>
        tpu.vector_store %arg7[%parallel_loop3A_446, %parallel_loop3A_447, %parallel_loop3A_448], %parallel_loop3A_451 {strides = array<i32>} : memref<2x4x4416xf32, #tpu.memory_space<vmem>>, vector<1x1x16xf32>,
        %parallel_loop3A_452 = arith.constant 1 : i32
        %parallel_loop3A_453 = arith.index_cast %parallel_loop3A_452 : i32 to index
        %parallel_loop3A_454 = arith.index_cast %parallel_loop3A_184 : i32 to index
        %parallel_loop3A_455 = arith.constant 240 : index
        %parallel_loop3A_456 = tpu.vector_load %arg6[%parallel_loop3A_453, %parallel_loop3A_454, %parallel_loop3A_455] {strides = array<i32>} : memref<2x64x280xf32, #tpu.memory_space<vmem>>, vector<1x1x16xf32>,
        %parallel_loop3A_457 = vector.shape_cast %parallel_loop3A_456 : vector<1x1x16xf32> to vector<16xf32>
        %parallel_loop3A_458 = arith.constant 240 : i32
        %parallel_loop3A_459 = arith.addi %parallel_loop3A_226, %parallel_loop3A_458 : i32
        %parallel_loop3A_460 = arith.constant 1 : i32
        %parallel_loop3A_461 = arith.index_cast %parallel_loop3A_460 : i32 to index
        %parallel_loop3A_462 = arith.index_cast %parallel_loop3A_208 : i32 to index
        %parallel_loop3A_463 = arith.index_cast %parallel_loop3A_459 : i32 to index
        %parallel_loop3A_464 = tpu.vector_load %arg7[%parallel_loop3A_461, %parallel_loop3A_462, %parallel_loop3A_463] {strides = array<i32>} : memref<2x4x4416xf32, #tpu.memory_space<vmem>>, vector<1x1x16xf32>,
        %parallel_loop3A_465 = vector.shape_cast %parallel_loop3A_464 : vector<1x1x16xf32> to vector<16xf32>
        %parallel_loop3A_466 = vector.shape_cast %parallel_loop3A_457 : vector<16xf32> to vector<1x1x16xf32>
        tpu.vector_store %arg7[%parallel_loop3A_461, %parallel_loop3A_462, %parallel_loop3A_463], %parallel_loop3A_466 {strides = array<i32>} : memref<2x4x4416xf32, #tpu.memory_space<vmem>>, vector<1x1x16xf32>,
        %parallel_loop3A_467 = arith.constant 1 : i32
        %parallel_loop3A_468 = arith.index_cast %parallel_loop3A_467 : i32 to index
        %parallel_loop3A_469 = arith.index_cast %parallel_loop3A_184 : i32 to index
        %parallel_loop3A_470 = arith.constant 256 : index
        %parallel_loop3A_471 = tpu.vector_load %arg6[%parallel_loop3A_468, %parallel_loop3A_469, %parallel_loop3A_470] {strides = array<i32>} : memref<2x64x280xf32, #tpu.memory_space<vmem>>, vector<1x1x16xf32>,
        %parallel_loop3A_472 = vector.shape_cast %parallel_loop3A_471 : vector<1x1x16xf32> to vector<16xf32>
        %parallel_loop3A_473 = arith.constant 256 : i32
        %parallel_loop3A_474 = arith.addi %parallel_loop3A_226, %parallel_loop3A_473 : i32
        %parallel_loop3A_475 = arith.constant 1 : i32
        %parallel_loop3A_476 = arith.index_cast %parallel_loop3A_475 : i32 to index
        %parallel_loop3A_477 = arith.index_cast %parallel_loop3A_208 : i32 to index
        %parallel_loop3A_478 = arith.index_cast %parallel_loop3A_474 : i32 to index
        %parallel_loop3A_479 = tpu.vector_load %arg7[%parallel_loop3A_476, %parallel_loop3A_477, %parallel_loop3A_478] {strides = array<i32>} : memref<2x4x4416xf32, #tpu.memory_space<vmem>>, vector<1x1x16xf32>,
        %parallel_loop3A_480 = vector.shape_cast %parallel_loop3A_479 : vector<1x1x16xf32> to vector<16xf32>
        %parallel_loop3A_481 = vector.shape_cast %parallel_loop3A_472 : vector<16xf32> to vector<1x1x16xf32>
        tpu.vector_store %arg7[%parallel_loop3A_476, %parallel_loop3A_477, %parallel_loop3A_478], %parallel_loop3A_481 {strides = array<i32>} : memref<2x4x4416xf32, #tpu.memory_space<vmem>>, vector<1x1x16xf32>,
        %parallel_loop3A_482 = arith.constant 1 : i32
        %parallel_loop3A_483 = arith.index_cast %parallel_loop3A_482 : i32 to index
        %parallel_loop3A_484 = arith.index_cast %parallel_loop3A_184 : i32 to index
        %parallel_loop3A_485 = arith.constant 260 : index
        %parallel_loop3A_486 = tpu.vector_load %arg6[%parallel_loop3A_483, %parallel_loop3A_484, %parallel_loop3A_485] {strides = array<i32>} : memref<2x64x280xf32, #tpu.memory_space<vmem>>, vector<1x1x16xf32>,
        %parallel_loop3A_487 = vector.shape_cast %parallel_loop3A_486 : vector<1x1x16xf32> to vector<16xf32>
        %parallel_loop3A_488 = arith.constant 276 : i32
        %parallel_loop3A_489 = arith.addi %parallel_loop3A_226, %parallel_loop3A_488 : i32
        %parallel_loop3A_490 = arith.constant 16 : i32
        %parallel_loop3A_491 = arith.subi %parallel_loop3A_489, %parallel_loop3A_490 : i32
        %parallel_loop3A_492 = arith.constant 1 : i32
        %parallel_loop3A_493 = arith.index_cast %parallel_loop3A_492 : i32 to index
        %parallel_loop3A_494 = arith.index_cast %parallel_loop3A_208 : i32 to index
        %parallel_loop3A_495 = arith.index_cast %parallel_loop3A_491 : i32 to index
        %parallel_loop3A_496 = tpu.vector_load %arg7[%parallel_loop3A_493, %parallel_loop3A_494, %parallel_loop3A_495] {strides = array<i32>} : memref<2x4x4416xf32, #tpu.memory_space<vmem>>, vector<1x1x16xf32>,
        %parallel_loop3A_497 = vector.shape_cast %parallel_loop3A_496 : vector<1x1x16xf32> to vector<16xf32>
        %parallel_loop3A_498 = vector.shape_cast %parallel_loop3A_487 : vector<16xf32> to vector<1x1x16xf32>
        tpu.vector_store %arg7[%parallel_loop3A_493, %parallel_loop3A_494, %parallel_loop3A_495], %parallel_loop3A_498 {strides = array<i32>} : memref<2x4x4416xf32, #tpu.memory_space<vmem>>, vector<1x1x16xf32>,
      } {sc.loop_unroll_factor = 4 : i64, sc.parallel_access}
      %mul3A_144 = arith.constant 64 : i32
      %mul3A_145 = arith.muli %add3A_113, %mul3A_144 : i32
      %add3A_146 = arith.addi %mul3A_2, %mul3A_145 : i32
      %jit3A_147 = arith.constant 16 : i32
      %div3A_148 = arith.divsi %add3A_146, %jit3A_147 : i32
      %sign3A_149 = arith.constant 0 : i32
      %sign3A_150 = arith.cmpi sgt, %add3A_146, %sign3A_149 : i32
      %sign3A_151 = arith.extui %sign3A_150 : i1 to i32
      %sign3A_152 = arith.constant 0 : i32
      %sign3A_153 = arith.cmpi slt, %add3A_146, %sign3A_152 : i32
      %sign3A_154 = arith.extui %sign3A_153 : i1 to i32
      %sign3A_155 = arith.subi %sign3A_151, %sign3A_154 : i32
      %sign3A_156 = arith.constant 0 : i32
      %sign3A_157 = arith.cmpi sgt, %jit3A_147, %sign3A_156 : i32
      %sign3A_158 = arith.extui %sign3A_157 : i1 to i32
      %sign3A_159 = arith.constant 0 : i32
      %sign3A_160 = arith.cmpi slt, %jit3A_147, %sign3A_159 : i32
      %sign3A_161 = arith.extui %sign3A_160 : i1 to i32
      %sign3A_162 = arith.subi %sign3A_158, %sign3A_161 : i32
      %ne3A_163 = arith.cmpi ne, %sign3A_155, %sign3A_162 : i32
      %rem3A_164 = arith.remsi %add3A_146, %jit3A_147 : i32
      %ne3A_165 = arith.constant 0 : i32
      %ne3A_166 = arith.cmpi ne, %rem3A_164, %ne3A_165 : i32
      %and3A_167 = arith.andi %ne3A_163, %ne3A_166 : i1
      %sub3A_168 = arith.constant 1 : i32
      %sub3A_169 = arith.subi %div3A_148, %sub3A_168 : i32
      %select_n3A_170 = arith.select %and3A_167, %sub3A_169, %div3A_148 : i32
      %dma_start3A_171 = arith.constant 1 : i32
      %dma_start3A_172 = arith.constant 0 : i32
      %dma_start3A_173 = arith.constant 0 : i32
      %dma_start3A_174 = tpu.memref_slice %arg7[%dma_start3A_171, %dma_start3A_172, %dma_start3A_173] : memref<2x4x4416xf32, #tpu.memory_space<vmem>> -> memref<1x4x4416xf32, #tpu.memory_space<vmem>>
      %dma_start3A_175 = tpu.memref_squeeze %dma_start3A_174 : memref<1x4x4416xf32, #tpu.memory_space<vmem>> -> memref<4x4416xf32, #tpu.memory_space<vmem>>
      %dma_start3A_176 = arith.constant 0 : i32
      %dma_start3A_177 = tpu.memref_slice %arg4[%select_n3A_170, %dma_start3A_176] : memref<16384x4416xf32, #tpu.memory_space<hbm>> -> memref<4x4416xf32, #tpu.memory_space<hbm>>
      %dma_start3A_178 = arith.constant 0 : i32
      %dma_start3A_179 = tpu.memref_slice %arg4[%select_n3A_170, %dma_start3A_178] : memref<16384x4416xf32, #tpu.memory_space<hbm>> -> memref<4x4416xf32, #tpu.memory_space<hbm>>
      %dma_start3A_180 = arith.constant 0 : i32
      %dma_start3A_181 = arith.constant 0 : i32
      %dma_start3A_182 = tpu.memref_slice %arg7[%dma_start3A_171, %dma_start3A_180, %dma_start3A_181] : memref<2x4x4416xf32, #tpu.memory_space<vmem>> -> memref<1x4x4416xf32, #tpu.memory_space<vmem>>
      %dma_start3A_183 = tpu.memref_squeeze %dma_start3A_182 : memref<1x4x4416xf32, #tpu.memory_space<vmem>> -> memref<4x4416xf32, #tpu.memory_space<vmem>>
      tpu.enqueue_dma source(%dma_start3A_183 : memref<4x4416xf32, #tpu.memory_space<vmem>>) target(%dma_start3A_179 : memref<4x4416xf32, #tpu.memory_space<hbm>>) target_semaphore(%arg12 : memref<!tpu.dma_semaphore, #tpu.memory_space<semaphore_mem>>)
    }
    %scan3A_18 = arith.constant 64 : i32
    %dma_wait3A = arith.constant 0 : i32
    %dma_wait3A_19 = arith.constant 0 : i32
    %dma_wait3A_20 = arith.constant 0 : i32
    %dma_wait3A_21 = tpu.memref_slice %arg7[%dma_wait3A, %dma_wait3A_19, %dma_wait3A_20] : memref<2x4x4416xf32, #tpu.memory_space<vmem>> -> memref<1x4x4416xf32, #tpu.memory_space<vmem>>
    %dma_wait3A_22 = tpu.memref_squeeze %dma_wait3A_21 : memref<1x4x4416xf32, #tpu.memory_space<vmem>> -> memref<4x4416xf32, #tpu.memory_space<vmem>>
    %dma_wait3A_23 = arith.constant 0 : i32
    %dma_wait3A_24 = arith.constant 0 : i32
    %dma_wait3A_25 = tpu.memref_slice %arg4[%dma_wait3A_23, %dma_wait3A_24] : memref<16384x4416xf32, #tpu.memory_space<hbm>> -> memref<4x4416xf32, #tpu.memory_space<hbm>>
    %dma_wait3A_26 = arith.constant 0 : i32
    %dma_wait3A_27 = arith.constant 0 : i32
    %dma_wait3A_28 = tpu.memref_slice %arg4[%dma_wait3A_26, %dma_wait3A_27] : memref<16384x4416xf32, #tpu.memory_space<hbm>> -> memref<4x4416xf32, #tpu.memory_space<hbm>>
    %dma_wait3A_29 = arith.constant 0 : i32
    %dma_wait3A_30 = arith.constant 0 : i32
    %dma_wait3A_31 = tpu.memref_slice %arg7[%dma_wait3A, %dma_wait3A_29, %dma_wait3A_30] : memref<2x4x4416xf32, #tpu.memory_space<vmem>> -> memref<1x4x4416xf32, #tpu.memory_space<vmem>>
    %dma_wait3A_32 = tpu.memref_squeeze %dma_wait3A_31 : memref<1x4x4416xf32, #tpu.memory_space<vmem>> -> memref<4x4416xf32, #tpu.memory_space<vmem>>
    tpu.wait_dma2 semaphore(%arg11 : memref<!tpu.dma_semaphore, #tpu.memory_space<semaphore_mem>>) src(%dma_wait3A_32 : memref<4x4416xf32, #tpu.memory_space<vmem>>) dst(%dma_wait3A_28 : memref<4x4416xf32, #tpu.memory_space<hbm>>)
    %dma_wait3A_33 = arith.constant 1 : i32
    %dma_wait3A_34 = arith.constant 0 : i32
    %dma_wait3A_35 = arith.constant 0 : i32
    %dma_wait3A_36 = tpu.memref_slice %arg7[%dma_wait3A_33, %dma_wait3A_34, %dma_wait3A_35] : memref<2x4x4416xf32, #tpu.memory_space<vmem>> -> memref<1x4x4416xf32, #tpu.memory_space<vmem>>
    %dma_wait3A_37 = tpu.memref_squeeze %dma_wait3A_36 : memref<1x4x4416xf32, #tpu.memory_space<vmem>> -> memref<4x4416xf32, #tpu.memory_space<vmem>>
    %dma_wait3A_38 = arith.constant 0 : i32
    %dma_wait3A_39 = arith.constant 0 : i32
    %dma_wait3A_40 = tpu.memref_slice %arg4[%dma_wait3A_38, %dma_wait3A_39] : memref<16384x4416xf32, #tpu.memory_space<hbm>> -> memref<4x4416xf32, #tpu.memory_space<hbm>>
    %dma_wait3A_41 = arith.constant 0 : i32
    %dma_wait3A_42 = arith.constant 0 : i32
    %dma_wait3A_43 = tpu.memref_slice %arg4[%dma_wait3A_41, %dma_wait3A_42] : memref<16384x4416xf32, #tpu.memory_space<hbm>> -> memref<4x4416xf32, #tpu.memory_space<hbm>>
    %dma_wait3A_44 = arith.constant 0 : i32
    %dma_wait3A_45 = arith.constant 0 : i32
    %dma_wait3A_46 = tpu.memref_slice %arg7[%dma_wait3A_33, %dma_wait3A_44, %dma_wait3A_45] : memref<2x4x4416xf32, #tpu.memory_space<vmem>> -> memref<1x4x4416xf32, #tpu.memory_space<vmem>>
    %dma_wait3A_47 = tpu.memref_squeeze %dma_wait3A_46 : memref<1x4x4416xf32, #tpu.memory_space<vmem>> -> memref<4x4416xf32, #tpu.memory_space<vmem>>
    tpu.wait_dma2 semaphore(%arg12 : memref<!tpu.dma_semaphore, #tpu.memory_space<semaphore_mem>>) src(%dma_wait3A_47 : memref<4x4416xf32, #tpu.memory_space<vmem>>) dst(%dma_wait3A_43 : memref<4x4416xf32, #tpu.memory_space<hbm>>)
    return
  }
}

module attributes {stable_mosaic.version = 14 : i64} {
  func.func @_table_body(%arg0: memref<1024x256xf32, #tpu.memory_space<vmem>>, %arg1: memref<1024x280xf32, #tpu.memory_space<vmem>>) attributes {dimension_semantics = [], scalar_prefetch = 0 : i64, scratch_operands = 0 : i64, tpu.core_type = #tpu.core_type<tc>} {
    %get3A = arith.constant 0 : index
    %get3A_0 = arith.constant 0 : index
    %get3A_1 = vector.load %arg0[%get3A, %get3A_0] : memref<1024x256xf32, #tpu.memory_space<vmem>>, vector<1024x256xf32>
    %iota3A = tpu.iota {dimensions = array<i32: 0>} : vector<1024x10xi32>
    %convert_element_type3A = arith.sitofp %iota3A : vector<1024x10xi32> to vector<1024x10xf32>
    %iota3A_2 = tpu.iota {dimensions = array<i32: 1>} : vector<1024x10xi32>
    %convert_element_type3A_3 = arith.sitofp %iota3A_2 : vector<1024x10xi32> to vector<1024x10xf32>
    %exp23A = math.exp2 %convert_element_type3A_3 : vector<1024x10xf32>
    %mul3A = arith.mulf %convert_element_type3A, %exp23A : vector<1024x10xf32>
    %mul3A_4 = arith.constant 0.00306796166 : f32
    %mul3A_5 = vector.broadcast %mul3A_4 : f32 to vector<1024x10xf32>
    %mul3A_6 = arith.mulf %mul3A, %mul3A_5 : vector<1024x10xf32>
    %broadcast_in_dim3A = arith.constant 0.000000e+00 : f32
    %broadcast_in_dim3A_7 = vector.broadcast %broadcast_in_dim3A : f32 to vector<1024x4xf32>
    %sin3A = math.sin %mul3A_6 : vector<1024x10xf32>
    %cos3A = math.cos %mul3A_6 : vector<1024x10xf32>
    %concatenate3A = tpu.concatenate %get3A_1, %sin3A, %cos3A, %broadcast_in_dim3A_7 in 1 : vector<1024x256xf32>, vector<1024x10xf32>, vector<1024x10xf32>, vector<1024x4xf32> -> vector<1024x280xf32>
    %swap3A = arith.constant 0 : index
    %swap3A_8 = arith.constant 0 : index
    %swap3A_9 = vector.load %arg1[%swap3A, %swap3A_8] : memref<1024x280xf32, #tpu.memory_space<vmem>>, vector<1024x280xf32>
    tpu.vector_store %arg1[%swap3A, %swap3A_8], %concatenate3A {strides = array<i32>} : memref<1024x280xf32, #tpu.memory_space<vmem>>, vector<1024x280xf32>,
    return
  }
}

</mosaic_0001>

<sc_bundles>
// kernel: kernel.4.cloned.1.call-start
scs
__scs_entry_jumppad:
0x0: {  	(pc) =	sbr.rel $0x88, $3  }
0x1: {  	(tag) =	ssettag $0x0;
	lr =	simm.s32 $0x1  }
0x2: {  	[smem:$0x3F9F] =	sst lr;
	_ =	strace $0xD0000000  }
0x3: {  	_ = 	snop  }
0x4: {  	_ = 	snop  }
0x5: {  	_ = 	snop  }
0x6: {  	_ = 	snop  }
0x7: {  	_ = 	snop  }
__scs_overlays_trampoline_lowered:
0x8: {  	[smem:$0x3FAE] =	sst s0  }
0x9: {  	[smem:$0x3FAF] =	sst s1  }
0xa: {  	[smem:$0x3FB0] =	sst s2  }
0xb: {  	[smem:$0x3FB1] =	sst s3  }
0xc: {  	[smem:$0x3FB2] =	sst s4  }
0xd: {  	[smem:$0x3FB3] =	sst s5  }
0xe: {  	[smem:$0x3FB4] =	sst s6  }
0xf: {  	[smem:$0x3FB5] =	sst s7  }
0x10: {  	[smem:$0x3FB6] =	sst s8  }
0x11: {  	[smem:$0x3FB7] =	sst s9;
	s0 =	simm.s32 @!p0 $0x0  }
0x12: {  	s1 =	sld [smem:$0x3F9D];
	s0 =	simm.s32 @p0 $0x1  }
0x13: {  	[smem:$0x3FB8] =	sst s0;
	s0 =	simm.s32 @!p1 $0x0  }
0x14: {  	s2 =	sld [smem:$0x3F9C];
	s0 =	simm.s32 @p1 $0x1  }
0x15: {  	[smem:$0x3FB9] =	sst s0;
	s0 =	simm.s32 @!p2 $0x0  }
0x16: {  	s3 =	sld [smem:$0x3FDB];
	s0 =	simm.s32 @p2 $0x1  }
0x17: {  	s4 =	simm.s32 $0x1BF5;
	[smem:$0x3FBB] =	sst s0  }
0x18: {  	s0 =	sld [smem:$0x3F9E];
	_ =	swait.ge [sflag:s4], $0x0  }
0x19: {  	s7 =	sld [smem:$0x3F9F]  }
0x1a: {  	s8 =	sadd.s32 $0xFFFFE003, lr  }
0x1b: {  	s9 =	sadd.s32 $0xFFFFFEF7, lr;
	s5 =	simm.s32 $0xFFFFFFFF;
	p2 =	slt.u32 s8, $0xFFFFF086  }
0x1c: {  	p1 =	slt.u32 s9, $0xF7A;
	s5 =	simm.s32 @!p2 $0x0  }
0x1d: {  	s5 =	simm.s32 @p1 $0x1;
	p0 =	seq.s32 s7, s2  }
0x1e: {  	s7 =	smul.u32 @!p0 $0xF7A, s2;
	p2 =	seq.s32 @!p0 s5, $0x0  }
0x1f: {  	s9 =	smul.u32 $0xF7A, s1;
	s8 =	simm.s32 @!p0 $0x1BF5;
	p2 =	por !p2, p0  }
0x20: {  	[sflag:s8] =	ssyncset.s32 @!p0 $0xFFFFF086;
	s6 =	sadd.s32 @!p0 s3, s7;
	s7 =	simm.s32 @!p0 $0x108  }
0x21: {  	s3 =	sadd.s32 s3, s9;
	s6 =	sadd.s32 @!p0 $0x88, s6;
	s7 =	simm.s32 @p2 $0x1082  }
0x22: {  	[simem:s7], [sflag:s8] =	dma.local @!p0 [hbm:s6], $0xF7A  }
0x23: {  	s9 =	sor.u32 $0xD0000000, s2;
	s6 =	simm.s32 $0x108;
	_ =	swait.ge @!p0 [sflag:s8], $0x0  }
0x24: {  	s3 =	sadd.s32 $0x88, s3;
	s6 =	simm.s32 @!p1 $0x1082;
	[sflag:s4] =	ssyncset.s32 $0xFFFFF086  }
0x25: {  	[simem:s6], [sflag:s4] =	dma.local [hbm:s3], $0xF7A  }
0x26: {  	[smem:$0x3F9F] =	sst s1;
	(tag) =	ssettag s2;
	_ =	strace s9  }
0x27: {  	s1 =	sld [smem:$0x3FAF]  }
0x28: {  	s2 =	sld [smem:$0x3FB0]  }
0x29: {  	s4 =	sld [smem:$0x3FB2]  }
0x2a: {  	p0 =	seq.s32 s5, $0x0;
	s5 =	sld [smem:$0x3FB3]  }
0x2b: {  	s6 =	sld [smem:$0x3FB4]  }
0x2c: {  	s7 =	sld [smem:$0x3FB5]  }
0x2d: {  	s3 =	simm.s32 $0x108;
	s8 =	sld [smem:$0x3FB6]  }
0x2e: {  	s3 =	simm.s32 @!p0 $0x1082;
	s9 =	sld [smem:$0x3FB7]  }
0x2f: {  	lr =	sadd.s32 s0, s3;
	s0 =	sld [smem:$0x3FAE]  }
0x30: {  	s3 =	sld [smem:$0x3FB1]  }
0x31: {  	[smem:$0x3FBA] =	sst s10  }
0x32: {  	s10 =	sld [smem:$0x3FB8];
	_ =	sdelay $0x3  }
0x33: {  	p0 =	seq.s32 s10, $0x1;
	s10 =	sld [smem:$0x3FBA];
	_ =	sdelay $0x3  }
0x34: {  	[smem:$0x3FBA] =	sst s10  }
0x35: {  	s10 =	sld [smem:$0x3FB9];
	_ =	sdelay $0x3  }
0x36: {  	p1 =	seq.s32 s10, $0x1;
	s10 =	sld [smem:$0x3FBA];
	_ =	sdelay $0x3  }
0x37: {  	[smem:$0x3FBA] =	sst s10  }
0x38: {  	s10 =	sld [smem:$0x3FBB]  }
0x39: {  	_ = 	snop;
	(pc) =	sbr.ind lr, $3  }
0x3a: {  	_ = 	snop  }
0x3b: {  	_ = 	snop  }
0x3c: {  	p2 =	seq.s32 s10, $0x1;
	s10 =	sld [smem:$0x3FBA]  }
0x3d: {  	_ =	shalt  }
0x3e: {  	_ =	shalt  }
0x3f: {  	_ =	shalt  }
0x40: {  	_ =	shalt  }
0x41: {  	_ =	shalt  }
0x42: {  	_ =	shalt  }
0x43: {  	_ =	shalt  }
0x44: {  	_ =	shalt  }
0x45: {  	_ =	shalt  }
0x46: {  	_ =	shalt  }
0x47: {  	_ =	shalt  }
0x48: {  	_ =	shalt  }
0x49: {  	_ =	shalt  }
0x4a: {  	_ =	shalt  }
0x4b: {  	_ =	shalt  }
0x4c: {  	_ =	shalt  }
0x4d: {  	_ =	shalt  }
0x4e: {  	_ =	shalt  }
0x4f: {  	_ =	shalt  }
0x50: {  	_ =	shalt  }
0x51: {  	_ =	shalt  }
0x52: {  	_ =	shalt  }
0x53: {  	_ =	shalt  }
0x54: {  	_ =	shalt  }
0x55: {  	_ =	shalt  }
0x56: {  	_ =	shalt  }
0x57: {  	_ =	shalt  }
0x58: {  	_ =	shalt  }
0x59: {  	_ =	shalt  }
0x5a: {  	_ =	shalt  }
0x5b: {  	_ =	shalt  }
0x5c: {  	_ =	shalt  }
0x5d: {  	_ =	shalt  }
0x5e: {  	_ =	shalt  }
0x5f: {  	_ =	shalt  }
0x60: {  	_ =	shalt  }
0x61: {  	_ =	shalt  }
0x62: {  	_ =	shalt  }
0x63: {  	_ =	shalt  }
0x64: {  	_ =	shalt  }
0x65: {  	_ =	shalt  }
0x66: {  	_ =	shalt  }
0x67: {  	_ =	shalt  }
0x68: {  	_ =	shalt  }
0x69: {  	_ =	shalt  }
0x6a: {  	_ =	shalt  }
0x6b: {  	_ =	shalt  }
0x6c: {  	_ =	shalt  }
0x6d: {  	_ =	shalt  }
0x6e: {  	_ =	shalt  }
0x6f: {  	_ =	shalt  }
0x70: {  	_ =	shalt  }
0x71: {  	_ =	shalt  }
0x72: {  	_ =	shalt  }
0x73: {  	_ =	shalt  }
0x74: {  	_ =	shalt  }
0x75: {  	_ =	shalt  }
0x76: {  	_ =	shalt  }
0x77: {  	_ =	shalt  }
0x78: {  	_ =	shalt  }
0x79: {  	_ =	shalt  }
0x7a: {  	_ =	shalt  }
0x7b: {  	_ =	shalt  }
0x7c: {  	_ =	shalt  }
0x7d: {  	_ =	shalt  }
0x7e: {  	_ =	shalt  }
0x7f: {  	_ =	shalt  }
0x80: {  	_ =	shalt  }
0x81: {  	_ =	shalt  }
0x82: {  	_ =	shalt  }
0x83: {  	_ =	shalt  }
0x84: {  	_ =	shalt  }
0x85: {  	_ =	shalt  }
0x86: {  	_ =	shalt  }
0x87: {  	_ =	shalt  }
.Lfunc_end0:
.L_simem_size_0:
called_computation.1_lowered:
.L_overlay_start_0:
0x88: {  	s2 =	sld [smem:$0x3FD9]  }
0x89: {  	s3 =	sld [smem:$0x3FFE];
	_ =	sdelay $0x1  }
0x8a: {  	s1 =	srdreg.scid  }
0x8b: {  	s0 =	sand.u32 $0x1, s1  }
0x8c: {  	s17 =	sshll.u32 s0, $0xA;
	s2 =	sadd.s32 s3, s2  }
0x8d: {  	s2 =	sadd.s32 s2, s17  }
0x8e: {  	[smem:$0x3FC6] =	sst s2  }
0x8f: {  	_ = 	snop  }
0x90: {  	s2 =	sld [smem:$0x3FD0];
	(tm) =	ssettm $0x1  }
0x91: {  	s18 =	sld [smem:$0x3FFB];
	_ =	sdelay $0x3  }
0x92: {  	_ =	strace s18  }
0x93: {  	s3 =	sld [smem:$0x3FFC];
	_ =	sdelay $0x3  }
0x94: {  	_ =	strace s3  }
0x95: {  	s3 =	sld [smem:$0x3FFD];
	_ =	sdelay $0x3  }
0x96: {  	_ =	strace s3  }
0x97: {  	_ =	strace $0x8FFFFFFF  }
0x98: {  	s19 =	sld [smem:$0x3FDB];
	_ =	sdelay $0x1  }
0x99: {  	s4 =	simm.s32 $_scs_section_size  }
0x9a: {  	s5 =	simm.s32 $_size__tile_overlayer_lowered;
	s6 =	simm.s32 $_tile_overlayer_lowered  }
0x9b: {  	s22 =	simm.s32 $0x1BFF;
	s21 =	sshll.u32 s6, $0x1;
	s3 =	sadd.s32 s4, s19  }
0x9c: {  	s7 =	simm.s32 $0x0;
	s20 =	sshll.u32 s5, $0x1;
	s5 =	sadd.s32 s21, s3  }
0x9d: {  	[timem:s7], [sflag:s22] =	dma.local [hbm:s5], s20  }
0x9e: {  	_ =	swait.ge [sflag:s22], s20  }
0x9f: {  	s4 =	ssub.s32 $0x0, s20;
	[sflag:s22] =	ssyncset.done $0x0  }
0xa0: {  	[sflag:s22] =	ssyncadd.s32 s4;
	_ =	sdelay $0x1  }
0xa1: {  	s23 =	simm.s32 $0x1B8B  }
0xa2: {  	_ =	swait.ge [sflag:s23], $0x1  }
0xa3: {  	[sflag:s23] =	ssyncset.done $0x0  }
0xa4: {  	s25 =	simm.s32 $0x1B8E;
	s24 =	sld [smem:$0x3FFE];
	[sflag:s23] =	ssyncadd.s32 $0xFFFFFFFF  }
0xa5: {  	s26 =	simm.s32 $execute0_lowered;
	[smem:$0x3FD2] =	sst s25  }
0xa6: {  	s5 =	sshll.u32 s26, $0x1;
	_ =	strace $0x80000046;
	[dreg:$0x1] =	wrdreg $0xFFFFFFFF  }
0xa7: {  	s28 =	simm.s32 $_size_execute0_lowered;
	s3 =	sadd.s32 s3, s5;
	[dreg:$0x0] =	wrdreg $0x0  }
0xa8: {  	s5 =	sshll.u32 s28, $0x1;
	[dreg:$0x2] =	wrdreg s3  }
0xa9: {  	[dreg:$0x3] =	wrdreg s5  }
0xaa: {  	[dreg:$0x4] =	wrdreg $0xC0  }
0xab: {  	_ =	task [dreg:s7], $0x5FFFF  }
0xac: {  	[dreg:$0x1] =	wrdreg $0xFFFFFFFF  }
0xad: {  	[dreg:$0x0] =	wrdreg $0x60  }
0xae: {  	[dreg:$0x2] =	wrdreg s24  }
0xaf: {  	[dreg:$0x3] =	wrdreg s2  }
0xb0: {  	[dreg:$0x4] =	wrdreg $0x136000  }
0xb1: {  	[dreg:$0x5] =	wrdreg $0x9  }
0xb2: {  	_ =	task.clear_ibuf [dreg:s7], $0x6FFFF;
	_ =	strace $0x90000046  }
0xb3: {  	s29 =	simm.s32 $0x9;
	_ =	strace $0x80000048  }
0xb4: {  	_ =	swait.ge [sflag:s29], $0x1  }
0xb5: {  	[sflag:s29] =	ssyncadd.s32 $0xFFFFFFFF  }
0xb6: {  	_ =	strace $0x90000048  }
0xb7: {  	_ =	sfence  }
0xb8: {  	s30 =	sld [smem:$0x0];
	_ =	sdelay $0x2  }
0xb9: {  	s31 =	sshll.u32 s1, $0xD;
	s1 =	sshrl.u32 s1, $0x2  }
0xba: {  	s3 =	sand.u32 $0x4000, s31;
	s1 =	sadd.s32 s1, s30  }
0xbb: {  	s0 =	sor.u32 s3, s0;
	s1 =	sshll.u32 s1, $0x11  }
0xbc: {  	s0 =	sor.u32 s1, s0  }
0xbd: {  	s0 =	sadd.s32 $0x8F2B, s0  }
0xbe: {  	[sflag:s0] =	ssyncadd.remote.s32 $0x1  }
0xbf: {  	_ =	sfence.sel $0xFFFF  }
0xc0: {  	[dreg:$0x0] =	wrdreg $0xFFFFFFFF;
	(pc) =	sbr.abs _section_cstart, $3  }
0xc1: {  	[dreg:$0x1] =	wrdreg $0xFFFFFFFF  }
0xc2: {  	_ =	task.clear_ibuf [dreg:s7], $0x2FFFF;
	_ =	strace $0x9FFFFFFF  }
0xc3: {  	(tm) =	ssettm $0x7FFFFFFF  }
tec
execute0_lowered:
.L_overlay_start_1:
0x0: {  	(tag) =	ssettag $0x1  }
0x1: {  	s0 =	rddreg [dreg:$0x0];
	s1 =	srdreg.scid  }
0x2: {  	s5 =	rddreg [dreg:$0x2];
	s2 =	stileid.u32;
	s1 =	sand.u32 $0x1, s1  }
0x3: {  	s6 =	simm.s32 $0x0;
	s3 =	sshll.u32 s2, $0xE;
	s4 =	sshll.u32 s1, $0xD  }
0x4: {  	[smem:$0x7FF] =	sst s6;
	s1 =	ssub.s32 $0x2, s1;
	s3 =	sor.u32 s4, s3  }
0x5: {  	_ =	strace $0x80000047;
	[smem:$0x7F9] =	sst s3;
	s3 =	sshrl.u32 s3, $0x3  }
0x6: {  	s29 =	sshrl.u32 s1, $0x1;
	s3 =	sadd.s32 s3, s0;
	s0 =	sadd.s32 $0xA00, s0  }
0x7: {  	s30 =	ssub.s32 s1, s29;
	[smem:$0x7FA] =	sst s0;
	s31 =	sadd.s32 $0x9600, s3  }
0x8: {  	p0 =	sne.s32 s2, $0x0;
	s0 =	smax.u32 s30, $0x1;
	[smem:$0x7FB] =	sst s31  }
0x9: {  	[smem:$0x7FC] =	sst s0;
	s0 =	sshrl.u32 @!p0 s5, $0x3  }
0xa: {  	s2 =	simm.s32 $0x0;
	[smem:$0x7FD] =	sst s0  }
.LBB2_1:
0xb: {  	[smem:$0x7F8] =	sst s2  }
0xc: {  	s1 =	sld [smem:$0x7FA]  }
0xd: {  	s2 =	sld [smem:$0x7FD];
	_ =	sdelay $0x1  }
0xe: {  	s0 =	simm.s32 @!p0 $0x1C05  }
0xf: {  	[spmem:s2], [sflag:s0] =	dma.local @!p0 [hbm:s1], $0x8C00  }
0x10: {  	s0 =	simm.s32 @!p0 $0x5  }
0x11: {  	_ =	swait.ge @!p0 [sflag:s0], $0x8C00  }
0x12: {  	[sflag:s0] =	ssyncset.done @!p0 $0x0  }
0x13: {  	[sflag:s0] =	ssyncadd.s32 @!p0 $0xFFFF7400  }
0x14: {  	[bflag:$0x0] =	sbarrier.arrive $0xFFFF  }
0x15: {  	s29 =	sld [smem:$0x7FB];
	_ =	sdelay $0x1  }
0x16: {  	s28 =	simm.s32 $0x0;
	s30 =	simm.s32 $0x5  }
0x17: {  	[tilespmem:s28], [sflag:$0x5] =	stream.linear.gather [hbm4b:s29+s28], $0x2000, $0x38;
	[tilespmem:$0x17C00] =	vst v63  }
0x18: {  	_ =	swait.ge [sflag:s30], $0x2000  }
0x19: {  	[sflag:s30] =	ssyncset.done $0x0  }
0x1a: {  	s31 =	simm.s32 $0x40;
	[sflag:s30] =	ssyncadd.s32 $0xFFFFE000  }
0x1b: {  	s3 =	simm.s32 $0x2000;
	s4 =	simm.s32 $0x0;
	s0 =	rddreg [dreg:$0x2]  }
0x1c: {  	[tilespmem:s3], [sflag:$0x1] =	stream.indirect.gather [spmem:s0], $0x118, s28, s31, $0xb8;
	[tilespmem:$0x17C00] =	vst v63  }
.LBB2_2:
0x1d: {  	s0 =	sshllo.u32 s4, $0x1;
	s1 =	rddreg [dreg:$0x2]  }
0x1e: {  	s2 =	simm.s32 $0x40;
	s3 =	simm.s32 $0x6600;
	s0 =	sshll.u32 s0, $0x6  }
0x1f: {  	s13 =	simm.s32 $0x1;
	[smem:$0x7F6] =	sst s0;
	s0 =	sand.u32 $0x3FFFFFC0, s0  }
0x20: {  	[tilespmem:s3], [sflag:$0x2] =	stream.indirect.gather [spmem:s1], $0x118, s0, s2, $0xb8;
	[tilespmem:$0x17C00] =	vst v63  }
0x21: {  	_ =	swait.ge [sflag:s13], $0x4600  }
0x22: {  	p1 =	seq.s32 s4, $0x0;
	[sflag:s13] =	ssyncset.done $0x0  }
0x23: {  	s0 =	simm.s32 @!p1 $0x3;
	[smem:$0x7F7] =	sst s4;
	[sflag:s13] =	ssyncadd.s32 $0xFFFFBA00  }
0x24: {  	_ =	swait.ge @!p1 [sflag:s0], $0x4500  }
0x25: {  	s23 =	simm.s32 $0x2230;
	[sflag:s0] =	ssyncset.done @!p1 $0x0  }
0x26: {  	s14 =	simm.s32 $0x1;
	s15 =	simm.s32 $0x0;
	[sflag:s0] =	ssyncadd.s32 @!p1 $0xFFFFBB00  }
0x27: {  	s1 =	smul.u32 $0x4500, s15;
	s0 =	sand.u32 $0xD, s14;
	v0 =	vld [tilespmem:s23+$0xFFFFFEE8]  }
0x28: {  	s0 =	smul.u32 $0x114, s0  }
0x29: {  	s16 =	simm.s32 $0x3;
	s1 =	sshra.s32 s1, $0x2  }
0x2a: {  	s2 =	sand.u32 $0xF, s16;
	s1 =	sadd.s32 $0xAC00, s1;
	v1 =	vld [tilespmem:s23+$0x118];
	s17 =	sand.u32 $0xFF0, s0  }
0x2b: {  	s2 =	smul.u32 $0x114, s2;
	s3 =	sadd.s32 s17, s1  }
0x2c: {  	[tilespmem:s3+$0x4] =	vst v0  }
0x2d: {  	s18 =	sand.u32 $0x1FF8, s2;
	v0 =	vld [tilespmem:s23+$0xFFFFFEF8]  }
0x2e: {  	s3 =	sadd.s32 s18, s1  }
0x2f: {  	s19 =	sadd.s32 $0x10, s0;
	[tilespmem:s3+$0x4] =	vst v1  }
0x30: {  	s20 =	sand.u32 $0x1FF0, s19;
	v1 =	vld [tilespmem:s23+$0x128]  }
0x31: {  	s3 =	sadd.s32 s20, s1  }
0x32: {  	s21 =	sadd.s32 $0x10, s2;
	[tilespmem:s3+$0x4] =	vst v0  }
0x33: {  	s22 =	sand.u32 $0x3FF8, s21;
	v0 =	vld [tilespmem:s23+$0xFFFFFF08]  }
0x34: {  	s25 =	simm.s32 $0x0;
	s3 =	sadd.s32 s22, s1  }
0x35: {  	v2 =	vld [tilespmem:s23+$0xFFFFFDD0];
	s24 =	sadd.s32 $0x20, s0;
	[tilespmem:s3+$0x4] =	vst v1;
	s3 =	sand.u32 $0xC, s25  }
0x36: {  	s5 =	simm.s32 $0x2;
	s4 =	sand.u32 $0x1FF0, s24;
	v1 =	vld [tilespmem:s23+$0x138];
	s3 =	smul.u32 $0x450, s3  }
0x37: {  	s5 =	sand.u32 $0xE, s5;
	v3 =	vld [tilespmem:s23+$0x0];
	s4 =	sadd.s32 s4, s1  }
0x38: {  	s26 =	smul.u32 $0x450, s5;
	s6 =	sadd.s32 $0x20, s2;
	s3 =	sshrl.u32 s3, $0x2;
	[tilespmem:s4+$0x4] =	vst v0  }
0x39: {  	s7 =	sand.u32 $0x3FF8, s6;
	s3 =	sadd.s32 s3, s1;
	v0 =	vld [tilespmem:s23+$0xFFFFFF18]  }
0x3a: {  	s5 =	sadd.s32 s7, s1;
	s4 =	sshrl.u32 s26, $0x2;
	[tilespmem:s3+$0x0] =	vst v2  }
0x3b: {  	s8 =	sadd.s32 $0x30, s0;
	[tilespmem:s5+$0x4] =	vst v1;
	s22 =	sadd.s32 s4, s1;
	v2 =	vld [tilespmem:s23+$0xFFFFFDE0]  }
0x3c: {  	s9 =	sand.u32 $0x1FF0, s8;
	v1 =	vld [tilespmem:s23+$0x148];
	[tilespmem:s22+$0x0] =	vst v3  }
0x3d: {  	s4 =	sadd.s32 s9, s1;
	v3 =	vld [tilespmem:s23+$0x10]  }
0x3e: {  	s10 =	sadd.s32 $0x30, s2;
	[tilespmem:s4+$0x4] =	vst v0  }
0x3f: {  	s11 =	sand.u32 $0x3FF8, s10;
	v0 =	vld [tilespmem:s23+$0xFFFFFF28]  }
0x40: {  	s4 =	sadd.s32 s11, s1;
	[tilespmem:s3+$0x10] =	vst v2  }
0x41: {  	s12 =	sadd.s32 $0x40, s0;
	[tilespmem:s4+$0x4] =	vst v1;
	v2 =	vld [tilespmem:s23+$0xFFFFFDF0]  }
0x42: {  	s13 =	sand.u32 $0x1FF0, s12;
	v1 =	vld [tilespmem:s23+$0x158];
	[tilespmem:s22+$0x10] =	vst v3  }
0x43: {  	s4 =	sadd.s32 s13, s1;
	v3 =	vld [tilespmem:s23+$0x20]  }
0x44: {  	s14 =	sadd.s32 $0x40, s2;
	[tilespmem:s4+$0x4] =	vst v0  }
0x45: {  	s15 =	sand.u32 $0x3FF8, s14;
	v0 =	vld [tilespmem:s23+$0xFFFFFF38]  }
0x46: {  	s4 =	sadd.s32 s15, s1;
	[tilespmem:s3+$0x20] =	vst v2  }
0x47: {  	s16 =	sadd.s32 $0x50, s0;
	[tilespmem:s4+$0x4] =	vst v1;
	v2 =	vld [tilespmem:s23+$0xFFFFFE00]  }
0x48: {  	s17 =	sand.u32 $0x1FF0, s16;
	v1 =	vld [tilespmem:s23+$0x168];
	[tilespmem:s22+$0x20] =	vst v3  }
0x49: {  	s4 =	sadd.s32 s17, s1;
	v3 =	vld [tilespmem:s23+$0x30]  }
0x4a: {  	s18 =	sadd.s32 $0x50, s2;
	[tilespmem:s4+$0x4] =	vst v0  }
0x4b: {  	s19 =	sand.u32 $0x3FF8, s18;
	v0 =	vld [tilespmem:s23+$0xFFFFFF48]  }
0x4c: {  	s4 =	sadd.s32 s19, s1;
	[tilespmem:s3+$0x30] =	vst v2  }
0x4d: {  	s20 =	sadd.s32 $0x60, s0;
	[tilespmem:s4+$0x4] =	vst v1;
	v2 =	vld [tilespmem:s23+$0xFFFFFE10]  }
0x4e: {  	s21 =	sand.u32 $0x1FF0, s20;
	v1 =	vld [tilespmem:s23+$0x178];
	[tilespmem:s22+$0x30] =	vst v3  }
0x4f: {  	s4 =	sadd.s32 s21, s1;
	v3 =	vld [tilespmem:s23+$0x40]  }
0x50: {  	s24 =	sadd.s32 $0x60, s2;
	[tilespmem:s4+$0x4] =	vst v0  }
0x51: {  	s25 =	sand.u32 $0x3FF8, s24;
	v0 =	vld [tilespmem:s23+$0xFFFFFF58]  }
0x52: {  	s4 =	sadd.s32 s25, s1;
	[tilespmem:s3+$0x40] =	vst v2  }
0x53: {  	s26 =	sadd.s32 $0x70, s0;
	[tilespmem:s4+$0x4] =	vst v1;
	v2 =	vld [tilespmem:s23+$0xFFFFFE20]  }
0x54: {  	s5 =	sand.u32 $0x1FF0, s26;
	v1 =	vld [tilespmem:s23+$0x188];
	[tilespmem:s22+$0x40] =	vst v3  }
0x55: {  	s4 =	sadd.s32 s5, s1;
	v3 =	vld [tilespmem:s23+$0x50]  }
0x56: {  	s6 =	sadd.s32 $0x70, s2;
	[tilespmem:s4+$0x4] =	vst v0  }
0x57: {  	s7 =	sand.u32 $0x3FF8, s6;
	v0 =	vld [tilespmem:s23+$0xFFFFFF68]  }
0x58: {  	s4 =	sadd.s32 s7, s1;
	[tilespmem:s3+$0x50] =	vst v2  }
0x59: {  	s8 =	sadd.s32 $0x80, s0;
	[tilespmem:s4+$0x4] =	vst v1;
	v2 =	vld [tilespmem:s23+$0xFFFFFE30]  }
0x5a: {  	s9 =	sand.u32 $0x1FF0, s8;
	v1 =	vld [tilespmem:s23+$0x198];
	[tilespmem:s22+$0x50] =	vst v3  }
0x5b: {  	s4 =	sadd.s32 s9, s1;
	v3 =	vld [tilespmem:s23+$0x60]  }
0x5c: {  	s10 =	sadd.s32 $0x80, s2;
	[tilespmem:s4+$0x4] =	vst v0  }
0x5d: {  	s11 =	sand.u32 $0x3FF8, s10;
	v0 =	vld [tilespmem:s23+$0xFFFFFF78]  }
0x5e: {  	s29 =	simm.s32 $0x4;
	s14 =	simm.s32 $0x0;
	s4 =	sadd.s32 s11, s1;
	[tilespmem:s3+$0x60] =	vst v2  }
0x5f: {  	s12 =	sadd.s32 $0x90, s0;
	s8 =	sand.u32 $0xC, s29;
	s15 =	simm.s32 $0x5;
	[tilespmem:s4+$0x4] =	vst v1;
	v2 =	vld [tilespmem:s23+$0xFFFFFE40]  }
0x60: {  	s8 =	smul.u32 $0x450, s8;
	s6 =	sand.u32 $0xD, s15;
	s5 =	sand.u32 $0x1FF0, s12;
	v1 =	vld [tilespmem:s23+$0x1A8];
	[tilespmem:s22+$0x60] =	vst v3  }
0x61: {  	s24 =	simm.s32 $0x2690;
	s6 =	smul.u32 $0x114, s6;
	s5 =	sadd.s32 s5, s1;
	v3 =	vld [tilespmem:s23+$0x70]  }
0x62: {  	v4 =	vld [tilespmem:s24+$0xFFFFFDD0];
	s13 =	sadd.s32 $0x90, s2;
	[tilespmem:s5+$0x4] =	vst v0;
	s5 =	smul.u32 $0x4500, s14  }
0x63: {  	s18 =	simm.s32 $0x6;
	v5 =	vld [tilespmem:s24+$0xFFFFFEE8];
	s17 =	sshrl.u32 s8, $0x2;
	s4 =	sand.u32 $0x3FF8, s13  }
0x64: {  	s19 =	sand.u32 $0xFF0, s6;
	s4 =	sadd.s32 s4, s1;
	[tilespmem:s3+$0x70] =	vst v2;
	v0 =	vld [tilespmem:s23+$0xFFFFFF88];
	s5 =	sshra.s32 s5, $0x2  }
0x65: {  	s7 =	sadd.s32 $0xA0, s0;
	s9 =	simm.s32 $0x7;
	[tilespmem:s4+$0x4] =	vst v1;
	v1 =	vld [tilespmem:s23+$0xFFFFFE50];
	s28 =	sadd.s32 $0xAC00, s5  }
0x66: {  	s16 =	sand.u32 $0x1FF0, s7;
	s9 =	sand.u32 $0xF, s9;
	v2 =	vld [tilespmem:s24+$0x118];
	[tilespmem:s22+$0x70] =	vst v3;
	s26 =	sadd.s32 s17, s28  }
0x67: {  	v6 =	vld [tilespmem:s24+$0x0];
	s15 =	smul.u32 $0x114, s9;
	s5 =	sand.u32 $0xE, s18;
	s7 =	sadd.s32 s19, s28;
	[tilespmem:s26+$0x0] =	vst v4  }
0x68: {  	s4 =	sadd.s32 s16, s1;
	v3 =	vld [tilespmem:s23+$0x80];
	s5 =	smul.u32 $0x450, s5;
	[tilespmem:s7+$0x4] =	vst v5  }
0x69: {  	s20 =	sand.u32 $0x1FF8, s15;
	v4 =	vld [tilespmem:s24+$0xFFFFFDE0];
	[tilespmem:s4+$0x4] =	vst v0  }
0x6a: {  	v0 =	vld [tilespmem:s24+$0xFFFFFEF8];
	s5 =	sshrl.u32 s5, $0x2;
	s4 =	sadd.s32 s20, s28;
	[tilespmem:s3+$0x80] =	vst v1  }
0x6b: {  	s25 =	sadd.s32 s5, s28;
	v1 =	vld [tilespmem:s23+$0xFFFFFE60];
	[tilespmem:s4+$0x4] =	vst v2  }
0x6c: {  	s21 =	sadd.s32 $0x10, s6;
	v5 =	vld [tilespmem:s23+$0xFFFFFF98];
	[tilespmem:s25+$0x0] =	vst v6  }
0x6d: {  	s7 =	sand.u32 $0x1FF0, s21;
	v2 =	vld [tilespmem:s24+$0x128];
	[tilespmem:s22+$0x80] =	vst v3  }
0x6e: {  	s10 =	sadd.s32 $0xB0, s0;
	s4 =	sadd.s32 s7, s28;
	v6 =	vld [tilespmem:s24+$0x10];
	[tilespmem:s26+$0x10] =	vst v4  }
0x6f: {  	s8 =	sadd.s32 $0x10, s15;
	s5 =	sand.u32 $0x1FF0, s10;
	[tilespmem:s4+$0x4] =	vst v0;
	v4 =	vld [tilespmem:s24+$0xFFFFFDF0]  }
0x70: {  	s9 =	sand.u32 $0x3FF8, s8;
	s11 =	sadd.s32 s5, s1;
	[tilespmem:s3+$0x90] =	vst v1;
	v1 =	vld [tilespmem:s23+$0x90]  }
0x71: {  	s4 =	sadd.s32 s9, s28;
	v0 =	vld [tilespmem:s24+$0xFFFFFF08];
	[tilespmem:s11+$0x4] =	vst v5  }
0x72: {  	v3 =	vld [tilespmem:s23+$0xFFFFFE70];
	[tilespmem:s4+$0x4] =	vst v2  }
0x73: {  	s12 =	sadd.s32 $0x20, s6;
	[tilespmem:s25+$0x10] =	vst v6;
	v2 =	vld [tilespmem:s24+$0x138]  }
0x74: {  	s5 =	sand.u32 $0x1FF0, s12;
	v6 =	vld [tilespmem:s24+$0x20];
	[tilespmem:s26+$0x20] =	vst v4  }
0x75: {  	s13 =	sadd.s32 $0x20, s15;
	s5 =	sadd.s32 s5, s28;
	v4 =	vld [tilespmem:s23+$0xFFFFFFA8];
	[tilespmem:s22+$0x90] =	vst v1  }
0x76: {  	s4 =	sand.u32 $0x3FF8, s13;
	[tilespmem:s5+$0x4] =	vst v0;
	v0 =	vld [tilespmem:s23+$0xA0]  }
0x77: {  	s14 =	sadd.s32 $0xC0, s0;
	s4 =	sadd.s32 s4, s28;
	v1 =	vld [tilespmem:s24+$0xFFFFFF18];
	[tilespmem:s3+$0xA0] =	vst v3  }
0x78: {  	s16 =	sand.u32 $0x1FF0, s14;
	v5 =	vld [tilespmem:s24+$0xFFFFFE00];
	[tilespmem:s4+$0x4] =	vst v2  }
0x79: {  	s18 =	sadd.s32 $0x30, s6;
	s17 =	sadd.s32 s16, s1;
	v3 =	vld [tilespmem:s23+$0xFFFFFE80];
	[tilespmem:s25+$0x20] =	vst v6  }
0x7a: {  	s5 =	sand.u32 $0x1FF0, s18;
	v2 =	vld [tilespmem:s24+$0x148];
	[tilespmem:s17+$0x4] =	vst v4  }
0x7b: {  	s5 =	sadd.s32 s5, s28;
	v6 =	vld [tilespmem:s24+$0x30];
	[tilespmem:s22+$0xA0] =	vst v0  }
0x7c: {  	s19 =	sadd.s32 $0x30, s15;
	v4 =	vld [tilespmem:s23+$0xFFFFFFB8];
	[tilespmem:s5+$0x4] =	vst v1  }
0x7d: {  	s4 =	sand.u32 $0x3FF8, s19;
	[tilespmem:s26+$0x30] =	vst v5;
	v0 =	vld [tilespmem:s23+$0xB0]  }
0x7e: {  	s20 =	sadd.s32 $0xD0, s0;
	s4 =	sadd.s32 s4, s28;
	v1 =	vld [tilespmem:s24+$0xFFFFFF28];
	[tilespmem:s3+$0xB0] =	vst v3  }
0x7f: {  	s21 =	sand.u32 $0x1FF0, s20;
	[tilespmem:s4+$0x4] =	vst v2;
	v3 =	vld [tilespmem:s23+$0xFFFFFE90]  }
0x80: {  	s7 =	sadd.s32 $0x40, s6;
	s5 =	sadd.s32 s21, s1;
	v2 =	vld [tilespmem:s24+$0x158];
	[tilespmem:s25+$0x30] =	vst v6  }
0x81: {  	[tilespmem:s5+$0x4] =	vst v4;
	s5 =	sand.u32 $0x1FF0, s7;
	v4 =	vld [tilespmem:s23+$0x1B8]  }
0x82: {  	s8 =	sadd.s32 $0x40, s15;
	v6 =	vld [tilespmem:s23+$0xFFFFFFC8];
	s5 =	sadd.s32 s5, s28;
	[tilespmem:s22+$0xB0] =	vst v0  }
0x83: {  	s9 =	sadd.s32 $0xA0, s2;
	s4 =	sand.u32 $0x3FF8, s8;
	v0 =	vld [tilespmem:s24+$0x40];
	[tilespmem:s5+$0x4] =	vst v1  }
0x84: {  	s10 =	sadd.s32 $0xE0, s0;
	s11 =	sand.u32 $0x3FF8, s9;
	s4 =	sadd.s32 s4, s28;
	[tilespmem:s3+$0xC0] =	vst v3;
	v1 =	vld [tilespmem:s24+$0xFFFFFF38]  }
0x85: {  	s5 =	sand.u32 $0x1FF0, s10;
	[tilespmem:s4+$0x4] =	vst v2;
	s4 =	sadd.s32 s11, s1;
	v3 =	vld [tilespmem:s23+$0xFFFFFEA0]  }
0x86: {  	s12 =	sadd.s32 $0x50, s6;
	s5 =	sadd.s32 s5, s1;
	v2 =	vld [tilespmem:s24+$0x168];
	[tilespmem:s4+$0x4] =	vst v4  }
0x87: {  	s14 =	sand.u32 $0x1FF0, s12;
	v5 =	vld [tilespmem:s24+$0xFFFFFE10];
	[tilespmem:s5+$0x4] =	vst v6  }
0x88: {  	s13 =	sadd.s32 $0x50, s15;
	v4 =	vld [tilespmem:s23+$0x1C8];
	[tilespmem:s25+$0x40] =	vst v0;
	s5 =	sadd.s32 s14, s28  }
0x89: {  	s4 =	sand.u32 $0x3FF8, s13;
	v0 =	vld [tilespmem:s23+$0xC0];
	[tilespmem:s5+$0x4] =	vst v1  }
0x8a: {  	s16 =	sadd.s32 $0xB0, s2;
	s4 =	sadd.s32 s4, s28;
	[tilespmem:s3+$0xD0] =	vst v3;
	v1 =	vld [tilespmem:s24+$0xFFFFFF48]  }
0x8b: {  	s17 =	sand.u32 $0x3FF8, s16;
	[tilespmem:s4+$0x4] =	vst v2;
	v3 =	vld [tilespmem:s23+$0xFFFFFEB0]  }
0x8c: {  	s18 =	sadd.s32 $0x60, s6;
	[tilespmem:s26+$0x40] =	vst v5;
	s4 =	sadd.s32 s17, s1;
	v2 =	vld [tilespmem:s24+$0x178]  }
0x8d: {  	s5 =	sand.u32 $0x1FF0, s18;
	[tilespmem:s4+$0x4] =	vst v4;
	v4 =	vld [tilespmem:s23+$0xFFFFFFD8]  }
0x8e: {  	s19 =	sadd.s32 $0x60, s15;
	s5 =	sadd.s32 s5, s28;
	[tilespmem:s22+$0xC0] =	vst v0;
	v0 =	vld [tilespmem:s23+$0x1D8]  }
0x8f: {  	s21 =	sadd.s32 $0xF0, s0;
	v6 =	vld [tilespmem:s24+$0x50];
	s4 =	sand.u32 $0x3FF8, s19;
	[tilespmem:s5+$0x4] =	vst v1  }
0x90: {  	s20 =	sadd.s32 $0xC0, s2;
	s4 =	sadd.s32 s4, s28;
	s5 =	sand.u32 $0x1FF0, s21;
	[tilespmem:s3+$0xE0] =	vst v3;
	v1 =	vld [tilespmem:s24+$0xFFFFFF58]  }
0x91: {  	s7 =	sand.u32 $0x3FF8, s20;
	[tilespmem:s4+$0x4] =	vst v2;
	s5 =	sadd.s32 s5, s1;
	v3 =	vld [tilespmem:s23+$0xFFFFFEC0]  }
0x92: {  	s8 =	sadd.s32 $0x70, s6;
	s4 =	sadd.s32 s7, s1;
	v2 =	vld [tilespmem:s24+$0x188];
	[tilespmem:s5+$0x4] =	vst v4  }
0x93: {  	s10 =	sand.u32 $0x1FF0, s8;
	v4 =	vld [tilespmem:s23+$0xD0];
	[tilespmem:s4+$0x4] =	vst v0  }
0x94: {  	s9 =	sadd.s32 $0x70, s15;
	[tilespmem:s25+$0x50] =	vst v6;
	s5 =	sadd.s32 s10, s28;
	v0 =	vld [tilespmem:s23+$0x1E8]  }
0x95: {  	v6 =	vld [tilespmem:s24+$0x60];
	s4 =	sand.u32 $0x3FF8, s9;
	[tilespmem:s5+$0x4] =	vst v1  }
0x96: {  	s11 =	sadd.s32 $0xD0, s2;
	s4 =	sadd.s32 s4, s28;
	[tilespmem:s3+$0xF0] =	vst v3;
	v1 =	vld [tilespmem:s24+$0xFFFFFF68]  }
0x97: {  	s31 =	sadd.s32 $0xA0, s15;
	s30 =	sadd.s32 s6, s28;
	s13 =	sand.u32 $0x3FF8, s11;
	[tilespmem:s4+$0x4] =	vst v2;
	v3 =	vld [tilespmem:s23+$0xFFFFFED0]  }
0x98: {  	s12 =	sadd.s32 $0xE0, s2;
	s16 =	sadd.s32 $0x100, s2;
	s14 =	sadd.s32 s13, s1;
	[tilespmem:s22+$0xD0] =	vst v4;
	v2 =	vld [tilespmem:s24+$0x198]  }
0x99: {  	s13 =	sadd.s32 s2, s1;
	s17 =	sadd.s32 $0x80, s6;
	s19 =	sadd.s32 $0xB0, s6;
	[tilespmem:s14+$0x4] =	vst v0;
	v0 =	vld [tilespmem:s23+$0xFFFFFFE8]  }
0x9a: {  	s7 =	sadd.s32 $0xF0, s2;
	s2 =	sand.u32 $0x1FF0, s17;
	v4 =	vld [tilespmem:s23+$0x1F8];
	[dreg:$0xa] =	wrdreg s19  }
0x9b: {  	s20 =	sadd.s32 $0xA0, s6;
	s18 =	sadd.s32 $0x80, s15;
	s2 =	sadd.s32 s2, s28;
	v5 =	vld [tilespmem:s23+$0xE0];
	[tilespmem:s25+$0x60] =	vst v6  }
0x9c: {  	s8 =	sadd.s32 $0x100, s0;
	s5 =	sadd.s32 s0, s1;
	s0 =	sand.u32 $0x3FF8, s18;
	[tilespmem:s2+$0x4] =	vst v1;
	v1 =	vld [tilespmem:s24+$0xFFFFFE20]  }
0x9d: {  	s11 =	sadd.s32 $0x90, s15;
	s21 =	sand.u32 $0x3FF8, s12;
	s0 =	sadd.s32 s0, s28;
	[tilespmem:s3+$0x100] =	vst v3  }
0x9e: {  	s11 =	sand.u32 $0x3FF8, s11;
	s10 =	sadd.s32 $0x90, s6;
	[tilespmem:s0+$0x4] =	vst v2;
	v2 =	vld [tilespmem:s24+$0xFFFFFF78];
	s0 =	sadd.s32 s21, s1  }
0x9f: {  	s12 =	sadd.s32 $0xF0, s6;
	s17 =	sadd.s32 $0xD0, s6;
	s10 =	sand.u32 $0x1FF0, s10;
	[tilespmem:s0+$0x4] =	vst v4;
	v4 =	vld [tilespmem:s23+$0xFFFFFED4]  }
0xa0: {  	s4 =	sand.u32 $0x1FF0, s8;
	s8 =	sand.u32 $0x3FF8, s7;
	s2 =	sand.u32 $0x3FF8, s16;
	v3 =	vld [tilespmem:s24+$0x70];
	[tilespmem:s22+$0xE0] =	vst v5  }
0xa1: {  	s14 =	sadd.s32 $0x100, s6;
	v6 =	vld [tilespmem:s24+$0x1A8];
	s0 =	sadd.s32 s2, s1;
	s2 =	sadd.s32 s4, s1;
	[tilespmem:s26+$0x50] =	vst v1  }
0xa2: {  	s4 =	sadd.s32 s8, s1;
	s1 =	sadd.s32 s10, s28;
	v1 =	vld [tilespmem:s23+$0xF0];
	[dreg:$0x4] =	wrdreg s14  }
0xa3: {  	s9 =	sadd.s32 $0xE0, s6;
	s18 =	sadd.s32 $0xC0, s6;
	s7 =	sadd.s32 $0x100, s15;
	[tilespmem:s1+$0x4] =	vst v2  }
0xa4: {  	s19 =	sadd.s32 $0xB0, s15;
	s16 =	sadd.s32 s11, s28;
	s21 =	sadd.s32 $0xF0, s15;
	v5 =	vld [tilespmem:s24+$0xFFFFFE30];
	[tilespmem:s3+$0x104] =	vst v4  }
0xa5: {  	s11 =	sadd.s32 $0xC0, s15;
	s10 =	sadd.s32 $0xD0, s15;
	v2 =	vld [tilespmem:s23+$0x208];
	[dreg:$0x6] =	wrdreg s21  }
0xa6: {  	s8 =	sadd.s32 $0xE0, s15;
	s14 =	sadd.s32 s15, s28;
	s3 =	simm.s32 $0x2AF0;
	[tilespmem:s16+$0x4] =	vst v6;
	v4 =	vld [tilespmem:s24+$0xFFFFFF88]  }
.LBB2_3:
0xa7: {  	[smem:$0x7EF] =	sst s12  }
0xa8: {  	[smem:$0x7E7] =	sst s18  }
0xa9: {  	[smem:$0x7E8] =	sst s17  }
0xaa: {  	[smem:$0x7EB] =	sst s31  }
0xab: {  	[smem:$0x7EA] =	sst s9  }
0xac: {  	[smem:$0x7EE] =	sst s19  }
0xad: {  	[dreg:$0x17] =	wrdreg s11  }
0xae: {  	[dreg:$0x10] =	wrdreg s10  }
0xaf: {  	[dreg:$0xb] =	wrdreg s7;
	s1 =	sadd.s32 $0x5, s29  }
0xb0: {  	s6 =	sadd.s32 $0x7, s29;
	s11 =	smov.u32 s29;
	s29 =	sadd.s32 $0x4, s29  }
0xb1: {  	s16 =	smov.u32 s28;
	s15 =	smov.u32 s26;
	s1 =	sand.u32 $0xD, s1  }
0xb2: {  	s18 =	smov.u32 s14;
	s19 =	sand.u32 $0xF, s6;
	s14 =	smul.u32 $0x114, s1  }
0xb3: {  	s20 =	sand.u32 $0x1FF0, s20;
	s12 =	sand.u32 $0xC, s29;
	s17 =	smul.u32 $0x114, s19  }
0xb4: {  	[tilespmem:s2+$0x4] =	vst v0;
	s7 =	sshrl.u32 s29, $0x4;
	s2 =	sadd.s32 $0x6, s11;
	s26 =	smul.u32 $0x450, s12  }
0xb5: {  	v0 =	vld [tilespmem:s23+$0xFFFFFFEC];
	s21 =	sadd.s32 s20, s16;
	[tilespmem:s15+$0x60] =	vst v5;
	s10 =	sand.u32 $0xE, s2;
	s20 =	smul.u32 $0x4500, s7  }
0xb6: {  	[dreg:$0xd] =	wrdreg s8;
	v5 =	vld [tilespmem:s24+$0xFFFFFE40];
	s19 =	smul.u32 $0x450, s10;
	[tilespmem:s22+$0xF0] =	vst v1  }
0xb7: {  	[tilespmem:s4+$0x4] =	vst v2;
	s9 =	sadd.s32 $0x10, s14;
	s11 =	sadd.s32 $0x20, s14;
	s12 =	sadd.s32 $0x20, s17;
	v1 =	vld [tilespmem:s23+$0x100]  }
0xb8: {  	[tilespmem:s21+$0x4] =	vst v4;
	s10 =	sadd.s32 $0x10, s17;
	s21 =	sshrl.u32 s26, $0x2;
	s31 =	sadd.s32 $0x30, s14;
	v2 =	vld [tilespmem:s23+$0x218]  }
0xb9: {  	s26 =	sadd.s32 $0x40, s17;
	s8 =	sadd.s32 $0x50, s14;
	s7 =	sadd.s32 $0x80, s14;
	[tilespmem:s25+$0x70] =	vst v3;
	v4 =	vld [tilespmem:s3+$0xFFFFFEE8]  }
0xba: {  	s6 =	sand.u32 $0x1FF0, s9;
	s2 =	sand.u32 $0x1FF0, s11;
	[smem:$0x7E9] =	sst s26;
	[tilespmem:s5+$0x104] =	vst v0;
	v0 =	vld [tilespmem:s3+$0xFFFFFDD0]  }
0xbb: {  	s4 =	sand.u32 $0x3FF8, s12;
	[smem:$0x7EC] =	sst s8;
	s9 =	sadd.s32 $0x50, s17;
	v3 =	vld [tilespmem:s3+$0x0];
	[tilespmem:s15+$0x70] =	vst v5  }
0xbc: {  	s12 =	sand.u32 $0xFF0, s14;
	[dreg:$0x18] =	wrdreg s7;
	s5 =	sshra.s32 s20, $0x2;
	v5 =	vld [tilespmem:s24+$0xFFFFFE50];
	[tilespmem:s22+$0x100] =	vst v1  }
0xbd: {  	[smem:$0x7ED] =	sst s9;
	s20 =	sadd.s32 $0x60, s14;
	s28 =	sadd.s32 $0xAC00, s5;
	[tilespmem:s0+$0x4] =	vst v2;
	v1 =	vld [tilespmem:s23+$0x104]  }
0xbe: {  	s9 =	sadd.s32 $0x70, s17;
	[smem:$0x7F0] =	sst s20;
	s26 =	sadd.s32 s21, s28;
	v2 =	vld [tilespmem:s23+$0x21C]  }
0xbf: {  	[dreg:$0x1e] =	wrdreg s9;
	s20 =	sadd.s32 $0x80, s17;
	s0 =	sadd.s32 s12, s28;
	[tilespmem:s26+$0x0] =	vst v0;
	v0 =	vld [tilespmem:s3+$0x118]  }
0xc0: {  	s1 =	sshrl.u32 s19, $0x2;
	s21 =	sadd.s32 $0x60, s17;
	[dreg:$0x15] =	wrdreg s20;
	[tilespmem:s0+$0x4] =	vst v4  }
0xc1: {  	s5 =	sadd.s32 s6, s28;
	[smem:$0x7F1] =	sst s21;
	s21 =	sadd.s32 $0x90, s17;
	v7 =	vld [tilespmem:s3+$0xFFFFFDE0];
	[tilespmem:s15+$0x80] =	vst v5  }
0xc2: {  	s6 =	sand.u32 $0x1FF8, s17;
	[dreg:$0x11] =	wrdreg s21;
	v6 =	vld [tilespmem:s24+$0x80];
	s23 =	sadd.s32 $0x70, s14;
	[tilespmem:s22+$0x104] =	vst v1  }
0xc3: {  	s11 =	sadd.s32 $0x30, s17;
	s8 =	sadd.s32 s6, s28;
	[smem:$0x7F3] =	sst s23;
	v4 =	vld [tilespmem:s3+$0xFFFFFEF8];
	[tilespmem:s13+$0x104] =	vst v2  }
0xc4: {  	s23 =	sadd.s32 s1, s28;
	s22 =	sand.u32 $0x3FF8, s10;
	[tilespmem:s8+$0x4] =	vst v0;
	s8 =	sadd.s32 $0xC0, s17  }
0xc5: {  	[tilespmem:s23+$0x0] =	vst v3;
	v2 =	vld [tilespmem:s24+$0xFFFFFE60];
	s9 =	sadd.s32 s22, s28;
	s22 =	sadd.s32 $0xD0, s17;
	[smem:$0x7F2] =	sst s8  }
0xc6: {  	s19 =	sadd.s32 $0x40, s14;
	v3 =	vld [tilespmem:s3+$0x10];
	[smem:$0x7F4] =	sst s22;
	s8 =	sadd.s32 $0xE0, s17  }
0xc7: {  	s7 =	sadd.s32 $0xA0, s14;
	v1 =	vld [tilespmem:s24+$0xFFFFFF98];
	[tilespmem:s26+$0x10] =	vst v7;
	s22 =	sadd.s32 $0x100, s17;
	[smem:$0x7F5] =	sst s8  }
0xc8: {  	s20 =	sadd.s32 $0xA0, s17;
	s4 =	sadd.s32 s4, s28;
	[tilespmem:s5+$0x4] =	vst v4;
	v0 =	vld [tilespmem:s3+$0x128];
	[dreg:$0x1a] =	wrdreg s22  }
0xc9: {  	s6 =	sadd.s32 $0xB0, s17;
	s12 =	sadd.s32 $0x90, s14;
	[tilespmem:s25+$0x80] =	vst v6;
	v5 =	vld [tilespmem:s3+$0xFFFFFDF0];
	s8 =	rddreg [dreg:$0xa]  }
0xca: {  	v4 =	vld [tilespmem:s3+$0xFFFFFF08];
	s22 =	smov.u32 s25;
	s25 =	smov.u32 s23;
	s23 =	sand.u32 $0x1FF0, s8;
	[tilespmem:s15+$0x90] =	vst v2  }
0xcb: {  	s21 =	sadd.s32 $0xF0, s14;
	[dreg:$0x13] =	wrdreg s12;
	v2 =	vld [tilespmem:s24+$0x90];
	s23 =	sadd.s32 s23, s16;
	[tilespmem:s25+$0x10] =	vst v3  }
0xcc: {  	s12 =	sadd.s32 $0xE0, s14;
	s0 =	smov.u32 s30;
	s13 =	sadd.s32 $0xB0, s14;
	v3 =	vld [tilespmem:s24+$0xFFFFFE70];
	[tilespmem:s23+$0x4] =	vst v1  }
0xcd: {  	s30 =	sadd.s32 $0xF0, s17;
	s8 =	smov.u32 s13;
	s13 =	rddreg [dreg:$0x4];
	v6 =	vld [tilespmem:s3+$0x20];
	[tilespmem:s9+$0x4] =	vst v0  }
0xce: {  	[dreg:$0xa] =	wrdreg s8;
	s8 =	smov.u32 s13;
	s13 =	sadd.s32 s2, s28;
	[tilespmem:s26+$0x20] =	vst v5;
	v0 =	vld [tilespmem:s3+$0x138]  }
0xcf: {  	s1 =	sadd.s32 $0xC0, s14;
	s10 =	sadd.s32 $0xD0, s14;
	s23 =	rddreg [dreg:$0x6];
	v1 =	vld [tilespmem:s24+$0xFFFFFFA8];
	[tilespmem:s13+$0x4] =	vst v4  }
0xd0: {  	s5 =	sadd.s32 $0x100, s14;
	s9 =	smov.u32 s18;
	s18 =	sld [smem:$0x7E7];
	v5 =	vld [tilespmem:s3+$0xFFFFFE00];
	[tilespmem:s22+$0x90] =	vst v2  }
0xd1: {  	s14 =	sadd.s32 s14, s28;
	s2 =	smov.u32 s23;
	s23 =	smov.u32 s24;
	v4 =	vld [tilespmem:s3+$0xFFFFFF18];
	[tilespmem:s15+$0xA0] =	vst v3  }
0xd2: {  	[dreg:$0x1c] =	wrdreg s8;
	s8 =	smov.u32 s5;
	s5 =	smov.u32 s0;
	v2 =	vld [tilespmem:s23+$0xA0];
	[tilespmem:s25+$0x20] =	vst v6  }
0xd3: {  	[dreg:$0x4] =	wrdreg s8;
	s8 =	smov.u32 s30;
	s0 =	sand.u32 $0x1FF0, s18;
	[tilespmem:s4+$0x4] =	vst v0;
	v0 =	vld [tilespmem:s23+$0xFFFFFE80]  }
0xd4: {  	[dreg:$0x6] =	wrdreg s8;
	s8 =	sand.u32 $0x1FF0, s31;
	s4 =	sadd.s32 s0, s16;
	v6 =	vld [tilespmem:s3+$0x30]  }
0xd5: {  	s17 =	sadd.s32 s17, s28;
	s13 =	smov.u32 s9;
	s9 =	sadd.s32 s8, s28;
	v3 =	vld [tilespmem:s3+$0x148];
	[tilespmem:s4+$0x4] =	vst v1  }
0xd6: {  	s30 =	smov.u32 s14;
	s14 =	smov.u32 s17;
	s17 =	sld [smem:$0x7E8];
	v1 =	vld [tilespmem:s23+$0xFFFFFFB8];
	[tilespmem:s9+$0x4] =	vst v4  }
0xd7: {  	[tilespmem:s22+$0xA0] =	vst v2;
	v4 =	vld [tilespmem:s3+$0xFFFFFF28]  }
0xd8: {  	s11 =	sand.u32 $0x3FF8, s11;
	s18 =	smov.u32 s1;
	v2 =	vld [tilespmem:s23+$0xB0];
	[tilespmem:s15+$0xB0] =	vst v0  }
0xd9: {  	s1 =	sadd.s32 s11, s28;
	s0 =	sand.u32 $0x1FF0, s17;
	s17 =	smov.u32 s10;
	[tilespmem:s25+$0x30] =	vst v6;
	v0 =	vld [tilespmem:s23+$0xFFFFFE90]  }
0xda: {  	s10 =	sld [smem:$0x7E9];
	s8 =	sadd.s32 s0, s16;
	s9 =	sand.u32 $0x1FF0, s19;
	[tilespmem:s1+$0x4] =	vst v3;
	v6 =	vld [tilespmem:s3+$0x40]  }
0xdb: {  	s1 =	sadd.s32 s9, s28;
	v3 =	vld [tilespmem:s3+$0x158];
	[tilespmem:s8+$0x4] =	vst v1  }
0xdc: {  	s19 =	sld [smem:$0x7EA];
	v1 =	vld [tilespmem:s23+$0xFFFFFFC8];
	[tilespmem:s1+$0x4] =	vst v4  }
0xdd: {  	s11 =	sand.u32 $0x3FF8, s10;
	s8 =	sld [smem:$0x7EB];
	[tilespmem:s22+$0xB0] =	vst v2;
	v2 =	vld [tilespmem:s23+$0x1B8]  }
0xde: {  	s1 =	sadd.s32 s11, s28;
	s11 =	sld [smem:$0x7EC];
	v4 =	vld [tilespmem:s3+$0xFFFFFF38];
	[tilespmem:s15+$0xC0] =	vst v0  }
0xdf: {  	s0 =	sand.u32 $0x1FF0, s19;
	[tilespmem:s25+$0x40] =	vst v6;
	v0 =	vld [tilespmem:s23+$0xFFFFFEA0]  }
0xe0: {  	s19 =	sld [smem:$0x7ED];
	s4 =	sadd.s32 s0, s16;
	s10 =	sand.u32 $0x3FF8, s8;
	[tilespmem:s1+$0x4] =	vst v3;
	v6 =	vld [tilespmem:s3+$0x50]  }
0xe1: {  	s9 =	smov.u32 s12;
	s12 =	sand.u32 $0x1FF0, s11;
	s1 =	sadd.s32 s10, s16;
	v3 =	vld [tilespmem:s3+$0x168];
	[tilespmem:s4+$0x4] =	vst v1  }
0xe2: {  	v1 =	vld [tilespmem:s23+$0xC0];
	s4 =	sadd.s32 s12, s28;
	[tilespmem:s1+$0x4] =	vst v2  }
0xe3: {  	[tilespmem:s4+$0x4] =	vst v4;
	s4 =	sld [smem:$0x7EE];
	v2 =	vld [tilespmem:s23+$0x1C8]  }
0xe4: {  	s0 =	sand.u32 $0x3FF8, s19;
	s8 =	sld [smem:$0x7EF];
	[tilespmem:s15+$0xD0] =	vst v0;
	v0 =	vld [tilespmem:s23+$0xFFFFFFD8]  }
0xe5: {  	s10 =	sld [smem:$0x7F0];
	s1 =	sadd.s32 s0, s28;
	v4 =	vld [tilespmem:s3+$0xFFFFFF48];
	[tilespmem:s25+$0x50] =	vst v6  }
0xe6: {  	s31 =	smov.u32 s20;
	s20 =	smov.u32 s7;
	s7 =	sand.u32 $0x3FF8, s4;
	[tilespmem:s1+$0x4] =	vst v3  }
0xe7: {  	s12 =	smov.u32 s21;
	s0 =	sand.u32 $0x1FF0, s8;
	v3 =	vld [tilespmem:s23+$0xFFFFFEB0];
	[tilespmem:s22+$0xC0] =	vst v1;
	s1 =	sadd.s32 s7, s16  }
0xe8: {  	s21 =	sld [smem:$0x7F1];
	s0 =	sadd.s32 s0, s16;
	s4 =	sand.u32 $0x1FF0, s10;
	v1 =	vld [tilespmem:s3+$0x178];
	[tilespmem:s1+$0x4] =	vst v2  }
0xe9: {  	s11 =	sadd.s32 s4, s28;
	v6 =	vld [tilespmem:s3+$0x60];
	[tilespmem:s0+$0x4] =	vst v0  }
0xea: {  	v2 =	vld [tilespmem:s23+$0x1D8];
	[tilespmem:s11+$0x4] =	vst v4  }
0xeb: {  	s0 =	sand.u32 $0x3FF8, s21;
	v0 =	vld [tilespmem:s23+$0xFFFFFFE8]  }
0xec: {  	s19 =	smov.u32 s6;
	s6 =	sld [smem:$0x7F3];
	s0 =	sadd.s32 s0, s28;
	[tilespmem:s15+$0xE0] =	vst v3;
	v4 =	vld [tilespmem:s3+$0xFFFFFF58]  }
0xed: {  	s1 =	rddreg [dreg:$0x17];
	[tilespmem:s0+$0x4] =	vst v1;
	v1 =	vld [tilespmem:s23+$0xFFFFFEC0]  }
0xee: {  	s0 =	sand.u32 $0x3FF8, s1;
	[tilespmem:s26+$0x30] =	vst v5;
	v5 =	vld [tilespmem:s23+$0xD0]  }
0xef: {  	s1 =	sand.u32 $0x1FF0, s6;
	[tilespmem:s25+$0x60] =	vst v6;
	v3 =	vld [tilespmem:s3+$0x188];
	s0 =	sadd.s32 s0, s16  }
0xf0: {  	s8 =	rddreg [dreg:$0x1e];
	s7 =	sadd.s32 s1, s28;
	v6 =	vld [tilespmem:s3+$0xFFFFFE10];
	[tilespmem:s0+$0x4] =	vst v2  }
0xf1: {  	s4 =	sld [smem:$0x7F2];
	v2 =	vld [tilespmem:s23+$0x1E8];
	[tilespmem:s7+$0x4] =	vst v4  }
0xf2: {  	s0 =	sand.u32 $0x3FF8, s8;
	[tilespmem:s15+$0xF0] =	vst v1;
	v4 =	vld [tilespmem:s3+$0xFFFFFF68]  }
0xf3: {  	s10 =	rddreg [dreg:$0x10];
	s0 =	sadd.s32 s0, s28;
	[tilespmem:s22+$0xD0] =	vst v5;
	v1 =	vld [tilespmem:s23+$0xFFFFFED0]  }
0xf4: {  	s11 =	smov.u32 s4;
	s4 =	rddreg [dreg:$0x18];
	[tilespmem:s0+$0x4] =	vst v3;
	s0 =	sand.u32 $0x3FF8, s10;
	v5 =	vld [tilespmem:s23+$0xE0]  }
0xf5: {  	s21 =	sld [smem:$0x7F4];
	s1 =	sand.u32 $0x1FF0, s4;
	[tilespmem:s26+$0x40] =	vst v6;
	v3 =	vld [tilespmem:s3+$0x198];
	s0 =	sadd.s32 s0, s16  }
0xf6: {  	s4 =	rddreg [dreg:$0x13];
	s6 =	sadd.s32 s1, s28;
	v6 =	vld [tilespmem:s3+$0xFFFFFE20];
	[tilespmem:s0+$0x4] =	vst v2  }
0xf7: {  	s7 =	rddreg [dreg:$0x15];
	v2 =	vld [tilespmem:s23+$0x1F8];
	[tilespmem:s6+$0x4] =	vst v4  }
0xf8: {  	p2 =	slt.u32 s29, $0x3C;
	s8 =	rddreg [dreg:$0xd];
	s0 =	sand.u32 $0x3FF8, s7;
	[tilespmem:s15+$0x100] =	vst v1;
	v4 =	vld [tilespmem:s3+$0xFFFFFF78]  }
0xf9: {  	s10 =	smov.u32 s21;
	s21 =	sld [smem:$0x7F5];
	s0 =	sadd.s32 s0, s28;
	[tilespmem:s22+$0xE0] =	vst v5;
	v7 =	vld [tilespmem:s23+$0xFFFFFED4]  }
0xfa: {  	s24 =	smov.u32 s3;
	s1 =	sand.u32 $0x1FF0, s4;
	[tilespmem:s0+$0x4] =	vst v3;
	s0 =	sand.u32 $0x3FF8, s8  }
0xfb: {  	s7 =	rddreg [dreg:$0xb];
	s6 =	sadd.s32 s1, s28;
	[tilespmem:s26+$0x50] =	vst v6;
	v8 =	vld [tilespmem:s3+$0x1A8];
	s0 =	sadd.s32 s0, s16  }
.Ltmp0:
0xfc: {  	s8 =	smov.u32 s21;
	v3 =	vld [tilespmem:s3+$0x70];
	s21 =	rddreg [dreg:$0x1a];
	[tilespmem:s0+$0x4] =	vst v2;
	(pc) =	sbr.rel @p2 .LBB2_3-.Ltmp0, $4  }
0xfd: {  	s1 =	sand.u32 $0x3FF8, s7;
	v1 =	vld [tilespmem:s23+$0xF0];
	s7 =	smov.u32 s21;
	[tilespmem:s6+$0x4] =	vst v4;
	s6 =	rddreg [dreg:$0x11]  }
0xfe: {  	v5 =	vld [tilespmem:s3+$0xFFFFFE30];
	s3 =	sadd.s32 $0x460, s3;
	[tilespmem:s15+$0x104] =	vst v7;
	s15 =	rddreg [dreg:$0x1c];
	s21 =	sand.u32 $0x3FF8, s6  }
0xff: {  	v2 =	vld [tilespmem:s23+$0x208];
	s4 =	sand.u32 $0x1FF0, s15;
	s6 =	sadd.s32 s21, s28;
	s21 =	sand.u32 $0x3FF8, s2  }
0x100: {  	s0 =	sadd.s32 s1, s16;
	v4 =	vld [tilespmem:s24+$0xFFFFFF88];
	s2 =	sadd.s32 s4, s16;
	[tilespmem:s6+$0x4] =	vst v8;
	s4 =	sadd.s32 s21, s16  }
0x101: {  	_ =	sdelay $0x1  }
0x102: {  	[tilespmem:s26+$0x60] =	vst v5  }
0x103: {  	v5 =	vld [tilespmem:s24+$0xFFFFFE40];
	_ =	sdelay $0x4  }
0x104: {  	[tilespmem:s26+$0x70] =	vst v5  }
0x105: {  	[tilespmem:s25+$0x70] =	vst v3;
	v5 =	vld [tilespmem:s24+$0xFFFFFE50]  }
0x106: {  	v3 =	vld [tilespmem:s24+$0x80];
	_ =	sdelay $0x3  }
0x107: {  	[tilespmem:s26+$0x80] =	vst v5  }
0x108: {  	[tilespmem:s25+$0x80] =	vst v3;
	v5 =	vld [tilespmem:s24+$0xFFFFFE60]  }
0x109: {  	v3 =	vld [tilespmem:s24+$0x90];
	_ =	sdelay $0x3  }
0x10a: {  	v6 =	vld [tilespmem:s24+$0x1B8];
	[tilespmem:s26+$0x90] =	vst v5  }
0x10b: {  	[tilespmem:s25+$0x90] =	vst v3;
	v5 =	vld [tilespmem:s24+$0xFFFFFE70]  }
0x10c: {  	s1 =	sand.u32 $0x1FF0, s20;
	v3 =	vld [tilespmem:s24+$0xA0]  }
0x10d: {  	s3 =	sand.u32 $0x3FF8, s31;
	s1 =	sadd.s32 s1, s28  }
0x10e: {  	[tilespmem:s1+$0x4] =	vst v4;
	s1 =	sadd.s32 s3, s28  }
0x10f: {  	[tilespmem:s1+$0x4] =	vst v6  }
0x110: {  	v53 =	vld [tilespmem:s24+$0xFFFFFF98];
	[tilespmem:s26+$0xA0] =	vst v5  }
0x111: {  	[tilespmem:s25+$0xA0] =	vst v3;
	v52 =	vld [tilespmem:s24+$0xFFFFFE80]  }
0x112: {  	v3 =	vld [tilespmem:s24+$0xB0];
	s1 =	rddreg [dreg:$0xa]  }
0x113: {  	s1 =	sand.u32 $0x1FF0, s1  }
0x114: {  	s1 =	sadd.s32 s1, s28  }
0x115: {  	v6 =	vld [tilespmem:s24+$0x1C8];
	[tilespmem:s1+$0x4] =	vst v53  }
0x116: {  	v5 =	vld [tilespmem:s24+$0xFFFFFFA8];
	[tilespmem:s26+$0xB0] =	vst v52  }
0x117: {  	[tilespmem:s25+$0xB0] =	vst v3;
	v4 =	vld [tilespmem:s24+$0xFFFFFE90]  }
0x118: {  	s6 =	sand.u32 $0x3FF8, s19;
	v3 =	vld [tilespmem:s24+$0xC0]  }
0x119: {  	s15 =	sand.u32 $0x1FF0, s18;
	s1 =	sadd.s32 s6, s28  }
0x11a: {  	[tilespmem:s1+$0x4] =	vst v6;
	s1 =	sadd.s32 s15, s28  }
0x11b: {  	v6 =	vld [tilespmem:s24+$0x1D8];
	[tilespmem:s1+$0x4] =	vst v5  }
0x11c: {  	v5 =	vld [tilespmem:s24+$0xFFFFFFB8];
	[tilespmem:s26+$0xC0] =	vst v4  }
0x11d: {  	[tilespmem:s25+$0xC0] =	vst v3;
	v4 =	vld [tilespmem:s24+$0xFFFFFEA0]  }
0x11e: {  	s16 =	sand.u32 $0x3FF8, s11;
	v3 =	vld [tilespmem:s24+$0xD0]  }
0x11f: {  	s17 =	sand.u32 $0x1FF0, s17;
	s1 =	sadd.s32 s16, s28  }
0x120: {  	[tilespmem:s1+$0x4] =	vst v6;
	s1 =	sadd.s32 s17, s28  }
0x121: {  	v6 =	vld [tilespmem:s24+$0x1E8];
	[tilespmem:s1+$0x4] =	vst v5  }
0x122: {  	v54 =	vld [tilespmem:s24+$0xFFFFFFC8];
	[tilespmem:s26+$0xD0] =	vst v4  }
0x123: {  	[tilespmem:s25+$0xD0] =	vst v3;
	v4 =	vld [tilespmem:s24+$0xFFFFFEB0]  }
0x124: {  	s18 =	sand.u32 $0x3FF8, s10;
	[tilespmem:s2+$0x4] =	vst v0;
	v55 =	vld [tilespmem:s24+$0xE0]  }
0x125: {  	s19 =	sand.u32 $0x1FF0, s9;
	[tilespmem:s4+$0x4] =	vst v2;
	s1 =	sadd.s32 s18, s28  }
0x126: {  	v57 =	vld [tilespmem:s23+$0xFFFFFFEC];
	[tilespmem:s1+$0x4] =	vst v6;
	s1 =	sadd.s32 s19, s28  }
0x127: {  	v56 =	vld [tilespmem:s24+$0x1F8];
	[tilespmem:s1+$0x4] =	vst v54  }
0x128: {  	v59 =	vld [tilespmem:s24+$0xFFFFFFD8];
	[tilespmem:s26+$0xE0] =	vst v4  }
0x129: {  	[tilespmem:s25+$0xE0] =	vst v55;
	v58 =	vld [tilespmem:s24+$0xFFFFFEC0]  }
0x12a: {  	s20 =	sand.u32 $0x3FF8, s8;
	[tilespmem:s22+$0xF0] =	vst v1;
	v60 =	vld [tilespmem:s24+$0xF0]  }
0x12b: {  	s21 =	sand.u32 $0x1FF0, s12;
	v62 =	vld [tilespmem:s23+$0x100];
	[tilespmem:s5+$0x104] =	vst v57;
	s1 =	sadd.s32 s20, s28  }
0x12c: {  	[tilespmem:s1+$0x4] =	vst v56;
	s1 =	sadd.s32 s21, s28  }
0x12d: {  	v61 =	vld [tilespmem:s24+$0x208];
	[tilespmem:s1+$0x4] =	vst v59  }
0x12e: {  	v63 =	vld [tilespmem:s23+$0x218];
	[tilespmem:s26+$0xF0] =	vst v58  }
0x12f: {  	v3 =	vld [tilespmem:s24+$0xFFFFFED0];
	s1 =	rddreg [dreg:$0x6];
	[tilespmem:s25+$0xF0] =	vst v60  }
0x130: {  	[tilespmem:s22+$0x100] =	vst v62;
	s1 =	sand.u32 $0x3FF8, s1;
	v0 =	vld [tilespmem:s24+$0x100]  }
0x131: {  	v2 =	vld [tilespmem:s23+$0x104];
	s1 =	sadd.s32 s1, s28  }
0x132: {  	v4 =	vld [tilespmem:s24+$0xFFFFFFE8];
	[tilespmem:s1+$0x4] =	vst v61  }
0x133: {  	[tilespmem:s0+$0x4] =	vst v63;
	v1 =	vld [tilespmem:s24+$0x218]  }
0x134: {  	v5 =	vld [tilespmem:s23+$0x21C];
	s0 =	rddreg [dreg:$0x4];
	[tilespmem:s26+$0x100] =	vst v3  }
0x135: {  	s0 =	sand.u32 $0x1FF0, s0;
	[tilespmem:s25+$0x100] =	vst v0  }
0x136: {  	s29 =	sand.u32 $0x3FF8, s7;
	s0 =	sadd.s32 s0, s28;
	[tilespmem:s22+$0x104] =	vst v2  }
0x137: {  	[tilespmem:s0+$0x4] =	vst v4;
	s0 =	sadd.s32 s29, s28  }
0x138: {  	[tilespmem:s0+$0x4] =	vst v1  }
0x139: {  	v3 =	vld [tilespmem:s24+$0xFFFFFED4];
	s4 =	sld [smem:$0x7F7];
	[tilespmem:s13+$0x104] =	vst v5  }
0x13a: {  	v0 =	vld [tilespmem:s24+$0x104];
	s1 =	sld [smem:$0x7F9]  }
0x13b: {  	v4 =	vld [tilespmem:s24+$0xFFFFFFEC]  }
0x13c: {  	v1 =	vld [tilespmem:s24+$0x21C];
	s0 =	sshll.u32 s4, $0x7  }
0x13d: {  	p2 =	sne.s32 s4, $0x3F;
	s1 =	sadd.s32 s1, s0  }
.Ltmp1:
0x13e: {  	[tilespmem:s26+$0x104] =	vst v3;
	s1 =	sshrl.u32 s1, $0x4;
	(pc) =	sbr.rel @p2 .LBB2_6-.Ltmp1, $4  }
0x13f: {  	[tilespmem:s25+$0x104] =	vst v0;
	s1 =	smul.u32 $0x228, s1  }
0x140: {  	[tilespmem:s30+$0x104] =	vst v4;
	s30 =	rddreg [dreg:$0x1]  }
0x141: {  	s31 =	simm.s32 $0x0;
	s3 =	simm.s32 $0xAC00;
	[tilespmem:s14+$0x104] =	vst v1;
	s1 =	sadd.s32 s30, s1  }
0x142: {  	[hbm4b:s1+s31] =	stream.linear.scatter [tilespmem:s3], [sflag:$0x3], $0x4500, $0x38;
	[tilespmem:$0x17C00] =	vst v63  }
.Ltmp2:
0x143: {  	(pc) =	sbr.rel .LBB2_7-.Ltmp2, $4  }
0x144: {  	s0 =	simm.s32 $0x2  }
0x145: {  	_ =	swait.ge [sflag:s0], $0x4600  }
0x146: {  	[sflag:s0] =	ssyncset.done $0x0  }
0x147: {  	[sflag:s0] =	ssyncadd.s32 $0xFFFFBA00  }
.LBB2_6:
0x148: {  	s0 =	sand.u32 $0x3FFFFF80, s0  }
0x149: {  	s1 =	rddreg [dreg:$0x2];
	s2 =	simm.s32 $0x40;
	s3 =	simm.s32 $0x2000  }
.Ltmp3:
0x14a: {  	s31 =	simm.s32 $0x2;
	s0 =	sadd.s32 $0x80, s0;
	(pc) =	sbr.rel @p1 .LBB2_8-.Ltmp3, $4  }
0x14b: {  	[tilespmem:s3], [sflag:$0x1] =	stream.indirect.gather [spmem:s1], $0x118, s0, s2, $0xb8;
	[tilespmem:$0x17C00] =	vst v63  }
0x14c: {  	_ =	swait.ge [sflag:s31], $0x4600  }
0x14d: {  	[sflag:s31] =	ssyncset.done $0x0  }
0x14e: {  	[sflag:s31] =	ssyncadd.s32 $0xFFFFBA00  }
.LBB2_7:
0x14f: {  	s0 =	simm.s32 $0x4  }
0x150: {  	_ =	swait.ge [sflag:s0], $0x4500  }
0x151: {  	[sflag:s0] =	ssyncset.done $0x0  }
0x152: {  	[sflag:s0] =	ssyncadd.s32 $0xFFFFBB00  }
.LBB2_8:
0x153: {  	s23 =	simm.s32 $0x6A4C;
	s0 =	simm.s32 $0x1;
	s1 =	simm.s32 $0x0  }
0x154: {  	s0 =	sand.u32 $0xD, s0;
	v0 =	vld [tilespmem:s23+$0xFFFFFCCC];
	s1 =	smul.u32 $0x4500, s1  }
0x155: {  	s0 =	smul.u32 $0x114, s0  }
0x156: {  	s2 =	simm.s32 $0x3;
	s1 =	sshra.s32 s1, $0x2  }
0x157: {  	s3 =	sand.u32 $0xF, s2;
	v1 =	vld [tilespmem:s23+$0xFFFFFEFC];
	s2 =	sadd.s32 $0xF100, s1;
	s26 =	sand.u32 $0xFF0, s0  }
0x158: {  	s5 =	smul.u32 $0x114, s3;
	s1 =	sadd.s32 s26, s2  }
0x159: {  	[tilespmem:s1+$0x4] =	vst v0  }
0x15a: {  	s4 =	sand.u32 $0x1FF8, s5;
	v0 =	vld [tilespmem:s23+$0xFFFFFCDC]  }
0x15b: {  	s1 =	sadd.s32 s4, s2  }
0x15c: {  	s6 =	sadd.s32 $0x10, s0;
	[tilespmem:s1+$0x4] =	vst v1  }
0x15d: {  	s7 =	sand.u32 $0x1FF0, s6;
	v1 =	vld [tilespmem:s23+$0xFFFFFF0C]  }
0x15e: {  	s1 =	sadd.s32 s7, s2  }
0x15f: {  	s8 =	sadd.s32 $0x10, s5;
	[tilespmem:s1+$0x4] =	vst v0  }
0x160: {  	s9 =	sand.u32 $0x3FF8, s8;
	s4 =	simm.s32 $0x2;
	v0 =	vld [tilespmem:s23+$0xFFFFFCEC]  }
0x161: {  	s11 =	simm.s32 $0x0;
	v3 =	vld [tilespmem:s23+$0xFFFFFDE4];
	s4 =	sand.u32 $0xE, s4;
	s1 =	sadd.s32 s9, s2  }
0x162: {  	v2 =	vld [tilespmem:s23+$0xFFFFFBB4];
	s10 =	sadd.s32 $0x20, s0;
	s12 =	smul.u32 $0x450, s4;
	[tilespmem:s1+$0x4] =	vst v1;
	s1 =	sand.u32 $0xC, s11  }
0x163: {  	s3 =	sand.u32 $0x1FF0, s10;
	v1 =	vld [tilespmem:s23+$0xFFFFFF1C];
	s1 =	smul.u32 $0x450, s1  }
0x164: {  	s3 =	sadd.s32 s3, s2;
	s7 =	sshrl.u32 s12, $0x2  }
0x165: {  	s6 =	sadd.s32 $0x20, s5;
	s22 =	sadd.s32 s7, s2;
	s1 =	sshrl.u32 s1, $0x2;
	[tilespmem:s3+$0x4] =	vst v0  }
0x166: {  	s13 =	sand.u32 $0x3FF8, s6;
	[tilespmem:s22+$0x0] =	vst v3;
	s3 =	sadd.s32 s1, s2;
	v0 =	vld [tilespmem:s23+$0xFFFFFCFC]  }
0x167: {  	s4 =	sadd.s32 s13, s2;
	v3 =	vld [tilespmem:s23+$0xFFFFFDF4];
	[tilespmem:s3+$0x0] =	vst v2  }
0x168: {  	s14 =	sadd.s32 $0x30, s0;
	[tilespmem:s4+$0x4] =	vst v1;
	v2 =	vld [tilespmem:s23+$0xFFFFFBC4]  }
0x169: {  	s15 =	sand.u32 $0x1FF0, s14;
	v1 =	vld [tilespmem:s23+$0xFFFFFF2C]  }
0x16a: {  	s1 =	sadd.s32 s15, s2  }
0x16b: {  	s16 =	sadd.s32 $0x30, s5;
	[tilespmem:s1+$0x4] =	vst v0  }
0x16c: {  	s17 =	sand.u32 $0x3FF8, s16;
	[tilespmem:s22+$0x10] =	vst v3;
	v0 =	vld [tilespmem:s23+$0xFFFFFD0C]  }
0x16d: {  	v3 =	vld [tilespmem:s23+$0xFFFFFE04];
	s1 =	sadd.s32 s17, s2;
	[tilespmem:s3+$0x10] =	vst v2  }
0x16e: {  	s18 =	sadd.s32 $0x40, s0;
	[tilespmem:s1+$0x4] =	vst v1;
	v2 =	vld [tilespmem:s23+$0xFFFFFBD4]  }
0x16f: {  	s19 =	sand.u32 $0x1FF0, s18;
	v1 =	vld [tilespmem:s23+$0xFFFFFF3C]  }
0x170: {  	s1 =	sadd.s32 s19, s2  }
0x171: {  	s20 =	sadd.s32 $0x40, s5;
	[tilespmem:s1+$0x4] =	vst v0  }
0x172: {  	s21 =	sand.u32 $0x3FF8, s20;
	[tilespmem:s22+$0x20] =	vst v3;
	v0 =	vld [tilespmem:s23+$0xFFFFFD1C]  }
0x173: {  	v3 =	vld [tilespmem:s23+$0xFFFFFE14];
	s1 =	sadd.s32 s21, s2;
	[tilespmem:s3+$0x20] =	vst v2  }
0x174: {  	s24 =	sadd.s32 $0x50, s0;
	[tilespmem:s1+$0x4] =	vst v1;
	v2 =	vld [tilespmem:s23+$0xFFFFFBE4]  }
0x175: {  	s25 =	sand.u32 $0x1FF0, s24;
	v1 =	vld [tilespmem:s23+$0xFFFFFF4C]  }
0x176: {  	s1 =	sadd.s32 s25, s2  }
0x177: {  	s26 =	sadd.s32 $0x50, s5;
	[tilespmem:s1+$0x4] =	vst v0  }
0x178: {  	s6 =	sand.u32 $0x3FF8, s26;
	[tilespmem:s22+$0x30] =	vst v3;
	v0 =	vld [tilespmem:s23+$0xFFFFFD2C]  }
0x179: {  	v3 =	vld [tilespmem:s23+$0xFFFFFE24];
	s1 =	sadd.s32 s6, s2;
	[tilespmem:s3+$0x30] =	vst v2  }
0x17a: {  	s7 =	sadd.s32 $0x60, s0;
	[tilespmem:s1+$0x4] =	vst v1;
	v2 =	vld [tilespmem:s23+$0xFFFFFBF4]  }
0x17b: {  	s8 =	sand.u32 $0x1FF0, s7;
	v1 =	vld [tilespmem:s23+$0xFFFFFF5C]  }
0x17c: {  	s1 =	sadd.s32 s8, s2  }
0x17d: {  	s9 =	sadd.s32 $0x60, s5;
	[tilespmem:s1+$0x4] =	vst v0  }
0x17e: {  	s10 =	sand.u32 $0x3FF8, s9;
	[tilespmem:s22+$0x40] =	vst v3;
	v0 =	vld [tilespmem:s23+$0xFFFFFD3C]  }
0x17f: {  	v3 =	vld [tilespmem:s23+$0xFFFFFE34];
	s1 =	sadd.s32 s10, s2;
	[tilespmem:s3+$0x40] =	vst v2  }
0x180: {  	s11 =	sadd.s32 $0x70, s0;
	[tilespmem:s1+$0x4] =	vst v1;
	v2 =	vld [tilespmem:s23+$0xFFFFFC04]  }
0x181: {  	s12 =	sand.u32 $0x1FF0, s11;
	v1 =	vld [tilespmem:s23+$0xFFFFFF6C]  }
0x182: {  	s1 =	sadd.s32 s12, s2  }
0x183: {  	s13 =	sadd.s32 $0x70, s5;
	[tilespmem:s1+$0x4] =	vst v0  }
0x184: {  	s14 =	sand.u32 $0x3FF8, s13;
	[tilespmem:s22+$0x50] =	vst v3;
	v0 =	vld [tilespmem:s23+$0xFFFFFD4C]  }
0x185: {  	v3 =	vld [tilespmem:s23+$0xFFFFFE44];
	s1 =	sadd.s32 s14, s2;
	[tilespmem:s3+$0x50] =	vst v2  }
0x186: {  	s15 =	sadd.s32 $0x80, s0;
	[tilespmem:s1+$0x4] =	vst v1;
	v2 =	vld [tilespmem:s23+$0xFFFFFC14]  }
0x187: {  	s16 =	sand.u32 $0x1FF0, s15;
	v1 =	vld [tilespmem:s23+$0xFFFFFF7C]  }
0x188: {  	s1 =	sadd.s32 s16, s2  }
0x189: {  	s17 =	sadd.s32 $0x80, s5;
	[tilespmem:s1+$0x4] =	vst v0  }
0x18a: {  	s18 =	sand.u32 $0x3FF8, s17;
	[tilespmem:s22+$0x60] =	vst v3;
	v0 =	vld [tilespmem:s23+$0xFFFFFD5C]  }
0x18b: {  	s29 =	simm.s32 $0x4;
	v3 =	vld [tilespmem:s23+$0xFFFFFE54];
	s1 =	sadd.s32 s18, s2;
	[tilespmem:s3+$0x60] =	vst v2  }
0x18c: {  	s20 =	sadd.s32 $0x90, s5;
	s26 =	simm.s32 $0x5;
	s19 =	sadd.s32 $0x90, s0;
	[tilespmem:s1+$0x4] =	vst v1;
	v2 =	vld [tilespmem:s23+$0xFFFFFC24]  }
0x18d: {  	s24 =	simm.s32 $0x6EAC;
	s7 =	sand.u32 $0xD, s26;
	s4 =	sand.u32 $0x1FF0, s19;
	v1 =	vld [tilespmem:s23+$0xFFFFFF8C]  }
0x18e: {  	s7 =	smul.u32 $0x114, s7;
	s4 =	sadd.s32 s4, s2;
	s25 =	simm.s32 $0x0  }
0x18f: {  	v4 =	vld [tilespmem:s24+$0xFFFFFBB4];
	s9 =	simm.s32 $0x7;
	s8 =	sand.u32 $0xC, s29;
	[tilespmem:s4+$0x4] =	vst v0;
	s4 =	smul.u32 $0x4500, s25  }
0x190: {  	v5 =	vld [tilespmem:s24+$0xFFFFFCCC];
	s9 =	sand.u32 $0xF, s9;
	s8 =	smul.u32 $0x450, s8;
	[tilespmem:s22+$0x70] =	vst v3;
	s1 =	sand.u32 $0x3FF8, s20  }
0x191: {  	s21 =	sadd.s32 $0xA0, s0;
	s1 =	sadd.s32 s1, s2;
	v0 =	vld [tilespmem:s23+$0xFFFFFD6C];
	[tilespmem:s3+$0x70] =	vst v2;
	s4 =	sshra.s32 s4, $0x2  }
0x192: {  	s8 =	sshrl.u32 s8, $0x2;
	s10 =	simm.s32 $0x6;
	[tilespmem:s1+$0x4] =	vst v1;
	v1 =	vld [tilespmem:s23+$0xFFFFFE64];
	s28 =	sadd.s32 $0xF100, s4  }
0x193: {  	v2 =	vld [tilespmem:s23+$0xFFFFFC34];
	s4 =	sand.u32 $0xE, s10;
	s10 =	sand.u32 $0xFF0, s7;
	s26 =	sadd.s32 s8, s28  }
0x194: {  	s6 =	sand.u32 $0x1FF0, s21;
	v3 =	vld [tilespmem:s24+$0xFFFFFEFC];
	s1 =	smul.u32 $0x450, s4;
	s4 =	sadd.s32 s10, s28;
	[tilespmem:s26+$0x0] =	vst v4  }
0x195: {  	v6 =	vld [tilespmem:s24+$0xFFFFFDE4];
	s13 =	smul.u32 $0x114, s9;
	s6 =	sadd.s32 s6, s2;
	[tilespmem:s4+$0x4] =	vst v5  }
0x196: {  	v4 =	vld [tilespmem:s24+$0xFFFFFBC4];
	[tilespmem:s6+$0x4] =	vst v0  }
0x197: {  	s11 =	sand.u32 $0x1FF8, s13;
	s1 =	sshrl.u32 s1, $0x2;
	v0 =	vld [tilespmem:s24+$0xFFFFFCDC];
	[tilespmem:s22+$0x80] =	vst v1  }
0x198: {  	s25 =	sadd.s32 s1, s28;
	v5 =	vld [tilespmem:s23+$0xFFFFFD7C];
	[tilespmem:s3+$0x80] =	vst v2;
	s1 =	sadd.s32 s11, s28  }
0x199: {  	s12 =	sadd.s32 $0x10, s7;
	v2 =	vld [tilespmem:s23+$0xFFFFFC44];
	[tilespmem:s1+$0x4] =	vst v3  }
0x19a: {  	s16 =	sadd.s32 $0xB0, s0;
	s4 =	sand.u32 $0x1FF0, s12;
	[tilespmem:s25+$0x0] =	vst v6;
	v3 =	vld [tilespmem:s24+$0xFFFFFF0C]  }
0x19b: {  	s14 =	sadd.s32 s4, s28;
	s4 =	sand.u32 $0x1FF0, s16;
	v6 =	vld [tilespmem:s24+$0xFFFFFDF4];
	[tilespmem:s26+$0x10] =	vst v4  }
0x19c: {  	s15 =	sadd.s32 $0x10, s13;
	v1 =	vld [tilespmem:s23+$0xFFFFFE74];
	s17 =	sadd.s32 s4, s2;
	[tilespmem:s14+$0x4] =	vst v0  }
0x19d: {  	s1 =	sand.u32 $0x3FF8, s15;
	v4 =	vld [tilespmem:s24+$0xFFFFFBD4];
	[tilespmem:s17+$0x4] =	vst v5  }
0x19e: {  	s1 =	sadd.s32 s1, s28;
	v0 =	vld [tilespmem:s24+$0xFFFFFCEC];
	[tilespmem:s3+$0x90] =	vst v2  }
0x19f: {  	v2 =	vld [tilespmem:s23+$0xFFFFFC54];
	[tilespmem:s1+$0x4] =	vst v3  }
0x1a0: {  	s18 =	sadd.s32 $0x20, s7;
	[tilespmem:s25+$0x10] =	vst v6;
	v3 =	vld [tilespmem:s24+$0xFFFFFF1C]  }
0x1a1: {  	s19 =	sand.u32 $0x1FF0, s18;
	[tilespmem:s22+$0x90] =	vst v1;
	v6 =	vld [tilespmem:s24+$0xFFFFFE04]  }
0x1a2: {  	s20 =	sadd.s32 $0x20, s13;
	s1 =	sadd.s32 s19, s28;
	[tilespmem:s26+$0x20] =	vst v4;
	v4 =	vld [tilespmem:s23+$0xFFFFFD8C]  }
0x1a3: {  	s4 =	sand.u32 $0x3FF8, s20;
	[tilespmem:s1+$0x4] =	vst v0;
	v0 =	vld [tilespmem:s23+$0xFFFFFE84]  }
0x1a4: {  	s21 =	sadd.s32 $0xC0, s0;
	s4 =	sadd.s32 s4, s28;
	v1 =	vld [tilespmem:s24+$0xFFFFFCFC];
	[tilespmem:s3+$0xA0] =	vst v2  }
0x1a5: {  	s8 =	sand.u32 $0x1FF0, s21;
	v5 =	vld [tilespmem:s24+$0xFFFFFBE4];
	[tilespmem:s4+$0x4] =	vst v3  }
0x1a6: {  	s10 =	sadd.s32 $0x30, s7;
	s9 =	sadd.s32 s8, s2;
	v2 =	vld [tilespmem:s23+$0xFFFFFC64];
	[tilespmem:s25+$0x20] =	vst v6  }
0x1a7: {  	s11 =	sand.u32 $0x1FF0, s10;
	v3 =	vld [tilespmem:s24+$0xFFFFFF2C];
	[tilespmem:s9+$0x4] =	vst v4  }
0x1a8: {  	s1 =	sadd.s32 s11, s28;
	v6 =	vld [tilespmem:s24+$0xFFFFFE14];
	[tilespmem:s22+$0xA0] =	vst v0  }
0x1a9: {  	s12 =	sadd.s32 $0x30, s13;
	v4 =	vld [tilespmem:s23+$0xFFFFFD9C];
	[tilespmem:s1+$0x4] =	vst v1  }
0x1aa: {  	s15 =	sand.u32 $0x3FF8, s12;
	v0 =	vld [tilespmem:s23+$0xFFFFFE94];
	[tilespmem:s26+$0x30] =	vst v5  }
0x1ab: {  	s14 =	sadd.s32 $0xD0, s0;
	s1 =	sadd.s32 s15, s28;
	v1 =	vld [tilespmem:s24+$0xFFFFFD0C];
	[tilespmem:s3+$0xB0] =	vst v2  }
0x1ac: {  	s16 =	sand.u32 $0x1FF0, s14;
	[tilespmem:s1+$0x4] =	vst v3;
	v2 =	vld [tilespmem:s23+$0xFFFFFC74]  }
0x1ad: {  	s18 =	sadd.s32 $0x40, s7;
	s17 =	sadd.s32 s16, s2;
	[tilespmem:s25+$0x30] =	vst v6;
	v3 =	vld [tilespmem:s24+$0xFFFFFF3C]  }
0x1ae: {  	s19 =	sand.u32 $0x1FF0, s18;
	v5 =	vld [tilespmem:s24+$0xFFFFFBF4];
	[tilespmem:s17+$0x4] =	vst v4  }
0x1af: {  	s20 =	sadd.s32 $0x40, s13;
	s1 =	sadd.s32 s19, s28;
	v4 =	vld [tilespmem:s23+$0xFFFFFF9C];
	[tilespmem:s22+$0xB0] =	vst v0  }
0x1b0: {  	s4 =	sand.u32 $0x3FF8, s20;
	v0 =	vld [tilespmem:s24+$0xFFFFFE24];
	[tilespmem:s1+$0x4] =	vst v1  }
0x1b1: {  	s21 =	sadd.s32 $0xA0, s5;
	s1 =	sadd.s32 s4, s28;
	v1 =	vld [tilespmem:s24+$0xFFFFFD1C];
	[tilespmem:s3+$0xC0] =	vst v2  }
0x1b2: {  	s6 =	sand.u32 $0x3FF8, s21;
	[tilespmem:s1+$0x4] =	vst v3;
	v2 =	vld [tilespmem:s23+$0xFFFFFC84]  }
0x1b3: {  	s10 =	sadd.s32 $0x50, s7;
	s9 =	sadd.s32 s6, s2;
	[tilespmem:s26+$0x40] =	vst v5;
	v3 =	vld [tilespmem:s24+$0xFFFFFF4C]  }
0x1b4: {  	s11 =	sand.u32 $0x1FF0, s10;
	v6 =	vld [tilespmem:s23+$0xFFFFFDAC];
	[tilespmem:s9+$0x4] =	vst v4  }
0x1b5: {  	s12 =	sadd.s32 $0x50, s13;
	s1 =	sadd.s32 s11, s28;
	[tilespmem:s25+$0x40] =	vst v0;
	v4 =	vld [tilespmem:s23+$0xFFFFFFAC]  }
0x1b6: {  	s8 =	sadd.s32 $0xE0, s0;
	s15 =	sand.u32 $0x3FF8, s12;
	v0 =	vld [tilespmem:s23+$0xFFFFFEA4];
	[tilespmem:s1+$0x4] =	vst v1  }
0x1b7: {  	s14 =	sadd.s32 $0xB0, s5;
	s4 =	sand.u32 $0x1FF0, s8;
	s1 =	sadd.s32 s15, s28;
	v1 =	vld [tilespmem:s24+$0xFFFFFD2C];
	[tilespmem:s3+$0xD0] =	vst v2  }
0x1b8: {  	s16 =	sand.u32 $0x3FF8, s14;
	s4 =	sadd.s32 s4, s2;
	[tilespmem:s1+$0x4] =	vst v3;
	v2 =	vld [tilespmem:s23+$0xFFFFFC94]  }
0x1b9: {  	s18 =	sadd.s32 $0x60, s7;
	s17 =	sadd.s32 s16, s2;
	[tilespmem:s4+$0x4] =	vst v6;
	v3 =	vld [tilespmem:s24+$0xFFFFFF5C]  }
0x1ba: {  	s19 =	sand.u32 $0x1FF0, s18;
	[tilespmem:s17+$0x4] =	vst v4;
	v4 =	vld [tilespmem:s23+$0xFFFFFDBC]  }
0x1bb: {  	s20 =	sadd.s32 $0x60, s13;
	[tilespmem:s22+$0xC0] =	vst v0;
	s1 =	sadd.s32 s19, s28;
	v0 =	vld [tilespmem:s23+$0xFFFFFFBC]  }
0x1bc: {  	s8 =	sand.u32 $0x3FF8, s20;
	s9 =	sadd.s32 $0xF0, s0;
	v6 =	vld [tilespmem:s24+$0xFFFFFE34];
	[tilespmem:s1+$0x4] =	vst v1  }
0x1bd: {  	s21 =	sadd.s32 $0xC0, s5;
	s4 =	sand.u32 $0x1FF0, s9;
	s1 =	sadd.s32 s8, s28;
	v1 =	vld [tilespmem:s24+$0xFFFFFD3C];
	[tilespmem:s3+$0xE0] =	vst v2  }
0x1be: {  	s6 =	sand.u32 $0x3FF8, s21;
	s4 =	sadd.s32 s4, s2;
	[tilespmem:s1+$0x4] =	vst v3;
	v2 =	vld [tilespmem:s23+$0xFFFFFCA4]  }
0x1bf: {  	s10 =	sadd.s32 s6, s2;
	s11 =	sadd.s32 $0x70, s7;
	[tilespmem:s4+$0x4] =	vst v4;
	v3 =	vld [tilespmem:s24+$0xFFFFFF6C]  }
0x1c0: {  	s12 =	sand.u32 $0x1FF0, s11;
	v4 =	vld [tilespmem:s23+$0xFFFFFEB4];
	[tilespmem:s10+$0x4] =	vst v0  }
0x1c1: {  	s14 =	sadd.s32 $0x70, s13;
	[tilespmem:s25+$0x50] =	vst v6;
	s1 =	sadd.s32 s12, s28;
	v0 =	vld [tilespmem:s23+$0xFFFFFFCC]  }
0x1c2: {  	s16 =	sand.u32 $0x3FF8, s14;
	v6 =	vld [tilespmem:s24+$0xFFFFFE44];
	[tilespmem:s1+$0x4] =	vst v1  }
0x1c3: {  	s15 =	sadd.s32 $0xD0, s5;
	s1 =	sadd.s32 s16, s28;
	v1 =	vld [tilespmem:s24+$0xFFFFFD4C];
	[tilespmem:s3+$0xF0] =	vst v2  }
0x1c4: {  	s14 =	sadd.s32 $0x80, s7;
	s11 =	sand.u32 $0x3FF8, s15;
	[tilespmem:s1+$0x4] =	vst v3;
	v2 =	vld [tilespmem:s23+$0xFFFFFCB4]  }
0x1c5: {  	s20 =	sadd.s32 $0xC0, s7;
	s19 =	sadd.s32 $0xB0, s7;
	s12 =	sadd.s32 s11, s2;
	[tilespmem:s22+$0xD0] =	vst v4;
	v3 =	vld [tilespmem:s24+$0xFFFFFF7C]  }
0x1c6: {  	s17 =	sadd.s32 $0xE0, s5;
	s10 =	sadd.s32 $0xF0, s5;
	s16 =	sadd.s32 s5, s2;
	[tilespmem:s12+$0x4] =	vst v0;
	v0 =	vld [tilespmem:s23+$0xFFFFFDCC]  }
0x1c7: {  	s1 =	sadd.s32 $0x100, s5;
	s5 =	sand.u32 $0x1FF0, s14;
	v4 =	vld [tilespmem:s23+$0xFFFFFFDC];
	[dreg:$0x9] =	wrdreg s19  }
0x1c8: {  	s5 =	sadd.s32 s5, s28;
	[dreg:$0x8] =	wrdreg s20  }
0x1c9: {  	s31 =	sadd.s32 $0xA0, s13;
	s30 =	sadd.s32 s7, s28;
	s12 =	sadd.s32 $0x80, s13;
	v5 =	vld [tilespmem:s23+$0xFFFFFEC4];
	[tilespmem:s5+$0x4] =	vst v1  }
0x1ca: {  	s21 =	sadd.s32 $0xA0, s7;
	s6 =	sadd.s32 s0, s2;
	s14 =	sand.u32 $0x3FF8, s12;
	v1 =	vld [tilespmem:s24+$0xFFFFFC04];
	[tilespmem:s25+$0x60] =	vst v6  }
0x1cb: {  	s18 =	sadd.s32 $0xD0, s7;
	s4 =	sand.u32 $0x3FF8, s17;
	s5 =	sadd.s32 s14, s28;
	[tilespmem:s3+$0x100] =	vst v2  }
0x1cc: {  	s9 =	sadd.s32 $0xF0, s7;
	s15 =	sadd.s32 $0x90, s7;
	s4 =	sadd.s32 s4, s2;
	v2 =	vld [tilespmem:s24+$0xFFFFFD5C];
	[tilespmem:s5+$0x4] =	vst v3  }
0x1cd: {  	s15 =	sand.u32 $0x1FF0, s15;
	s8 =	sadd.s32 $0x100, s0;
	s11 =	sadd.s32 $0x90, s13;
	[tilespmem:s4+$0x4] =	vst v4;
	v4 =	vld [tilespmem:s23+$0xFFFFFCB8]  }
0x1ce: {  	s17 =	sadd.s32 $0xE0, s7;
	s19 =	sadd.s32 $0xB0, s13;
	s20 =	sadd.s32 $0xC0, s13;
	v3 =	vld [tilespmem:s24+$0xFFFFFE54];
	[tilespmem:s22+$0xE0] =	vst v5  }
0x1cf: {  	s12 =	sadd.s32 $0x100, s7;
	s7 =	sadd.s32 $0x100, s13;
	s5 =	sand.u32 $0x1FF0, s8;
	v6 =	vld [tilespmem:s24+$0xFFFFFF8C];
	[tilespmem:s26+$0x50] =	vst v1  }
0x1d0: {  	s8 =	sand.u32 $0x3FF8, s10;
	s10 =	sadd.s32 s15, s28;
	v1 =	vld [tilespmem:s23+$0xFFFFFED4];
	[dreg:$0x5] =	wrdreg s12  }
0x1d1: {  	s14 =	sand.u32 $0x3FF8, s11;
	s15 =	sadd.s32 $0xF0, s13;
	s4 =	sand.u32 $0x3FF8, s1;
	[tilespmem:s10+$0x4] =	vst v2  }
0x1d2: {  	s5 =	sadd.s32 s5, s2;
	s1 =	sadd.s32 s14, s28;
	s14 =	sadd.s32 s13, s28;
	v5 =	vld [tilespmem:s24+$0xFFFFFC14];
	[tilespmem:s3+$0x104] =	vst v4  }
0x1d3: {  	s0 =	sadd.s32 s4, s2;
	s4 =	sadd.s32 s8, s2;
	v2 =	vld [tilespmem:s23+$0xFFFFFFEC];
	[dreg:$0x7] =	wrdreg s15  }
0x1d4: {  	s8 =	sadd.s32 $0xE0, s13;
	s10 =	sadd.s32 $0xD0, s13;
	s3 =	simm.s32 $0x730C;
	[tilespmem:s1+$0x4] =	vst v6;
	v4 =	vld [tilespmem:s24+$0xFFFFFD6C]  }
.LBB2_9:
0x1d5: {  	[smem:$0x7E2] =	sst s20  }
0x1d6: {  	[smem:$0x7DB] =	sst s31  }
0x1d7: {  	[smem:$0x7D8] =	sst s18  }
0x1d8: {  	[smem:$0x7DE] =	sst s19  }
0x1d9: {  	[smem:$0x7DA] =	sst s17  }
0x1da: {  	[dreg:$0xf] =	wrdreg s10  }
0x1db: {  	[dreg:$0xc] =	wrdreg s7  }
0x1dc: {  	s1 =	sadd.s32 $0x5, s29;
	s2 =	sadd.s32 $0x7, s29;
	s11 =	smov.u32 s29  }
0x1dd: {  	s29 =	sadd.s32 $0x4, s29;
	s15 =	smov.u32 s26;
	s1 =	sand.u32 $0xD, s1  }
0x1de: {  	s18 =	smov.u32 s14;
	s17 =	sand.u32 $0xF, s2;
	s14 =	smul.u32 $0x114, s1  }
0x1df: {  	[tilespmem:s5+$0x4] =	vst v0;
	s12 =	sand.u32 $0xC, s29;
	s5 =	sadd.s32 $0x6, s11;
	s17 =	smul.u32 $0x114, s17  }
0x1e0: {  	s19 =	sand.u32 $0x1FF0, s21;
	s21 =	smul.u32 $0x450, s12;
	s5 =	sand.u32 $0xE, s5  }
0x1e1: {  	s13 =	smov.u32 s28;
	s7 =	sshrl.u32 s29, $0x4;
	v0 =	vld [tilespmem:s23+$0xFFFFFDD0];
	[tilespmem:s15+$0x60] =	vst v5;
	s12 =	smul.u32 $0x450, s5  }
0x1e2: {  	[dreg:$0xe] =	wrdreg s8;
	v5 =	vld [tilespmem:s24+$0xFFFFFC24];
	s20 =	sadd.s32 s19, s13;
	s19 =	smul.u32 $0x4500, s7;
	[tilespmem:s22+$0xF0] =	vst v1  }
0x1e3: {  	[tilespmem:s4+$0x4] =	vst v2;
	s26 =	sadd.s32 $0x10, s14;
	s8 =	sadd.s32 $0x20, s14;
	s11 =	sadd.s32 $0x20, s17;
	v1 =	vld [tilespmem:s23+$0xFFFFFEE4]  }
0x1e4: {  	[tilespmem:s20+$0x4] =	vst v4;
	s5 =	sadd.s32 $0x10, s17;
	s20 =	sshrl.u32 s21, $0x2;
	s31 =	sadd.s32 $0x30, s14;
	v2 =	vld [tilespmem:s23+$0xFFFFFFFC]  }
0x1e5: {  	s21 =	sadd.s32 $0x40, s17;
	s7 =	sadd.s32 $0x80, s14;
	[tilespmem:s25+$0x70] =	vst v3;
	s10 =	sand.u32 $0x1FF0, s26;
	v4 =	vld [tilespmem:s3+$0xFFFFFCCC]  }
0x1e6: {  	s2 =	sand.u32 $0x1FF0, s8;
	s4 =	sand.u32 $0x3FF8, s11;
	s1 =	sshrl.u32 s12, $0x2;
	[tilespmem:s6+$0x104] =	vst v0;
	v0 =	vld [tilespmem:s3+$0xFFFFFBB4]  }
0x1e7: {  	s11 =	sadd.s32 $0x30, s17;
	[smem:$0x7D9] =	sst s21;
	s26 =	sadd.s32 $0x50, s14;
	v3 =	vld [tilespmem:s3+$0xFFFFFDE4];
	[tilespmem:s15+$0x70] =	vst v5  }
0x1e8: {  	s8 =	sand.u32 $0xFF0, s14;
	[dreg:$0x19] =	wrdreg s7;
	s6 =	sshra.s32 s19, $0x2;
	v5 =	vld [tilespmem:s24+$0xFFFFFC34];
	[tilespmem:s22+$0x100] =	vst v1  }
0x1e9: {  	s12 =	sadd.s32 $0x60, s17;
	[smem:$0x7DC] =	sst s26;
	s28 =	sadd.s32 $0xF100, s6;
	[tilespmem:s0+$0x4] =	vst v2;
	v1 =	vld [tilespmem:s23+$0xFFFFFEE8]  }
0x1ea: {  	s7 =	sadd.s32 $0xA0, s14;
	[smem:$0x7E1] =	sst s12;
	s26 =	sadd.s32 s20, s28;
	v2 =	vld [tilespmem:s23+$0x0]  }
0x1eb: {  	s12 =	sadd.s32 $0x70, s17;
	[smem:$0x7DF] =	sst s7;
	s0 =	sadd.s32 s8, s28;
	[tilespmem:s26+$0x0] =	vst v0;
	v0 =	vld [tilespmem:s3+$0xFFFFFEFC]  }
0x1ec: {  	s21 =	sand.u32 $0x1FF8, s17;
	s6 =	sadd.s32 $0x50, s17;
	[dreg:$0x1f] =	wrdreg s12;
	[tilespmem:s0+$0x4] =	vst v4  }
0x1ed: {  	[smem:$0x7DD] =	sst s6;
	s6 =	sadd.s32 s10, s28;
	s10 =	sadd.s32 $0x60, s14;
	v7 =	vld [tilespmem:s3+$0xFFFFFBC4];
	[tilespmem:s15+$0x80] =	vst v5  }
0x1ee: {  	s5 =	sand.u32 $0x3FF8, s5;
	s20 =	sadd.s32 $0x70, s14;
	[smem:$0x7E0] =	sst s10;
	v6 =	vld [tilespmem:s24+$0xFFFFFE64];
	[tilespmem:s22+$0x104] =	vst v1  }
0x1ef: {  	[smem:$0x7E4] =	sst s20;
	s8 =	sadd.s32 s21, s28;
	v4 =	vld [tilespmem:s3+$0xFFFFFCDC];
	s22 =	sadd.s32 $0x90, s17;
	[tilespmem:s16+$0x104] =	vst v2  }
0x1f0: {  	s23 =	sadd.s32 s1, s28;
	[dreg:$0x12] =	wrdreg s22;
	[tilespmem:s8+$0x4] =	vst v0;
	s8 =	sadd.s32 $0xC0, s17  }
0x1f1: {  	s19 =	sadd.s32 $0x40, s14;
	[tilespmem:s23+$0x0] =	vst v3;
	v2 =	vld [tilespmem:s24+$0xFFFFFC44];
	s22 =	sadd.s32 $0xD0, s17;
	[smem:$0x7E3] =	sst s8  }
0x1f2: {  	s7 =	smov.u32 s9;
	v3 =	vld [tilespmem:s3+$0xFFFFFDF4];
	[smem:$0x7E5] =	sst s22;
	s8 =	sadd.s32 $0xE0, s17  }
0x1f3: {  	s12 =	sadd.s32 $0xE0, s14;
	v1 =	vld [tilespmem:s24+$0xFFFFFD7C];
	[tilespmem:s26+$0x10] =	vst v7;
	s22 =	sadd.s32 $0x100, s17;
	[smem:$0x7E6] =	sst s8  }
0x1f4: {  	s9 =	sadd.s32 s5, s28;
	s5 =	sadd.s32 $0xB0, s17;
	[tilespmem:s6+$0x4] =	vst v4;
	v0 =	vld [tilespmem:s3+$0xFFFFFF0C];
	[dreg:$0x1b] =	wrdreg s22  }
0x1f5: {  	s4 =	sadd.s32 s4, s28;
	s20 =	sadd.s32 $0x90, s14;
	[tilespmem:s25+$0x80] =	vst v6;
	v5 =	vld [tilespmem:s3+$0xFFFFFBD4];
	s8 =	rddreg [dreg:$0x9]  }
0x1f6: {  	v4 =	vld [tilespmem:s3+$0xFFFFFCEC];
	s22 =	smov.u32 s25;
	s25 =	smov.u32 s23;
	s23 =	sand.u32 $0x1FF0, s8;
	[tilespmem:s15+$0x90] =	vst v2  }
0x1f7: {  	[dreg:$0x14] =	wrdreg s20;
	s16 =	sadd.s32 $0xB0, s14;
	v2 =	vld [tilespmem:s24+$0xFFFFFE74];
	s23 =	sadd.s32 s23, s13;
	[tilespmem:s25+$0x10] =	vst v3  }
0x1f8: {  	s10 =	sadd.s32 $0xD0, s14;
	s8 =	smov.u32 s16;
	s16 =	rddreg [dreg:$0x5];
	v3 =	vld [tilespmem:s24+$0xFFFFFC54];
	[tilespmem:s23+$0x4] =	vst v1  }
0x1f9: {  	s0 =	smov.u32 s30;
	[dreg:$0x9] =	wrdreg s8;
	s8 =	smov.u32 s16;
	v6 =	vld [tilespmem:s3+$0xFFFFFE04];
	[tilespmem:s9+$0x4] =	vst v0  }
0x1fa: {  	s6 =	sadd.s32 $0x100, s14;
	s16 =	sadd.s32 s2, s28;
	[dreg:$0x1d] =	wrdreg s8;
	[tilespmem:s26+$0x20] =	vst v5;
	v0 =	vld [tilespmem:s3+$0xFFFFFF1C]  }
0x1fb: {  	s30 =	sadd.s32 $0xF0, s17;
	s8 =	smov.u32 s6;
	s23 =	rddreg [dreg:$0x7];
	v1 =	vld [tilespmem:s24+$0xFFFFFD8C];
	[tilespmem:s16+$0x4] =	vst v4  }
0x1fc: {  	[dreg:$0x5] =	wrdreg s8;
	s2 =	smov.u32 s23;
	s8 =	smov.u32 s30;
	v5 =	vld [tilespmem:s3+$0xFFFFFBE4];
	[tilespmem:s22+$0x90] =	vst v2  }
0x1fd: {  	s9 =	smov.u32 s18;
	s23 =	smov.u32 s24;
	s18 =	rddreg [dreg:$0x8];
	v4 =	vld [tilespmem:s3+$0xFFFFFCFC];
	[tilespmem:s15+$0xA0] =	vst v3  }
0x1fe: {  	s21 =	sadd.s32 $0x80, s17;
	[dreg:$0x7] =	wrdreg s8;
	s8 =	sand.u32 $0x1FF0, s18;
	v2 =	vld [tilespmem:s23+$0xFFFFFE84];
	[tilespmem:s25+$0x20] =	vst v6  }
0x1ff: {  	s20 =	sadd.s32 $0xA0, s17;
	[dreg:$0x16] =	wrdreg s21;
	s18 =	sadd.s32 s8, s13;
	[tilespmem:s4+$0x4] =	vst v0;
	v0 =	vld [tilespmem:s23+$0xFFFFFC64]  }
0x200: {  	s1 =	sadd.s32 $0xC0, s14;
	s6 =	smov.u32 s0;
	s0 =	sand.u32 $0x1FF0, s31;
	[tilespmem:s18+$0x4] =	vst v1;
	v6 =	vld [tilespmem:s3+$0xFFFFFE14]  }
0x201: {  	s16 =	smov.u32 s9;
	s9 =	sld [smem:$0x7D8];
	s4 =	sadd.s32 s0, s28;
	v1 =	vld [tilespmem:s23+$0xFFFFFD9C]  }
0x202: {  	s21 =	sadd.s32 $0xF0, s14;
	s14 =	sadd.s32 s14, s28;
	s17 =	sadd.s32 s17, s28;
	v3 =	vld [tilespmem:s3+$0xFFFFFF2C];
	[tilespmem:s4+$0x4] =	vst v4  }
0x203: {  	s30 =	smov.u32 s14;
	s14 =	smov.u32 s17;
	v4 =	vld [tilespmem:s3+$0xFFFFFD0C];
	[tilespmem:s22+$0xA0] =	vst v2  }
0x204: {  	s17 =	smov.u32 s1;
	s8 =	sand.u32 $0x3FF8, s11;
	s11 =	sand.u32 $0x1FF0, s9;
	v2 =	vld [tilespmem:s23+$0xFFFFFE94];
	[tilespmem:s15+$0xB0] =	vst v0  }
0x205: {  	[dreg:$0x8] =	wrdreg s17;
	s17 =	sadd.s32 s11, s13;
	[tilespmem:s25+$0x30] =	vst v6;
	v0 =	vld [tilespmem:s23+$0xFFFFFC74]  }
0x206: {  	s1 =	sadd.s32 s8, s28;
	s0 =	sand.u32 $0x1FF0, s19;
	[tilespmem:s17+$0x4] =	vst v1;
	v6 =	vld [tilespmem:s3+$0xFFFFFE24]  }
0x207: {  	s9 =	sld [smem:$0x7DA];
	[tilespmem:s1+$0x4] =	vst v3;
	v1 =	vld [tilespmem:s23+$0xFFFFFDAC];
	s1 =	sadd.s32 s0, s28  }
0x208: {  	s4 =	sld [smem:$0x7D9];
	v3 =	vld [tilespmem:s3+$0xFFFFFF3C];
	[tilespmem:s1+$0x4] =	vst v4  }
0x209: {  	s31 =	smov.u32 s20;
	s17 =	smov.u32 s12;
	s12 =	sld [smem:$0x7DB];
	[tilespmem:s22+$0xB0] =	vst v2;
	v2 =	vld [tilespmem:s23+$0xFFFFFF9C]  }
0x20a: {  	s20 =	sld [smem:$0x7DC];
	s18 =	smov.u32 s10;
	s10 =	sand.u32 $0x1FF0, s9;
	v4 =	vld [tilespmem:s3+$0xFFFFFD1C];
	[tilespmem:s15+$0xC0] =	vst v0  }
0x20b: {  	s11 =	sadd.s32 s10, s13;
	s8 =	sand.u32 $0x3FF8, s4;
	[tilespmem:s25+$0x40] =	vst v6;
	v0 =	vld [tilespmem:s23+$0xFFFFFC84]  }
0x20c: {  	s1 =	sadd.s32 s8, s28;
	s19 =	sand.u32 $0x3FF8, s12;
	[tilespmem:s11+$0x4] =	vst v1;
	v1 =	vld [tilespmem:s23+$0xFFFFFEA4]  }
0x20d: {  	s0 =	sand.u32 $0x1FF0, s20;
	[tilespmem:s1+$0x4] =	vst v3;
	s1 =	sadd.s32 s19, s13;
	v6 =	vld [tilespmem:s3+$0xFFFFFE34]  }
0x20e: {  	s4 =	sadd.s32 s0, s28;
	s8 =	sld [smem:$0x7DD];
	v3 =	vld [tilespmem:s3+$0xFFFFFF4C];
	[tilespmem:s1+$0x4] =	vst v2  }
0x20f: {  	s10 =	sld [smem:$0x7DE];
	[tilespmem:s4+$0x4] =	vst v4;
	v2 =	vld [tilespmem:s23+$0xFFFFFFAC]  }
0x210: {  	[tilespmem:s15+$0xD0] =	vst v0;
	v0 =	vld [tilespmem:s23+$0xFFFFFDBC]  }
0x211: {  	s20 =	sld [smem:$0x7E0];
	s9 =	sand.u32 $0x3FF8, s8;
	v4 =	vld [tilespmem:s3+$0xFFFFFD2C];
	[tilespmem:s22+$0xC0] =	vst v1  }
0x212: {  	s12 =	sand.u32 $0x1FF0, s7;
	s11 =	sand.u32 $0x3FF8, s10;
	s1 =	sadd.s32 s9, s28;
	[tilespmem:s25+$0x50] =	vst v6  }
0x213: {  	s0 =	sadd.s32 s12, s13;
	[tilespmem:s1+$0x4] =	vst v3;
	v3 =	vld [tilespmem:s23+$0xFFFFFC94];
	s1 =	sadd.s32 s11, s13  }
0x214: {  	s19 =	smov.u32 s5;
	s5 =	sld [smem:$0x7E1];
	s4 =	sand.u32 $0x1FF0, s20;
	v1 =	vld [tilespmem:s3+$0xFFFFFF5C];
	[tilespmem:s1+$0x4] =	vst v2  }
0x215: {  	s4 =	sadd.s32 s4, s28;
	v6 =	vld [tilespmem:s3+$0xFFFFFE44];
	[tilespmem:s0+$0x4] =	vst v0  }
0x216: {  	v2 =	vld [tilespmem:s23+$0xFFFFFFBC];
	[tilespmem:s4+$0x4] =	vst v4  }
0x217: {  	s7 =	sld [smem:$0x7E2];
	s0 =	sand.u32 $0x3FF8, s5;
	v0 =	vld [tilespmem:s23+$0xFFFFFDCC]  }
0x218: {  	s10 =	sld [smem:$0x7E4];
	s0 =	sadd.s32 s0, s28;
	[tilespmem:s15+$0xE0] =	vst v3;
	v4 =	vld [tilespmem:s3+$0xFFFFFD3C]  }
0x219: {  	[tilespmem:s0+$0x4] =	vst v1;
	v1 =	vld [tilespmem:s23+$0xFFFFFCA4]  }
0x21a: {  	s0 =	sand.u32 $0x3FF8, s7;
	[tilespmem:s26+$0x30] =	vst v5;
	v5 =	vld [tilespmem:s23+$0xFFFFFEB4]  }
0x21b: {  	s1 =	sand.u32 $0x1FF0, s10;
	[tilespmem:s25+$0x60] =	vst v6;
	v3 =	vld [tilespmem:s3+$0xFFFFFF6C];
	s0 =	sadd.s32 s0, s13  }
0x21c: {  	s11 =	sadd.s32 s1, s28;
	v6 =	vld [tilespmem:s3+$0xFFFFFBF4];
	[tilespmem:s0+$0x4] =	vst v2  }
0x21d: {  	s12 =	rddreg [dreg:$0x1f];
	v2 =	vld [tilespmem:s23+$0xFFFFFFCC];
	[tilespmem:s11+$0x4] =	vst v4  }
0x21e: {  	s8 =	sld [smem:$0x7E3];
	s0 =	sand.u32 $0x3FF8, s12;
	[tilespmem:s15+$0xF0] =	vst v1;
	v4 =	vld [tilespmem:s3+$0xFFFFFD4C]  }
0x21f: {  	s1 =	rddreg [dreg:$0xf];
	s0 =	sadd.s32 s0, s28;
	[tilespmem:s22+$0xD0] =	vst v5;
	v1 =	vld [tilespmem:s23+$0xFFFFFCB4]  }
0x220: {  	s5 =	rddreg [dreg:$0x19];
	[tilespmem:s0+$0x4] =	vst v3;
	s0 =	sand.u32 $0x3FF8, s1;
	v5 =	vld [tilespmem:s23+$0xFFFFFEC4]  }
0x221: {  	s4 =	sld [smem:$0x7E5];
	s1 =	sand.u32 $0x1FF0, s5;
	[tilespmem:s26+$0x40] =	vst v6;
	v3 =	vld [tilespmem:s3+$0xFFFFFF7C];
	s0 =	sadd.s32 s0, s13  }
0x222: {  	s20 =	smov.u32 s8;
	s8 =	rddreg [dreg:$0x16];
	s7 =	sadd.s32 s1, s28;
	v6 =	vld [tilespmem:s3+$0xFFFFFC04];
	[tilespmem:s0+$0x4] =	vst v2  }
0x223: {  	p1 =	slt.u32 s29, $0x3C;
	s24 =	smov.u32 s3;
	s12 =	sld [smem:$0x7E6];
	v2 =	vld [tilespmem:s23+$0xFFFFFFDC];
	[tilespmem:s7+$0x4] =	vst v4  }
0x224: {  	s10 =	smov.u32 s4;
	s4 =	rddreg [dreg:$0x14];
	s0 =	sand.u32 $0x3FF8, s8;
	[tilespmem:s15+$0x100] =	vst v1;
	v4 =	vld [tilespmem:s3+$0xFFFFFD5C]  }
0x225: {  	s9 =	smov.u32 s21;
	s11 =	rddreg [dreg:$0xe];
	s0 =	sadd.s32 s0, s28;
	[tilespmem:s22+$0xE0] =	vst v5;
	v7 =	vld [tilespmem:s23+$0xFFFFFCB8]  }
0x226: {  	s21 =	sld [smem:$0x7DF];
	s1 =	sand.u32 $0x1FF0, s4;
	[tilespmem:s0+$0x4] =	vst v3;
	s0 =	sand.u32 $0x3FF8, s11  }
0x227: {  	s8 =	smov.u32 s12;
	s12 =	rddreg [dreg:$0x1b];
	[tilespmem:s26+$0x50] =	vst v6;
	v8 =	vld [tilespmem:s3+$0xFFFFFF8C];
	s0 =	sadd.s32 s0, s13  }
.Ltmp4:
0x228: {  	s5 =	sadd.s32 s1, s28;
	v3 =	vld [tilespmem:s3+$0xFFFFFE54];
	s11 =	rddreg [dreg:$0xc];
	[tilespmem:s0+$0x4] =	vst v2;
	(pc) =	sbr.rel @p1 .LBB2_9-.Ltmp4, $4  }
0x229: {  	s2 =	sand.u32 $0x3FF8, s2;
	s7 =	smov.u32 s12;
	v1 =	vld [tilespmem:s23+$0xFFFFFED4];
	[tilespmem:s5+$0x4] =	vst v4;
	s5 =	rddreg [dreg:$0x12]  }
0x22a: {  	s1 =	sand.u32 $0x3FF8, s11;
	v5 =	vld [tilespmem:s3+$0xFFFFFC14];
	[tilespmem:s15+$0x104] =	vst v7;
	s15 =	rddreg [dreg:$0x1d];
	s11 =	sand.u32 $0x3FF8, s5  }
0x22b: {  	s3 =	sadd.s32 $0x460, s3;
	v2 =	vld [tilespmem:s23+$0xFFFFFFEC];
	s4 =	sand.u32 $0x1FF0, s15;
	s12 =	sadd.s32 s11, s28  }
0x22c: {  	s0 =	sadd.s32 s1, s13;
	v4 =	vld [tilespmem:s24+$0xFFFFFD6C];
	s5 =	sadd.s32 s4, s13;
	s4 =	sadd.s32 s2, s13;
	[tilespmem:s12+$0x4] =	vst v8  }
0x22d: {  	_ =	sdelay $0x1  }
0x22e: {  	[tilespmem:s26+$0x60] =	vst v5  }
0x22f: {  	v5 =	vld [tilespmem:s24+$0xFFFFFC24];
	_ =	sdelay $0x2  }
0x230: {  	[tilespmem:s25+$0x70] =	vst v3  }
0x231: {  	v3 =	vld [tilespmem:s24+$0xFFFFFE64]  }
0x232: {  	[tilespmem:s26+$0x70] =	vst v5  }
0x233: {  	v5 =	vld [tilespmem:s24+$0xFFFFFC34];
	_ =	sdelay $0x2  }
0x234: {  	[tilespmem:s25+$0x80] =	vst v3  }
0x235: {  	v3 =	vld [tilespmem:s24+$0xFFFFFE74]  }
0x236: {  	[tilespmem:s26+$0x80] =	vst v5  }
0x237: {  	v5 =	vld [tilespmem:s24+$0xFFFFFC44];
	_ =	sdelay $0x2  }
0x238: {  	[tilespmem:s25+$0x90] =	vst v3  }
0x239: {  	v3 =	vld [tilespmem:s24+$0xFFFFFE84]  }
0x23a: {  	[tilespmem:s26+$0x90] =	vst v5  }
0x23b: {  	v5 =	vld [tilespmem:s24+$0xFFFFFC54]  }
0x23c: {  	v6 =	vld [tilespmem:s24+$0xFFFFFF9C]  }
0x23d: {  	s1 =	sand.u32 $0x1FF0, s21  }
0x23e: {  	s1 =	sadd.s32 s1, s28;
	[tilespmem:s25+$0xA0] =	vst v3  }
0x23f: {  	s11 =	sand.u32 $0x3FF8, s31;
	[tilespmem:s1+$0x4] =	vst v4;
	v3 =	vld [tilespmem:s24+$0xFFFFFE94]  }
0x240: {  	s1 =	sadd.s32 s11, s28;
	v53 =	vld [tilespmem:s24+$0xFFFFFD7C];
	[tilespmem:s26+$0xA0] =	vst v5  }
0x241: {  	[tilespmem:s1+$0x4] =	vst v6;
	v52 =	vld [tilespmem:s24+$0xFFFFFC64]  }
0x242: {  	v6 =	vld [tilespmem:s24+$0xFFFFFFAC];
	s1 =	rddreg [dreg:$0x9]  }
0x243: {  	s1 =	sand.u32 $0x1FF0, s1  }
0x244: {  	[tilespmem:s25+$0xB0] =	vst v3;
	s1 =	sadd.s32 s1, s28  }
0x245: {  	s12 =	sand.u32 $0x3FF8, s19;
	[tilespmem:s1+$0x4] =	vst v53  }
0x246: {  	s1 =	sadd.s32 s12, s28;
	v5 =	vld [tilespmem:s24+$0xFFFFFD8C];
	[tilespmem:s26+$0xB0] =	vst v52  }
0x247: {  	[tilespmem:s1+$0x4] =	vst v6;
	v4 =	vld [tilespmem:s24+$0xFFFFFC74]  }
0x248: {  	v3 =	vld [tilespmem:s24+$0xFFFFFEA4];
	s1 =	rddreg [dreg:$0x8]  }
0x249: {  	s1 =	sand.u32 $0x1FF0, s1  }
0x24a: {  	s1 =	sadd.s32 s1, s28  }
0x24b: {  	v6 =	vld [tilespmem:s24+$0xFFFFFFBC];
	[tilespmem:s1+$0x4] =	vst v5  }
0x24c: {  	v5 =	vld [tilespmem:s24+$0xFFFFFD9C];
	[tilespmem:s26+$0xC0] =	vst v4  }
0x24d: {  	[tilespmem:s25+$0xC0] =	vst v3;
	v4 =	vld [tilespmem:s24+$0xFFFFFC84]  }
0x24e: {  	s13 =	sand.u32 $0x3FF8, s20;
	v3 =	vld [tilespmem:s24+$0xFFFFFEB4]  }
0x24f: {  	s15 =	sand.u32 $0x1FF0, s18;
	s1 =	sadd.s32 s13, s28  }
0x250: {  	[tilespmem:s1+$0x4] =	vst v6;
	s1 =	sadd.s32 s15, s28  }
0x251: {  	v6 =	vld [tilespmem:s24+$0xFFFFFFCC];
	[tilespmem:s1+$0x4] =	vst v5  }
0x252: {  	v54 =	vld [tilespmem:s24+$0xFFFFFDAC];
	[tilespmem:s26+$0xD0] =	vst v4  }
0x253: {  	[tilespmem:s25+$0xD0] =	vst v3;
	v4 =	vld [tilespmem:s24+$0xFFFFFC94]  }
0x254: {  	s18 =	sand.u32 $0x3FF8, s10;
	[tilespmem:s5+$0x4] =	vst v0;
	v55 =	vld [tilespmem:s24+$0xFFFFFEC4]  }
0x255: {  	s19 =	sand.u32 $0x1FF0, s17;
	[tilespmem:s4+$0x4] =	vst v2;
	s1 =	sadd.s32 s18, s28  }
0x256: {  	v57 =	vld [tilespmem:s23+$0xFFFFFDD0];
	[tilespmem:s1+$0x4] =	vst v6;
	s1 =	sadd.s32 s19, s28  }
0x257: {  	v56 =	vld [tilespmem:s24+$0xFFFFFFDC];
	[tilespmem:s1+$0x4] =	vst v54  }
0x258: {  	v59 =	vld [tilespmem:s24+$0xFFFFFDBC];
	[tilespmem:s26+$0xE0] =	vst v4  }
0x259: {  	[tilespmem:s25+$0xE0] =	vst v55;
	v58 =	vld [tilespmem:s24+$0xFFFFFCA4]  }
0x25a: {  	s20 =	sand.u32 $0x3FF8, s8;
	[tilespmem:s22+$0xF0] =	vst v1;
	v60 =	vld [tilespmem:s24+$0xFFFFFED4]  }
0x25b: {  	s21 =	sand.u32 $0x1FF0, s9;
	v62 =	vld [tilespmem:s23+$0xFFFFFEE4];
	[tilespmem:s6+$0x104] =	vst v57;
	s1 =	sadd.s32 s20, s28  }
0x25c: {  	[tilespmem:s1+$0x4] =	vst v56;
	s1 =	sadd.s32 s21, s28  }
0x25d: {  	v61 =	vld [tilespmem:s24+$0xFFFFFFEC];
	[tilespmem:s1+$0x4] =	vst v59  }
0x25e: {  	v63 =	vld [tilespmem:s23+$0xFFFFFFFC];
	[tilespmem:s26+$0xF0] =	vst v58  }
0x25f: {  	v3 =	vld [tilespmem:s24+$0xFFFFFCB4];
	s1 =	rddreg [dreg:$0x7];
	[tilespmem:s25+$0xF0] =	vst v60  }
0x260: {  	[tilespmem:s22+$0x100] =	vst v62;
	s1 =	sand.u32 $0x3FF8, s1;
	v0 =	vld [tilespmem:s24+$0xFFFFFEE4]  }
0x261: {  	v2 =	vld [tilespmem:s23+$0xFFFFFEE8];
	s1 =	sadd.s32 s1, s28  }
0x262: {  	v4 =	vld [tilespmem:s24+$0xFFFFFDCC];
	[tilespmem:s1+$0x4] =	vst v61  }
0x263: {  	[tilespmem:s0+$0x4] =	vst v63;
	v1 =	vld [tilespmem:s24+$0xFFFFFFFC]  }
0x264: {  	v5 =	vld [tilespmem:s23+$0x0];
	s0 =	rddreg [dreg:$0x5];
	[tilespmem:s26+$0x100] =	vst v3  }
0x265: {  	s0 =	sand.u32 $0x1FF0, s0;
	[tilespmem:s25+$0x100] =	vst v0  }
0x266: {  	s29 =	sand.u32 $0x3FF8, s7;
	s0 =	sadd.s32 s0, s28;
	v3 =	vld [tilespmem:s24+$0xFFFFFCB8];
	[tilespmem:s22+$0x104] =	vst v2  }
0x267: {  	[tilespmem:s0+$0x4] =	vst v4;
	s0 =	sadd.s32 s29, s28;
	v0 =	vld [tilespmem:s24+$0xFFFFFEE8]  }
0x268: {  	v4 =	vld [tilespmem:s24+$0xFFFFFDD0];
	[tilespmem:s0+$0x4] =	vst v1  }
0x269: {  	[tilespmem:s16+$0x104] =	vst v5;
	v1 =	vld [tilespmem:s24+$0x0]  }
0x26a: {  	s0 =	sld [smem:$0x7F9]  }
0x26b: {  	s1 =	sld [smem:$0x7F6];
	[tilespmem:s26+$0x104] =	vst v3  }
0x26c: {  	[tilespmem:s25+$0x104] =	vst v0  }
0x26d: {  	[tilespmem:s30+$0x104] =	vst v4  }
0x26e: {  	[tilespmem:s14+$0x104] =	vst v1  }
0x26f: {  	s4 =	sld [smem:$0x7F7];
	_ =	sdelay $0x2  }
0x270: {  	s4 =	sadd.s32 $0x1, s4  }
0x271: {  	s0 =	sadd.s32 s0, s1;
	p1 =	sne.s32 s4, $0x40  }
.Ltmp5:
0x272: {  	s0 =	sshrl.u32 s0, $0x4;
	(pc) =	sbr.rel @p1 .LBB2_2-.Ltmp5, $4  }
0x273: {  	s0 =	smul.u32 $0x228, s0  }
0x274: {  	s30 =	rddreg [dreg:$0x1]  }
0x275: {  	s31 =	simm.s32 $0x0;
	s2 =	simm.s32 $0xF100;
	s0 =	sadd.s32 s30, s0  }
0x276: {  	[hbm4b:s0+s31] =	stream.linear.scatter [tilespmem:s2], [sflag:$0x4], $0x4500, $0x38;
	[tilespmem:$0x17C00] =	vst v63  }
0x277: {  	s0 =	simm.s32 $0x3  }
0x278: {  	_ =	swait.ge [sflag:s0], $0x4500  }
0x279: {  	[sflag:s0] =	ssyncset.done $0x0  }
0x27a: {  	s1 =	simm.s32 $0x4;
	[sflag:s0] =	ssyncadd.s32 $0xFFFFBB00  }
0x27b: {  	_ =	swait.ge [sflag:s1], $0x4500  }
0x27c: {  	s2 =	sld [smem:$0x7F8]  }
0x27d: {  	s31 =	sld [smem:$0x7FC];
	_ =	sdelay $0x1  }
0x27e: {  	s2 =	sadd.s32 $0x1, s2  }
0x27f: {  	p1 =	sne.s32 s2, s31  }
.Ltmp6:
0x280: {  	_ = 	snop;
	(pc) =	sbr.rel @p1 .LBB2_1-.Ltmp6, $3  }
0x281: {  	_ =	sdelay $0x1  }
0x282: {  	[sflag:s1] =	ssyncset.done $0x0  }
0x283: {  	[sflag:s1] =	ssyncadd.s32 $0xFFFFBB00  }
0x284: {  	_ =	sfence.sel $0x180000  }
0x285: {  	[bflag:$0x0] =	sbarrier.arrive $0xFFFF  }
0x286: {  	_ =	strace $0x90000047  }
0x287: {  	[bflag:$0x2] =	sbarrier.arrive $0xFFFF  }
0x288: {  	s0 =	rddreg [dreg:$0x3]  }
0x289: {  	s0 =	sadd.s32 @!p0 $0x100000, s0  }
0x28a: {  	[sflag:s0] =	ssyncadd.tile.s32 @!p0 $0x1;
	_ =	shalt  }
.Lfunc_end2:
_tile_overlayer_lowered:
.L_overlay_start_2:
0x28b: {  	(tag) =	ssettag $0x2  }
0x28c: {  	s0 =	rddreg [dreg:$0x0];
	s2 =	stileid.u32  }
0x28d: {  	s1 =	rddreg [dreg:$0x1];
	p0 =	sne.s32 s2, $0x0  }
0x28e: {  	s3 =	rddreg [dreg:$0x2];
	[bflag:$0x3] =	sbarrier.arrive $0xFFFF;
	s2 =	simm.s32 @!p0 $0x1C05  }
0x28f: {  	[timem:s3], [sflag:s2] =	dma.local @!p0 [hbm:s0], s1  }
0x290: {  	s0 =	simm.s32 @!p0 $0x5  }
0x291: {  	_ =	swait.ge @!p0 [sflag:s0], s1  }
0x292: {  	s1 =	ssub.s32 @!p0 $0x0, s1;
	[sflag:s0] =	ssyncset.done @!p0 $0x0  }
0x293: {  	[sflag:s0] =	ssyncadd.s32 @!p0 s1  }
0x294: {  	[bflag:$0x3] =	sbarrier.arrive $0xFFFF  }
0x295: {  	_ =	shalt  }

// kernel: sparse-core-data-format-call.cloned.1.call-start
scs
called_computation_lowered:
.L_overlay_start_0:
0x0: {  	s2 =	sld [smem:$0x3FD9]  }
0x1: {  	s3 =	sld [smem:$0x3FFE];
	_ =	sdelay $0x1  }
0x2: {  	s1 =	srdreg.scid  }
0x3: {  	s0 =	sand.u32 $0x1, s1  }
0x4: {  	s18 =	sshll.u32 s0, $0xA;
	s2 =	sadd.s32 s3, s2  }
0x5: {  	s2 =	sadd.s32 s2, s18  }
0x6: {  	[smem:$0x3FC6] =	sst s2  }
0x7: {  	_ = 	snop  }
0x8: {  	s2 =	sld [smem:$0x3FD0];
	(tm) =	ssettm $0x1  }
0x9: {  	s19 =	sld [smem:$0x3FFB];
	_ =	sdelay $0x3  }
0xa: {  	_ =	strace s19  }
0xb: {  	s3 =	sld [smem:$0x3FFC];
	_ =	sdelay $0x3  }
0xc: {  	_ =	strace s3  }
0xd: {  	s3 =	sld [smem:$0x3FFD];
	_ =	sdelay $0x3  }
0xe: {  	_ =	strace s3  }
0xf: {  	_ =	strace $0x8FFFFFFF  }
0x10: {  	s20 =	sld [smem:$0x3FDB];
	_ =	sdelay $0x1  }
0x11: {  	s4 =	simm.s32 $_scs_section_size  }
0x12: {  	s5 =	simm.s32 $_size__tile_overlayer_lowered;
	s6 =	simm.s32 $_tile_overlayer_lowered  }
0x13: {  	s23 =	simm.s32 $0x1BFF;
	s22 =	sshll.u32 s6, $0x1;
	s3 =	sadd.s32 s4, s20  }
0x14: {  	s7 =	simm.s32 $0x0;
	s21 =	sshll.u32 s5, $0x1;
	s5 =	sadd.s32 s22, s3  }
0x15: {  	[timem:s7], [sflag:s23] =	dma.local [hbm:s5], s21  }
0x16: {  	_ =	swait.ge [sflag:s23], s21  }
0x17: {  	s4 =	ssub.s32 $0x0, s21;
	[sflag:s23] =	ssyncset.done $0x0  }
0x18: {  	[sflag:s23] =	ssyncadd.s32 s4;
	_ =	sdelay $0x1  }
0x19: {  	s24 =	simm.s32 $0x1B8B  }
0x1a: {  	_ =	swait.ge [sflag:s24], $0x1  }
0x1b: {  	[sflag:s24] =	ssyncset.done $0x0  }
0x1c: {  	s26 =	simm.s32 $0x1B8E;
	s25 =	sld [smem:$0x3FFE];
	[sflag:s24] =	ssyncadd.s32 $0xFFFFFFFF  }
0x1d: {  	s27 =	simm.s32 $execute0_lowered;
	[smem:$0x3FD2] =	sst s26  }
0x1e: {  	s5 =	sshll.u32 s27, $0x1;
	_ =	strace $0x80000049;
	[dreg:$0x1] =	wrdreg $0xFFFFFFFF  }
0x1f: {  	s28 =	simm.s32 $_size_execute0_lowered;
	s3 =	sadd.s32 s3, s5;
	[dreg:$0x0] =	wrdreg $0x0  }
0x20: {  	s5 =	sshll.u32 s28, $0x1;
	[dreg:$0x2] =	wrdreg s3  }
0x21: {  	[dreg:$0x3] =	wrdreg s5  }
0x22: {  	[dreg:$0x4] =	wrdreg $0xC0  }
0x23: {  	_ =	task [dreg:s7], $0x5FFFF  }
0x24: {  	[dreg:$0x1] =	wrdreg $0xFFFFFFFF  }
0x25: {  	[dreg:$0x0] =	wrdreg $0x60  }
0x26: {  	[dreg:$0x2] =	wrdreg s25  }
0x27: {  	[dreg:$0x3] =	wrdreg s2  }
0x28: {  	[dreg:$0x4] =	wrdreg $0x9  }
0x29: {  	_ =	task.clear_ibuf [dreg:s7], $0x5FFFF;
	_ =	strace $0x90000049  }
0x2a: {  	s29 =	simm.s32 $0x9;
	_ =	strace $0x8000004B  }
0x2b: {  	_ =	swait.ge [sflag:s29], $0x1  }
0x2c: {  	[sflag:s29] =	ssyncadd.s32 $0xFFFFFFFF  }
0x2d: {  	_ =	strace $0x9000004B  }
0x2e: {  	_ =	sfence  }
0x2f: {  	s30 =	sld [smem:$0x0];
	_ =	sdelay $0x2  }
0x30: {  	s31 =	sshll.u32 s1, $0xD;
	s1 =	sshrl.u32 s1, $0x2  }
0x31: {  	s3 =	sand.u32 $0x4000, s31;
	s1 =	sadd.s32 s1, s30  }
0x32: {  	s0 =	sor.u32 s3, s0;
	s1 =	sshll.u32 s1, $0x11  }
0x33: {  	s0 =	sor.u32 s1, s0  }
0x34: {  	s0 =	sadd.s32 $0x8F2B, s0  }
0x35: {  	[sflag:s0] =	ssyncadd.remote.s32 $0x1  }
0x36: {  	_ =	sfence.sel $0xFFFF  }
0x37: {  	[dreg:$0x0] =	wrdreg $0xFFFFFFFF;
	(pc) =	sbr.abs _section_cstart, $3  }
0x38: {  	[dreg:$0x1] =	wrdreg $0xFFFFFFFF  }
0x39: {  	_ =	task.clear_ibuf [dreg:s7], $0x2FFFF;
	_ =	strace $0x9FFFFFFF  }
0x3a: {  	(tm) =	ssettm $0x7FFFFFFF  }
0x3b: {  	_ =	shalt  }
tec
execute0_lowered:
.L_overlay_start_1:
0x0: {  	(tag) =	ssettag $0x1  }
0x1: {  	s0 =	srdreg.scid  }
0x2: {  	s1 =	sshll.u32 s0, $0x4  }
0x3: {  	s6 =	rddreg [dreg:$0x0];
	s0 =	stileid.u32;
	s1 =	sand.u32 $0x10, s1  }
0x4: {  	s3 =	rddreg [dreg:$0x1];
	s1 =	sor.u32 s0, s1  }
0x5: {  	s5 =	simm.s32 $0x1;
	s31 =	simm.s32 $0x2;
	s2 =	sshll.u32 s1, $0x7  }
0x6: {  	s15 =	simm.s32 $0x0;
	s8 =	simm.s32 $0x20000;
	s4 =	ssub.s32 $0x4000, s2  }
0x7: {  	s14 =	simm.s32 $0x0;
	s9 =	simm.s32 $0x0;
	s30 =	sand.u32 $0xF80, s4  }
0x8: {  	s10 =	simm.s32 $0x0;
	s11 =	simm.s32 $0x0;
	p0 =	sne.s32 s30, $0x0  }
.Ltmp0:
0x9: {  	s7 =	sshrl.u32 s4, $0xC;
	s5 =	simm.s32 @!p0 $0x0;
	(pc) =	sbr.rel .LBB1_1-.Ltmp0, $4  }
0xa: {  	s13 =	simm.s32 $0x0;
	s1 =	rddreg [dreg:$0x2];
	s5 =	sadd.s32 s5, s7  }
0xb: {  	_ =	strace $0x8000004A;
	s4 =	simm.s32 $0x1;
	s5 =	smul.u32 $0x23, s5  }
0xc: {  	s6 =	sadd.s32 $0xA00, s6;
	s12 =	smov.u32 s2;
	[sflag:s4] =	ssyncpa.u1 $0x0  }
0xd: {  	[sflag:s31] =	ssyncpa.u1 $0x0;
	p0 =	por $0x0, $0x0;
	s7 =	sadd.s32 $0x1, s5  }
.LBB1_4:
0xe: {  	s20 =	sshra.s32 s20, $0x2  }
0xf: {  	s28 =	sand.u32 $0x78, s10;
	s21 =	sshll.u32 s9, $0xE;
	s22 =	sshll.u32 s10, $0x3  }
0x10: {  	s24 =	sshll.u32 s9, $0x7;
	p1 =	sgt.s32 s9, $0x10C0;
	s30 =	sshra.s32 s9, $0x1F  }
0x11: {  	s26 =	sshra.s32 s10, $0x1F;
	s19 =	sadd.s32 s20, s19;
	s21 =	sand.u32 $0xFFFE0000, s21  }
0x12: {  	v5 =	vld [tilespmem:s17+$0xFFFFFFD0];
	[tilespmem:s18+$0x2040 ss:$0x81] =	vst.msk $0xffff, v4;
	s23 =	sand.u32 $0xFFFFFC00, s22;
	s29 =	sand.u32 $0x380, s24;
	s22 =	sand.u32 $0x3C00, s22  }
0x13: {  	v58 =	vld [tilespmem:s17+$0xFFFFFFE0];
	[tilespmem:s18+$0x2850 ss:$0x81] =	vst.msk $0xffff, v3;
	s21 =	sadd.s32 s23, s21;
	s20 =	sor.u32 s28, s22;
	s22 =	smov.u32 s9  }
0x14: {  	v59 =	vld [tilespmem:s17+$0xFFFFFFF0];
	[tilespmem:s18+$0x3060 ss:$0x81] =	vst.msk $0xffff, v2;
	s24 =	sand.u32 s30, s9;
	s21 =	sshrl.u32 s21, $0xE;
	s22 =	simm.s32 @!p1 $0x10C0  }
0x15: {  	v60 =	vld [tilespmem:s17+$0x0];
	[tilespmem:s18+$0x0 ss:$0x81] =	vst.msk $0xffff, v1;
	p1 =	sgt.s32 s10, $0x3F80;
	s31 =	ssub.s32 s22, s24;
	s22 =	smov.u32 s10  }
0x16: {  	v61 =	vld [tilespmem:s17+$0x10];
	[tilespmem:s19+$0x3870 ss:$0x81] =	vst.msk $0xffff, v0;
	s25 =	smulhi.u32 $0xED731, s21;
	s24 =	sand.u32 s26, s10;
	s22 =	simm.s32 @!p1 $0x3F80  }
0x17: {  	v62 =	vld [tilespmem:s17+$0x20];
	s20 =	sor.u32 s29, s20;
	[tilespmem:s19+$0x810 ss:$0x81] =	vst.msk $0xffff, v5;
	s27 =	sadd.s32 $0xFFFFEF40, s31;
	s22 =	ssub.s32 s22, s24  }
0x18: {  	v63 =	vld [tilespmem:s17+$0xFFFFFFC0];
	[tilespmem:s19+$0x1020 ss:$0x81] =	vst.msk $0xffff, v58;
	s18 =	ssub.s32 $0x1140, s31;
	s28 =	smul.u32 $0x1140, s25;
	s29 =	sadd.s32 $0xFFFFC080, s22  }
0x19: {  	[tilespmem:s19+$0x1830 ss:$0x81] =	vst.msk $0xffff, v59;
	p1 =	sgt.s32 s27, $0x7F;
	s22 =	ssub.s32 $0x4000, s22;
	p2 =	sgt.s32 s29, $0x7F  }
0x1a: {  	s30 =	sand.u32 $0x7, s10;
	[tilespmem:s19+$0x2040 ss:$0x81] =	vst.msk $0xffff, v60;
	s18 =	simm.s32 @p1 $0x0;
	s22 =	simm.s32 @p2 $0x0  }
0x1b: {  	s20 =	sshrl.u32 s20, $0x3;
	[tilespmem:s19+$0x2850 ss:$0x81] =	vst.msk $0xffff, v61;
	s17 =	ssub.s32 s21, s28;
	s18 =	smul.u32 s22, s18  }
0x1c: {  	[tilespmem:s19+$0x3060 ss:$0x81] =	vst.msk $0xffff, v62;
	s20 =	sadd.s32 s3, s20;
	s21 =	sshll.u32 s30, $0x12;
	s17 =	sshll.u32 s17, $0xB  }
0x1d: {  	[tilespmem:s19+$0x0 ss:$0x81] =	vst.msk $0xffff, v63;
	s31 =	sor.u32 $0x400, s21;
	s17 =	sadd.s32 s17, s20;
	s18 =	sand.u32 $0x3FFFFFFF, s18  }
0x1e: {  	[hbm4b:s17+s31] =	stream.strided.scatter [tilespmem:s16], [sflag:$0x2], s18, s8, s31, $0x20;
	[tilespmem:$0x10100] =	vst v63  }
.LBB1_5:
0x1f: {  	p1 =	slt.u32 s13, $0x2  }
0x20: {  	s17 =	smov.u32 s15;
	p2 =	sgt.s32 @!p1 s15, $0x10C0;
	s16 =	sshra.s32 @!p1 s15, $0x1F  }
0x21: {  	p3 =	sgt.s32 @!p1 s14, $0x3F80;
	s18 =	sshra.s32 @!p1 s14, $0x1F;
	p2 =	por !p2, p1  }
0x22: {  	s15 =	sand.u32 @!p1 s16, s15;
	p3 =	por !p3, p1;
	s16 =	smov.u32 s14  }
0x23: {  	s14 =	sand.u32 @!p1 s18, s14;
	s17 =	simm.s32 @p2 $0x10C0;
	s16 =	simm.s32 @p3 $0x3F80  }
0x24: {  	s15 =	ssub.s32 @!p1 s17, s15;
	s14 =	ssub.s32 @!p1 s16, s14  }
0x25: {  	s18 =	smov.u32 s12;
	s16 =	sadd.s32 @!p1 $0xFFFFEF40, s15;
	s17 =	sadd.s32 @!p1 $0xFFFFC080, s14  }
0x26: {  	s15 =	ssub.s32 @!p1 $0x1140, s15;
	p2 =	sgt.s32 @!p1 s16, $0x7F;
	p3 =	sgt.s32 @!p1 s17, $0x7F  }
0x27: {  	s14 =	ssub.s32 @!p1 $0x4000, s14;
	p2 =	por !p2, p1;
	p3 =	por !p3, p1  }
0x28: {  	s16 =	sadd.s32 $0x80, s11;
	s15 =	simm.s32 @!p2 $0x0;
	s14 =	simm.s32 @!p3 $0x0  }
0x29: {  	p2 =	sgt.s32 s16, $0x113F;
	s14 =	smul.u32 @!p1 s14, s15;
	s15 =	sadd.s32 $0x1000, s12  }
0x2a: {  	s18 =	smov.u32 @p2 s15  }
0x2b: {  	s16 =	simm.s32 @p2 $0x0;
	p2 =	sgt.s32 s18, $0x3FFF  }
0x2c: {  	s18 =	smov.u32 @p2 s2;
	p2 =	sne.s32 s13, s7  }
.Ltmp1:
0x2d: {  	p0 =	por !p0, !p0;
	s17 =	simm.s32 @!p1 $0x2;
	(pc) =	sbr.rel @!p2 .LBB1_6-.Ltmp1, $4  }
0x2e: {  	s15 =	smov.u32 s9;
	s9 =	smov.u32 s11;
	s14 =	sand.u32 @!p1 $0x3FFFFFFF, s14  }
0x2f: {  	s11 =	smov.u32 s16;
	_ =	swait.ge @!p1 [sflag:s17], s14;
	s19 =	ssub.s32 @!p1 $0x0, s14  }
0x30: {  	s14 =	smov.u32 s10;
	s13 =	sadd.s32 $0x1, s13;
	[sflag:s17] =	ssyncset.done @!p1 $0x0  }
0x31: {  	s10 =	smov.u32 s12;
	s12 =	smov.u32 s18;
	[sflag:s17] =	ssyncadd.s32 @!p1 s19  }
.LBB1_1:
0x32: {  	p1 =	sge.u32 s13, s5  }
0x33: {  	s16 =	sshrl.u32 @!p1 s12, $0x3  }
0x34: {  	s17 =	sshll.u32 @!p1 s11, $0x3;
	s16 =	smul.u32 @!p1 $0x8C00, s16  }
0x35: {  	s18 =	sshll.u32 @!p1 s12, $0x7;
	s17 =	sand.u32 @!p1 $0xFFFFFC00, s17  }
0x36: {  	s16 =	sadd.s32 @!p1 s16, s17;
	s17 =	sand.u32 @!p1 $0x380, s18  }
0x37: {  	s16 =	sor.u32 @!p1 s17, s16  }
0x38: {  	s17 =	sshrl.u32 @!p1 s16, $0x7  }
0x39: {  	s17 =	smulhi.u32 @!p1 $0x7507508, s17;
	_ =	sdelay $0x1  }
0x3a: {  	s18 =	sand.u32 @!p1 $0x7F, s11;
	s19 =	smul.u32 @!p1 $0x1180, s17  }
0x3b: {  	s31 =	sadd.s32 $0xFFFFFFFF, s13;
	s16 =	sor.u32 @!p1 s18, s16;
	s18 =	sxor.u32 @!p1 $0xFFFFFFFF, s13  }
0x3c: {  	s18 =	sshll.u32 @!p1 s18, $0xE;
	s17 =	sand.u32 @!p1 $0x3FFF, s17;
	s16 =	ssub.s32 @!p1 s16, s19  }
0x3d: {  	s17 =	smul.u32 @!p1 $0x230, s17;
	s19 =	sshrl.u32 @!p1 s16, $0x3;
	s16 =	sand.u32 @!p1 $0x7, s16  }
0x3e: {  	s18 =	sand.u32 @!p1 $0x4000, s18;
	s19 =	sadd.s32 @!p1 s6, s19;
	s16 =	sshll.u32 @!p1 s16, $0x12  }
0x3f: {  	s17 =	sadd.s32 @!p1 s17, s19;
	s16 =	sor.u32 @!p1 $0x400, s16;
	s19 =	simm.s32 @!p1 $0x8C00  }
0x40: {  	[tilespmem:s18], [sflag:$0x1] =	stream.strided.gather @!p1 [hbm4b:s17+s16], $0x4000, s19, s16, $0x38;
	[tilespmem:$0x10100] =	vst v63  }
0x41: {  	p1 =	sge.u32 s31, s5  }
.Ltmp2:
0x42: {  	_ = 	snop;
	(pc) =	sbr.rel @p1 .LBB1_5-.Ltmp2, $1  }
0x43: {  	_ =	sdelay $0x3  }
0x44: {  	s16 =	simm.s32 $0x1  }
0x45: {  	_ =	swait.ge [sflag:s4], $0x4000;
	s16 =	simm.s32 @!p0 $0x0  }
0x46: {  	[sflag:s4] =	ssyncset.done $0x0;
	s17 =	sshll.u32 s16, $0xE  }
0x47: {  	[sflag:s4] =	ssyncadd.s32 $0xFFFFC000;
	s17 =	sor.u32 $0x40, s17  }
0x48: {  	s16 =	smul.u32 $0x10200, s16;
	v0 =	vld [tilespmem:s17+$0x30]  }
0x49: {  	v1 =	vld [tilespmem:s17+$0xFFFFFFD0]  }
0x4a: {  	s16 =	sshrl.u32 s16, $0x2;
	v5 =	vld [tilespmem:s17+$0xFFFFFFE0]  }
0x4b: {  	v6 =	vld [tilespmem:s17+$0xFFFFFFF0];
	s19 =	sor.u32 $0x8000, s16  }
0x4c: {  	s31 =	sand.u32 $0x1, s13;
	v4 =	vld [tilespmem:s17+$0x0];
	s18 =	sadd.s32 $0x0, s19  }
0x4d: {  	v3 =	vld [tilespmem:s17+$0x10];
	s16 =	smul.u32 $0x10200, s31;
	[tilespmem:s18+$0x3870 ss:$0x81] =	vst.msk $0xffff, v0  }
0x4e: {  	v2 =	vld [tilespmem:s17+$0x20];
	[tilespmem:s18+$0x810 ss:$0x81] =	vst.msk $0xffff, v1  }
0x4f: {  	s16 =	sshrl.u32 s16, $0x2;
	v1 =	vld [tilespmem:s17+$0xFFFFFFC0];
	[tilespmem:s18+$0x1020 ss:$0x81] =	vst.msk $0xffff, v5;
	s17 =	sadd.s32 $0x80, s17  }
0x50: {  	s20 =	simm.s32 $0x4;
	s21 =	simm.s32 $0x8;
	s16 =	sor.u32 $0x8000, s16;
	[tilespmem:s18+$0x1830 ss:$0x81] =	vst.msk $0xffff, v6;
	v0 =	vld [tilespmem:s17+$0x30]  }
.LBB1_3:
0x51: {  	p1 =	sne.s32 s21, $0x1FC;
	v5 =	vld [tilespmem:s17+$0xFFFFFFD0];
	[tilespmem:s18+$0x2040 ss:$0x81] =	vst.msk $0xffff, v4  }
0x52: {  	v6 =	vld [tilespmem:s17+$0xFFFFFFE0];
	[tilespmem:s18+$0x2850 ss:$0x81] =	vst.msk $0xffff, v3  }
0x53: {  	s22 =	sshra.s32 s20, $0x2;
	s20 =	smov.u32 s21;
	v7 =	vld [tilespmem:s17+$0xFFFFFFF0];
	[tilespmem:s18+$0x3060 ss:$0x81] =	vst.msk $0xffff, v2  }
.Ltmp3:
0x54: {  	v4 =	vld [tilespmem:s17+$0x0];
	[tilespmem:s18+$0x0 ss:$0x81] =	vst.msk $0xffff, v1;
	s18 =	sadd.s32 s22, s19;
	(pc) =	sbr.rel @p1 .LBB1_3-.Ltmp3, $4  }
0x55: {  	v3 =	vld [tilespmem:s17+$0x10];
	[tilespmem:s18+$0x3870 ss:$0x81] =	vst.msk $0xffff, v0  }
0x56: {  	[tilespmem:s18+$0x810 ss:$0x81] =	vst.msk $0xffff, v5;
	v2 =	vld [tilespmem:s17+$0x20]  }
0x57: {  	v1 =	vld [tilespmem:s17+$0xFFFFFFC0];
	[tilespmem:s18+$0x1020 ss:$0x81] =	vst.msk $0xffff, v6;
	s17 =	sadd.s32 $0x80, s17  }
0x58: {  	s21 =	sadd.s32 $0x4, s21;
	v0 =	vld [tilespmem:s17+$0x30];
	[tilespmem:s18+$0x1830 ss:$0x81] =	vst.msk $0xffff, v7  }
.Ltmp4:
0x59: {  	_ = 	snop;
	(pc) =	sbr.rel .LBB1_4-.Ltmp4, $1  }
0x5a: {  	_ =	sdelay $0x3  }
.LBB1_6:
0x5b: {  	_ =	sfence.sel $0x180000  }
0x5c: {  	s2 =	simm.s32 $0x1;
	[bflag:$0x0] =	sbarrier.arrive $0xFFFF  }
0x5d: {  	s31 =	simm.s32 $0x2;
	[sflag:s2] =	ssyncpa.u1 $0x1  }
0x5e: {  	[sflag:s31] =	ssyncpa.u1 $0x1  }
0x5f: {  	p0 =	sne.s32 s0, $0x0;
	_ =	strace $0x9000004A  }
0x60: {  	s0 =	sadd.s32 @!p0 $0x100000, s1;
	[bflag:$0x2] =	sbarrier.arrive $0xFFFF  }
0x61: {  	[sflag:s0] =	ssyncadd.tile.s32 @!p0 $0x1;
	_ =	shalt  }
.Lfunc_end1:
_tile_overlayer_lowered:
.L_overlay_start_2:
0x62: {  	(tag) =	ssettag $0x2  }
0x63: {  	s0 =	rddreg [dreg:$0x0];
	s2 =	stileid.u32  }
0x64: {  	s1 =	rddreg [dreg:$0x1];
	p0 =	sne.s32 s2, $0x0  }
0x65: {  	s3 =	rddreg [dreg:$0x2];
	[bflag:$0x3] =	sbarrier.arrive $0xFFFF;
	s2 =	simm.s32 @!p0 $0x1C01  }
0x66: {  	[timem:s3], [sflag:s2] =	dma.local @!p0 [hbm:s0], s1  }
0x67: {  	s0 =	simm.s32 @!p0 $0x1  }
0x68: {  	_ =	swait.ge @!p0 [sflag:s0], s1  }
0x69: {  	s1 =	ssub.s32 @!p0 $0x0, s1;
	[sflag:s0] =	ssyncset.done @!p0 $0x0  }
0x6a: {  	[sflag:s0] =	ssyncadd.s32 @!p0 s1  }
0x6b: {  	[bflag:$0x3] =	sbarrier.arrive $0xFFFF  }
0x6c: {  	_ =	shalt  }

</sc_bundles>
